<compile_context>
chip_gen: v7x
topology: tpu7x:2x2x1
jax: 0.10.2.dev20260603
libtpu: 0.0.44.dev20260713+nightly
codegen_flags: <defaults>
</compile_context>

<pallas_src>
import functools

import jax
import jax.numpy as jnp
import numpy as np
from jax import lax
from jax.experimental import pallas as pl
from jax.experimental.pallas import tpu as pltpu
from jax.experimental.pallas import tpu_sc as plsc

_N = 2_000_000
_NW = 32
_NBINS = 15
_UNROLL = 8
_CBITS = 13
_ONE_ACC = (1 << _CBITS) + 1

_ROWS_SC = 81920
_RPW = _ROWS_SC // _NW
_CHUNK = 640
_N_CHUNKS = _RPW // _CHUNK

_TC_ROW0 = 10240
_TC_ROWS_TOTAL = _N // 128
_TC_BLOCK = 512
_TC_GRID = -(-(_TC_ROWS_TOTAL - _TC_ROW0) // _TC_BLOCK)

_BOUNDS = [float(v) for v in np.arange(16, dtype=np.float32)
           * np.float32(1.0 / 15.0)]

_MESH = plsc.VectorSubcoreMesh(core_axis_name="c", subcore_axis_name="s")


@functools.partial(
    pl.kernel,
    out_type=jax.ShapeDtypeStruct((_NW, 45, 16), jnp.float32),
    mesh=_MESH,
    compiler_params=pltpu.CompilerParams(needs_layout_passes=False),
    scratch_types=[
        pltpu.VMEM((_CHUNK * 16,), jnp.float32),
        pltpu.VMEM((_CHUNK * 16,), jnp.float32),
        pltpu.VMEM((_CHUNK * 16,), jnp.int32),
        pltpu.VMEM((_CHUNK * 16,), jnp.int32),
        pltpu.VMEM((_CHUNK * 16,), jnp.int32),
        pltpu.VMEM((_CHUNK * 16,), jnp.int32),
        pltpu.VMEM((272,), jnp.int32),
        pltpu.VMEM((272,), jnp.float32),
        pltpu.VMEM((45, 16), jnp.float32),
        pltpu.SemaphoreType.DMA,
        pltpu.SemaphoreType.DMA,
    ],
)
def _sc_ece(conf_hbm, pred_hbm, lab_hbm, out_hbm,
            cbuf0, cbuf1, pbuf0, pbuf1, lbuf0, lbuf1,
            acci, accs, sbuf, sem0, sem1):
    bufs = ((cbuf0, pbuf0, lbuf0), (cbuf1, pbuf1, lbuf1))
    wid = lax.axis_index("s") * 2 + lax.axis_index("c")
    base = wid * (_RPW * 16)

    zi = jnp.zeros((16,), jnp.int32)
    zf = jnp.zeros((16,), jnp.float32)
    for i in range(17):
        acci[pl.ds(i * 16, 16)] = zi
        accs[pl.ds(i * 16, 16)] = zf

    lane = lax.iota(jnp.int32, 16)
    lane16 = lane + 16
    delta = jnp.float32(1.0 / 15.0)
    sems = (sem0, sem1)

    def issue(k):
        b = k % 2
        cb, pb, lb = bufs[b]
        sl = pl.ds(base + k * (_CHUNK * 16), _CHUNK * 16)
        return (pltpu.async_copy(conf_hbm.at[sl], cb, sems[b]),
                pltpu.async_copy(pred_hbm.at[sl], pb, sems[b]),
                pltpu.async_copy(lab_hbm.at[sl], lb, sems[b]))

    def compute(k):
        cb, pb, lb = bufs[k % 2]

        @plsc.parallel_loop(0, _CHUNK, unroll=_UNROLL)
        def body(i):
            off = i * 16
            conf = cb[pl.ds(off, 16)]
            pred = pb[pl.ds(off, 16)]
            labv = lb[pl.ds(off, 16)]
            packed = jnp.where(pred == labv, _ONE_ACC, 1)
            b0 = (conf * 15.0 + 0.5).astype(jnp.int32)
            bound = b0.astype(jnp.float32) * delta
            adj = jnp.where(conf <= bound, lane, lane16)
            idx = b0 * 16 + adj
            plsc.addupdate_scatter(acci, [idx], packed)
            plsc.addupdate_scatter(accs, [idx], conf)

    copies = issue(0)
    for k in range(_N_CHUNKS):
        for c in copies:
            c.wait()
        if k + 1 < _N_CHUNKS:
            copies = issue(k + 1)
        compute(k)

    for bb in range(_NBINS):
        packed = acci[pl.ds((bb + 1) * 16, 16)]
        sbuf[bb] = (packed & ((1 << _CBITS) - 1)).astype(jnp.float32)
        sbuf[15 + bb] = accs[pl.ds((bb + 1) * 16, 16)]
        sbuf[30 + bb] = (packed >> _CBITS).astype(jnp.float32)
    pltpu.sync_copy(sbuf, out_hbm.at[wid])


def _tc_hist(c_ref, p_ref, l_ref, o_ref):
    step = pl.program_id(0)

    @pl.when(step == 0)
    def _():
        o_ref[...] = jnp.zeros_like(o_ref)

    conf = c_ref[...]
    acc = jnp.where(p_ref[...] == l_ref[...], 1.0, 0.0)
    row = (_TC_ROW0 + step * _TC_BLOCK
           + lax.broadcasted_iota(jnp.int32, conf.shape, 0))
    valid = row < _TC_ROWS_TOTAL
    b0 = (conf * 15.0 + 0.5).astype(jnp.int32)
    bound = b0.astype(jnp.float32) * jnp.float32(1.0 / 15.0)
    bi = b0 - jnp.where(conf <= bound, 1, 0)
    bi = jnp.where(valid, bi, -1)
    for bb in range(_NBINS):
        m = bi == bb
        mf = jnp.where(m, 1.0, 0.0)
        o_ref[bb, :] += jnp.sum(mf, axis=0)
        o_ref[15 + bb, :] += jnp.sum(jnp.where(m, conf, 0.0), axis=0)
        o_ref[30 + bb, :] += jnp.sum(mf * acc, axis=0)


def _tc_combine(p_ref, t_ref, o_ref):
    q = jnp.sum(p_ref[...], axis=0)
    s = jnp.sum(q, axis=1) + jnp.sum(t_ref[...], axis=1)
    count = s[0:15]
    sumc = s[15:30]
    suma = s[30:45]
    safe = jnp.maximum(count, 1.0)
    prop = count / float(_N)
    term = jnp.where(count > 0.0,
                     jnp.abs(sumc / safe - suma / safe) * prop, 0.0)
    o_ref[...] = jnp.sum(term).reshape(1, 1)


def kernel(confidences, predictions, labels):
    sc_partials = _sc_ece(confidences, predictions, labels)
    conf2 = confidences.reshape(_TC_ROWS_TOTAL, 128)
    pred2 = predictions.reshape(_TC_ROWS_TOTAL, 128)
    lab2 = labels.reshape(_TC_ROWS_TOTAL, 128)
    bspec = pl.BlockSpec((_TC_BLOCK, 128),
                         lambda i: (_TC_ROW0 // _TC_BLOCK + i, 0))
    tc_partials = pl.pallas_call(
        _tc_hist,
        grid=(_TC_GRID,),
        in_specs=[bspec, bspec, bspec],
        out_specs=pl.BlockSpec((45, 128), lambda i: (0, 0)),
        out_shape=jax.ShapeDtypeStruct((45, 128), jnp.float32),
    )(conf2, pred2, lab2)
    ece = pl.pallas_call(
        _tc_combine,
        out_shape=jax.ShapeDtypeStruct((1, 1), jnp.float32),
    )(sc_partials, tc_partials)
    return ece.reshape((1,))

# --- scband reference (transcript-rebuilt; emitter-appended) ---
"""Pipeline reference for scband-ece-2-52338471469097 (READ-ONLY COPY).

The authoritative reference and input builder live on the scoring server;
editing this copy changes nothing except your own understanding.
"""

import jax, jax.numpy as jnp
import numpy as np

N_BINS = 15
N = 2000000
NUM_CLASSES = 1000

def setup_inputs(seed: int = 0) -> dict:
    key = jax.random.key(seed)
    k1, k2, k3 = jax.random.split(key, 3)
    confidences = jax.random.uniform(k1, (N,), dtype=jnp.float32)
    predictions = jax.random.randint(k2, (N,), 0, NUM_CLASSES, dtype=jnp.int32)
    labels = jax.random.randint(k3, (N,), 0, NUM_CLASSES, dtype=jnp.int32)
    return {"confidences": confidences, "predictions": predictions, "labels": labels}

def reference(confidences, predictions, labels):
    accuracies = (predictions == labels).astype(jnp.float32)
    bin_boundaries = jnp.linspace(0.0, 1.0, N_BINS + 1)
    bin_lowers = bin_boundaries[:-1]
    bin_uppers = bin_boundaries[1:]
    n = confidences.shape[0]
    ece = jnp.zeros((1,), dtype=confidences.dtype)
    for i in range(N_BINS):
        in_bin = (confidences > bin_lowers[i]) & (confidences <= bin_uppers[i])
        in_bin_f = in_bin.astype(jnp.float32)
        count = jnp.sum(in_bin_f)
        prop_in_bin = count / n
        safe_count = jnp.maximum(count, 1.0)
        accuracy_in_bin = jnp.sum(accuracies * in_bin_f) / safe_count
        avg_confidence_in_bin = jnp.sum(confidences * in_bin_f) / safe_count
        term = jnp.where(count > 0, jnp.abs(avg_confidence_in_bin - accuracy_in_bin) * prop_in_bin, 0.0)
        ece = ece + term
    return ece

if __name__ == "__main__":
    import jax
    _d = setup_inputs()
    print(jax.jit(kernel)(*tuple(_d.values())))

</pallas_src>

<mosaic_0001>
#map = affine_map<(d0, d1) -> (0)>
#map1 = affine_map<(d0, d1) -> (0, 0, 0)>
module attributes {stable_mosaic.version = 14 : i64} {
  func.func @_sc_ece(%arg0: i32, %arg1: i32, %arg2: memref<2000000xf32, #tpu.memory_space<hbm>>, %arg3: memref<2000000xi32, #tpu.memory_space<hbm>>, %arg4: memref<2000000xi32, #tpu.memory_space<hbm>>, %arg5: memref<32x45x16xf32, #tpu.memory_space<hbm>>, %arg6: memref<10240xf32, #tpu.memory_space<vmem>>, %arg7: memref<10240xf32, #tpu.memory_space<vmem>>, %arg8: memref<10240xi32, #tpu.memory_space<vmem>>, %arg9: memref<10240xi32, #tpu.memory_space<vmem>>, %arg10: memref<10240xi32, #tpu.memory_space<vmem>>, %arg11: memref<10240xi32, #tpu.memory_space<vmem>>, %arg12: memref<272xi32, #tpu.memory_space<vmem>>, %arg13: memref<272xf32, #tpu.memory_space<vmem>>, %arg14: memref<45x16xf32, #tpu.memory_space<vmem>>, %arg15: memref<!tpu.dma_semaphore, #tpu.memory_space<semaphore_mem>>, %arg16: memref<!tpu.dma_semaphore, #tpu.memory_space<semaphore_mem>>) attributes {dimension_semantics = [#tpu.dimension_semantics<core_parallel>, #tpu.dimension_semantics<subcore_parallel>], iteration_bounds = array<i64: 2, 16>, scalar_prefetch = 0 : i64, scratch_operands = 11 : i64, tpu.core_type = #tpu.core_type<sc_vector_subcore>, window_params = [{transform_indices = #map}, {transform_indices = #map}, {transform_indices = #map}, {transform_indices = #map1}]} {
    %mul3A = arith.constant 2 : i32
    %mul3A_0 = arith.muli %arg1, %mul3A : i32
    %add3A = arith.addi %mul3A_0, %arg0 : i32
    %mul3A_1 = arith.constant 40960 : i32
    %mul3A_2 = arith.muli %add3A, %mul3A_1 : i32
    %broadcast_in_dim3A = arith.constant 0 : i32
    %broadcast_in_dim3A_3 = vector.broadcast %broadcast_in_dim3A : i32 to vector<16xi32>
    %broadcast_in_dim3A_4 = arith.constant 0.000000e+00 : f32
    %broadcast_in_dim3A_5 = vector.broadcast %broadcast_in_dim3A_4 : f32 to vector<16xf32>
    %swap3A = arith.constant 0 : index
    %swap3A_6 = tpu.vector_load %arg12[%swap3A] {strides = array<i32>} : memref<272xi32, #tpu.memory_space<vmem>>, vector<16xi32>,
    tpu.vector_store %arg12[%swap3A], %broadcast_in_dim3A_3 {strides = array<i32>} : memref<272xi32, #tpu.memory_space<vmem>>, vector<16xi32>,
    %swap3A_7 = arith.constant 0 : index
    %swap3A_8 = tpu.vector_load %arg13[%swap3A_7] {strides = array<i32>} : memref<272xf32, #tpu.memory_space<vmem>>, vector<16xf32>,
    tpu.vector_store %arg13[%swap3A_7], %broadcast_in_dim3A_5 {strides = array<i32>} : memref<272xf32, #tpu.memory_space<vmem>>, vector<16xf32>,
    %swap3A_9 = arith.constant 16 : index
    %swap3A_10 = tpu.vector_load %arg12[%swap3A_9] {strides = array<i32>} : memref<272xi32, #tpu.memory_space<vmem>>, vector<16xi32>,
    tpu.vector_store %arg12[%swap3A_9], %broadcast_in_dim3A_3 {strides = array<i32>} : memref<272xi32, #tpu.memory_space<vmem>>, vector<16xi32>,
    %swap3A_11 = arith.constant 16 : index
    %swap3A_12 = tpu.vector_load %arg13[%swap3A_11] {strides = array<i32>} : memref<272xf32, #tpu.memory_space<vmem>>, vector<16xf32>,
    tpu.vector_store %arg13[%swap3A_11], %broadcast_in_dim3A_5 {strides = array<i32>} : memref<272xf32, #tpu.memory_space<vmem>>, vector<16xf32>,
    %swap3A_13 = arith.constant 32 : index
    %swap3A_14 = tpu.vector_load %arg12[%swap3A_13] {strides = array<i32>} : memref<272xi32, #tpu.memory_space<vmem>>, vector<16xi32>,
    tpu.vector_store %arg12[%swap3A_13], %broadcast_in_dim3A_3 {strides = array<i32>} : memref<272xi32, #tpu.memory_space<vmem>>, vector<16xi32>,
    %swap3A_15 = arith.constant 32 : index
    %swap3A_16 = tpu.vector_load %arg13[%swap3A_15] {strides = array<i32>} : memref<272xf32, #tpu.memory_space<vmem>>, vector<16xf32>,
    tpu.vector_store %arg13[%swap3A_15], %broadcast_in_dim3A_5 {strides = array<i32>} : memref<272xf32, #tpu.memory_space<vmem>>, vector<16xf32>,
    %swap3A_17 = arith.constant 48 : index
    %swap3A_18 = tpu.vector_load %arg12[%swap3A_17] {strides = array<i32>} : memref<272xi32, #tpu.memory_space<vmem>>, vector<16xi32>,
    tpu.vector_store %arg12[%swap3A_17], %broadcast_in_dim3A_3 {strides = array<i32>} : memref<272xi32, #tpu.memory_space<vmem>>, vector<16xi32>,
    %swap3A_19 = arith.constant 48 : index
    %swap3A_20 = tpu.vector_load %arg13[%swap3A_19] {strides = array<i32>} : memref<272xf32, #tpu.memory_space<vmem>>, vector<16xf32>,
    tpu.vector_store %arg13[%swap3A_19], %broadcast_in_dim3A_5 {strides = array<i32>} : memref<272xf32, #tpu.memory_space<vmem>>, vector<16xf32>,
    %swap3A_21 = arith.constant 64 : index
    %swap3A_22 = tpu.vector_load %arg12[%swap3A_21] {strides = array<i32>} : memref<272xi32, #tpu.memory_space<vmem>>, vector<16xi32>,
    tpu.vector_store %arg12[%swap3A_21], %broadcast_in_dim3A_3 {strides = array<i32>} : memref<272xi32, #tpu.memory_space<vmem>>, vector<16xi32>,
    %swap3A_23 = arith.constant 64 : index
    %swap3A_24 = tpu.vector_load %arg13[%swap3A_23] {strides = array<i32>} : memref<272xf32, #tpu.memory_space<vmem>>, vector<16xf32>,
    tpu.vector_store %arg13[%swap3A_23], %broadcast_in_dim3A_5 {strides = array<i32>} : memref<272xf32, #tpu.memory_space<vmem>>, vector<16xf32>,
    %swap3A_25 = arith.constant 80 : index
    %swap3A_26 = tpu.vector_load %arg12[%swap3A_25] {strides = array<i32>} : memref<272xi32, #tpu.memory_space<vmem>>, vector<16xi32>,
    tpu.vector_store %arg12[%swap3A_25], %broadcast_in_dim3A_3 {strides = array<i32>} : memref<272xi32, #tpu.memory_space<vmem>>, vector<16xi32>,
    %swap3A_27 = arith.constant 80 : index
    %swap3A_28 = tpu.vector_load %arg13[%swap3A_27] {strides = array<i32>} : memref<272xf32, #tpu.memory_space<vmem>>, vector<16xf32>,
    tpu.vector_store %arg13[%swap3A_27], %broadcast_in_dim3A_5 {strides = array<i32>} : memref<272xf32, #tpu.memory_space<vmem>>, vector<16xf32>,
    %swap3A_29 = arith.constant 96 : index
    %swap3A_30 = tpu.vector_load %arg12[%swap3A_29] {strides = array<i32>} : memref<272xi32, #tpu.memory_space<vmem>>, vector<16xi32>,
    tpu.vector_store %arg12[%swap3A_29], %broadcast_in_dim3A_3 {strides = array<i32>} : memref<272xi32, #tpu.memory_space<vmem>>, vector<16xi32>,
    %swap3A_31 = arith.constant 96 : index
    %swap3A_32 = tpu.vector_load %arg13[%swap3A_31] {strides = array<i32>} : memref<272xf32, #tpu.memory_space<vmem>>, vector<16xf32>,
    tpu.vector_store %arg13[%swap3A_31], %broadcast_in_dim3A_5 {strides = array<i32>} : memref<272xf32, #tpu.memory_space<vmem>>, vector<16xf32>,
    %swap3A_33 = arith.constant 112 : index
    %swap3A_34 = tpu.vector_load %arg12[%swap3A_33] {strides = array<i32>} : memref<272xi32, #tpu.memory_space<vmem>>, vector<16xi32>,
    tpu.vector_store %arg12[%swap3A_33], %broadcast_in_dim3A_3 {strides = array<i32>} : memref<272xi32, #tpu.memory_space<vmem>>, vector<16xi32>,
    %swap3A_35 = arith.constant 112 : index
    %swap3A_36 = tpu.vector_load %arg13[%swap3A_35] {strides = array<i32>} : memref<272xf32, #tpu.memory_space<vmem>>, vector<16xf32>,
    tpu.vector_store %arg13[%swap3A_35], %broadcast_in_dim3A_5 {strides = array<i32>} : memref<272xf32, #tpu.memory_space<vmem>>, vector<16xf32>,
    %swap3A_37 = arith.constant 128 : index
    %swap3A_38 = tpu.vector_load %arg12[%swap3A_37] {strides = array<i32>} : memref<272xi32, #tpu.memory_space<vmem>>, vector<16xi32>,
    tpu.vector_store %arg12[%swap3A_37], %broadcast_in_dim3A_3 {strides = array<i32>} : memref<272xi32, #tpu.memory_space<vmem>>, vector<16xi32>,
    %swap3A_39 = arith.constant 128 : index
    %swap3A_40 = tpu.vector_load %arg13[%swap3A_39] {strides = array<i32>} : memref<272xf32, #tpu.memory_space<vmem>>, vector<16xf32>,
    tpu.vector_store %arg13[%swap3A_39], %broadcast_in_dim3A_5 {strides = array<i32>} : memref<272xf32, #tpu.memory_space<vmem>>, vector<16xf32>,
    %swap3A_41 = arith.constant 144 : index
    %swap3A_42 = tpu.vector_load %arg12[%swap3A_41] {strides = array<i32>} : memref<272xi32, #tpu.memory_space<vmem>>, vector<16xi32>,
    tpu.vector_store %arg12[%swap3A_41], %broadcast_in_dim3A_3 {strides = array<i32>} : memref<272xi32, #tpu.memory_space<vmem>>, vector<16xi32>,
    %swap3A_43 = arith.constant 144 : index
    %swap3A_44 = tpu.vector_load %arg13[%swap3A_43] {strides = array<i32>} : memref<272xf32, #tpu.memory_space<vmem>>, vector<16xf32>,
    tpu.vector_store %arg13[%swap3A_43], %broadcast_in_dim3A_5 {strides = array<i32>} : memref<272xf32, #tpu.memory_space<vmem>>, vector<16xf32>,
    %swap3A_45 = arith.constant 160 : index
    %swap3A_46 = tpu.vector_load %arg12[%swap3A_45] {strides = array<i32>} : memref<272xi32, #tpu.memory_space<vmem>>, vector<16xi32>,
    tpu.vector_store %arg12[%swap3A_45], %broadcast_in_dim3A_3 {strides = array<i32>} : memref<272xi32, #tpu.memory_space<vmem>>, vector<16xi32>,
    %swap3A_47 = arith.constant 160 : index
    %swap3A_48 = tpu.vector_load %arg13[%swap3A_47] {strides = array<i32>} : memref<272xf32, #tpu.memory_space<vmem>>, vector<16xf32>,
    tpu.vector_store %arg13[%swap3A_47], %broadcast_in_dim3A_5 {strides = array<i32>} : memref<272xf32, #tpu.memory_space<vmem>>, vector<16xf32>,
    %swap3A_49 = arith.constant 176 : index
    %swap3A_50 = tpu.vector_load %arg12[%swap3A_49] {strides = array<i32>} : memref<272xi32, #tpu.memory_space<vmem>>, vector<16xi32>,
    tpu.vector_store %arg12[%swap3A_49], %broadcast_in_dim3A_3 {strides = array<i32>} : memref<272xi32, #tpu.memory_space<vmem>>, vector<16xi32>,
    %swap3A_51 = arith.constant 176 : index
    %swap3A_52 = tpu.vector_load %arg13[%swap3A_51] {strides = array<i32>} : memref<272xf32, #tpu.memory_space<vmem>>, vector<16xf32>,
    tpu.vector_store %arg13[%swap3A_51], %broadcast_in_dim3A_5 {strides = array<i32>} : memref<272xf32, #tpu.memory_space<vmem>>, vector<16xf32>,
    %swap3A_53 = arith.constant 192 : index
    %swap3A_54 = tpu.vector_load %arg12[%swap3A_53] {strides = array<i32>} : memref<272xi32, #tpu.memory_space<vmem>>, vector<16xi32>,
    tpu.vector_store %arg12[%swap3A_53], %broadcast_in_dim3A_3 {strides = array<i32>} : memref<272xi32, #tpu.memory_space<vmem>>, vector<16xi32>,
    %swap3A_55 = arith.constant 192 : index
    %swap3A_56 = tpu.vector_load %arg13[%swap3A_55] {strides = array<i32>} : memref<272xf32, #tpu.memory_space<vmem>>, vector<16xf32>,
    tpu.vector_store %arg13[%swap3A_55], %broadcast_in_dim3A_5 {strides = array<i32>} : memref<272xf32, #tpu.memory_space<vmem>>, vector<16xf32>,
    %swap3A_57 = arith.constant 208 : index
    %swap3A_58 = tpu.vector_load %arg12[%swap3A_57] {strides = array<i32>} : memref<272xi32, #tpu.memory_space<vmem>>, vector<16xi32>,
    tpu.vector_store %arg12[%swap3A_57], %broadcast_in_dim3A_3 {strides = array<i32>} : memref<272xi32, #tpu.memory_space<vmem>>, vector<16xi32>,
    %swap3A_59 = arith.constant 208 : index
    %swap3A_60 = tpu.vector_load %arg13[%swap3A_59] {strides = array<i32>} : memref<272xf32, #tpu.memory_space<vmem>>, vector<16xf32>,
    tpu.vector_store %arg13[%swap3A_59], %broadcast_in_dim3A_5 {strides = array<i32>} : memref<272xf32, #tpu.memory_space<vmem>>, vector<16xf32>,
    %swap3A_61 = arith.constant 224 : index
    %swap3A_62 = tpu.vector_load %arg12[%swap3A_61] {strides = array<i32>} : memref<272xi32, #tpu.memory_space<vmem>>, vector<16xi32>,
    tpu.vector_store %arg12[%swap3A_61], %broadcast_in_dim3A_3 {strides = array<i32>} : memref<272xi32, #tpu.memory_space<vmem>>, vector<16xi32>,
    %swap3A_63 = arith.constant 224 : index
    %swap3A_64 = tpu.vector_load %arg13[%swap3A_63] {strides = array<i32>} : memref<272xf32, #tpu.memory_space<vmem>>, vector<16xf32>,
    tpu.vector_store %arg13[%swap3A_63], %broadcast_in_dim3A_5 {strides = array<i32>} : memref<272xf32, #tpu.memory_space<vmem>>, vector<16xf32>,
    %swap3A_65 = arith.constant 240 : index
    %swap3A_66 = tpu.vector_load %arg12[%swap3A_65] {strides = array<i32>} : memref<272xi32, #tpu.memory_space<vmem>>, vector<16xi32>,
    tpu.vector_store %arg12[%swap3A_65], %broadcast_in_dim3A_3 {strides = array<i32>} : memref<272xi32, #tpu.memory_space<vmem>>, vector<16xi32>,
    %swap3A_67 = arith.constant 240 : index
    %swap3A_68 = tpu.vector_load %arg13[%swap3A_67] {strides = array<i32>} : memref<272xf32, #tpu.memory_space<vmem>>, vector<16xf32>,
    tpu.vector_store %arg13[%swap3A_67], %broadcast_in_dim3A_5 {strides = array<i32>} : memref<272xf32, #tpu.memory_space<vmem>>, vector<16xf32>,
    %swap3A_69 = arith.constant 256 : index
    %swap3A_70 = tpu.vector_load %arg12[%swap3A_69] {strides = array<i32>} : memref<272xi32, #tpu.memory_space<vmem>>, vector<16xi32>,
    tpu.vector_store %arg12[%swap3A_69], %broadcast_in_dim3A_3 {strides = array<i32>} : memref<272xi32, #tpu.memory_space<vmem>>, vector<16xi32>,
    %swap3A_71 = arith.constant 256 : index
    %swap3A_72 = tpu.vector_load %arg13[%swap3A_71] {strides = array<i32>} : memref<272xf32, #tpu.memory_space<vmem>>, vector<16xf32>,
    tpu.vector_store %arg13[%swap3A_71], %broadcast_in_dim3A_5 {strides = array<i32>} : memref<272xf32, #tpu.memory_space<vmem>>, vector<16xf32>,
    %iota3A = tpu.iota {dimensions = array<i32: 0>} : vector<16xi32>
    %add3A_73 = arith.constant 16 : i32
    %add3A_74 = vector.broadcast %add3A_73 : i32 to vector<16xi32>
    %add3A_75 = arith.addi %iota3A, %add3A_74 : vector<16xi32>
    %add3A_76 = arith.constant 0 : i32
    %add3A_77 = arith.addi %mul3A_2, %add3A_76 : i32
    %dma_start3A = tpu.memref_slice %arg2[%add3A_77] : memref<2000000xf32, #tpu.memory_space<hbm>> -> memref<10240xf32, #tpu.memory_space<hbm>>
    %dma_start3A_78 = tpu.memref_slice %arg2[%add3A_77] : memref<2000000xf32, #tpu.memory_space<hbm>> -> memref<10240xf32, #tpu.memory_space<hbm>>
    tpu.enqueue_dma source(%dma_start3A_78 : memref<10240xf32, #tpu.memory_space<hbm>>) target(%arg6 : memref<10240xf32, #tpu.memory_space<vmem>>) target_semaphore(%arg15 : memref<!tpu.dma_semaphore, #tpu.memory_space<semaphore_mem>>)
    %dma_start3A_79 = tpu.memref_slice %arg3[%add3A_77] : memref<2000000xi32, #tpu.memory_space<hbm>> -> memref<10240xi32, #tpu.memory_space<hbm>>
    %dma_start3A_80 = tpu.memref_slice %arg3[%add3A_77] : memref<2000000xi32, #tpu.memory_space<hbm>> -> memref<10240xi32, #tpu.memory_space<hbm>>
    tpu.enqueue_dma source(%dma_start3A_80 : memref<10240xi32, #tpu.memory_space<hbm>>) target(%arg8 : memref<10240xi32, #tpu.memory_space<vmem>>) target_semaphore(%arg15 : memref<!tpu.dma_semaphore, #tpu.memory_space<semaphore_mem>>)
    %dma_start3A_81 = tpu.memref_slice %arg4[%add3A_77] : memref<2000000xi32, #tpu.memory_space<hbm>> -> memref<10240xi32, #tpu.memory_space<hbm>>
    %dma_start3A_82 = tpu.memref_slice %arg4[%add3A_77] : memref<2000000xi32, #tpu.memory_space<hbm>> -> memref<10240xi32, #tpu.memory_space<hbm>>
    tpu.enqueue_dma source(%dma_start3A_82 : memref<10240xi32, #tpu.memory_space<hbm>>) target(%arg10 : memref<10240xi32, #tpu.memory_space<vmem>>) target_semaphore(%arg15 : memref<!tpu.dma_semaphore, #tpu.memory_space<semaphore_mem>>)
    %dma_wait3A = tpu.memref_slice %arg2[%add3A_77] : memref<2000000xf32, #tpu.memory_space<hbm>> -> memref<10240xf32, #tpu.memory_space<hbm>>
    %dma_wait3A_83 = tpu.memref_slice %arg2[%add3A_77] : memref<2000000xf32, #tpu.memory_space<hbm>> -> memref<10240xf32, #tpu.memory_space<hbm>>
    tpu.wait_dma2 semaphore(%arg15 : memref<!tpu.dma_semaphore, #tpu.memory_space<semaphore_mem>>) src(%dma_wait3A_83 : memref<10240xf32, #tpu.memory_space<hbm>>) dst(%arg6 : memref<10240xf32, #tpu.memory_space<vmem>>)
    %dma_wait3A_84 = tpu.memref_slice %arg3[%add3A_77] : memref<2000000xi32, #tpu.memory_space<hbm>> -> memref<10240xi32, #tpu.memory_space<hbm>>
    %dma_wait3A_85 = tpu.memref_slice %arg3[%add3A_77] : memref<2000000xi32, #tpu.memory_space<hbm>> -> memref<10240xi32, #tpu.memory_space<hbm>>
    tpu.wait_dma2 semaphore(%arg15 : memref<!tpu.dma_semaphore, #tpu.memory_space<semaphore_mem>>) src(%dma_wait3A_85 : memref<10240xi32, #tpu.memory_space<hbm>>) dst(%arg8 : memref<10240xi32, #tpu.memory_space<vmem>>)
    %dma_wait3A_86 = tpu.memref_slice %arg4[%add3A_77] : memref<2000000xi32, #tpu.memory_space<hbm>> -> memref<10240xi32, #tpu.memory_space<hbm>>
    %dma_wait3A_87 = tpu.memref_slice %arg4[%add3A_77] : memref<2000000xi32, #tpu.memory_space<hbm>> -> memref<10240xi32, #tpu.memory_space<hbm>>
    tpu.wait_dma2 semaphore(%arg15 : memref<!tpu.dma_semaphore, #tpu.memory_space<semaphore_mem>>) src(%dma_wait3A_87 : memref<10240xi32, #tpu.memory_space<hbm>>) dst(%arg10 : memref<10240xi32, #tpu.memory_space<vmem>>)
    %add3A_88 = arith.constant 10240 : i32
    %add3A_89 = arith.addi %mul3A_2, %add3A_88 : i32
    %dma_start3A_90 = tpu.memref_slice %arg2[%add3A_89] : memref<2000000xf32, #tpu.memory_space<hbm>> -> memref<10240xf32, #tpu.memory_space<hbm>>
    %dma_start3A_91 = tpu.memref_slice %arg2[%add3A_89] : memref<2000000xf32, #tpu.memory_space<hbm>> -> memref<10240xf32, #tpu.memory_space<hbm>>
    tpu.enqueue_dma source(%dma_start3A_91 : memref<10240xf32, #tpu.memory_space<hbm>>) target(%arg7 : memref<10240xf32, #tpu.memory_space<vmem>>) target_semaphore(%arg16 : memref<!tpu.dma_semaphore, #tpu.memory_space<semaphore_mem>>)
    %dma_start3A_92 = tpu.memref_slice %arg3[%add3A_89] : memref<2000000xi32, #tpu.memory_space<hbm>> -> memref<10240xi32, #tpu.memory_space<hbm>>
    %dma_start3A_93 = tpu.memref_slice %arg3[%add3A_89] : memref<2000000xi32, #tpu.memory_space<hbm>> -> memref<10240xi32, #tpu.memory_space<hbm>>
    tpu.enqueue_dma source(%dma_start3A_93 : memref<10240xi32, #tpu.memory_space<hbm>>) target(%arg9 : memref<10240xi32, #tpu.memory_space<vmem>>) target_semaphore(%arg16 : memref<!tpu.dma_semaphore, #tpu.memory_space<semaphore_mem>>)
    %dma_start3A_94 = tpu.memref_slice %arg4[%add3A_89] : memref<2000000xi32, #tpu.memory_space<hbm>> -> memref<10240xi32, #tpu.memory_space<hbm>>
    %dma_start3A_95 = tpu.memref_slice %arg4[%add3A_89] : memref<2000000xi32, #tpu.memory_space<hbm>> -> memref<10240xi32, #tpu.memory_space<hbm>>
    tpu.enqueue_dma source(%dma_start3A_95 : memref<10240xi32, #tpu.memory_space<hbm>>) target(%arg11 : memref<10240xi32, #tpu.memory_space<vmem>>) target_semaphore(%arg16 : memref<!tpu.dma_semaphore, #tpu.memory_space<semaphore_mem>>)
    %parallel_loop3A = arith.constant 0 : i32
    %parallel_loop3A_96 = arith.constant 640 : i32
    %parallel_loop3A_97 = arith.constant 1 : i32
    %parallel_loop3A_98 = arith.constant 0.0666666701 : f32
    scf.for %parallel_loop3A_501 = %parallel_loop3A to %parallel_loop3A_96 step %parallel_loop3A_97  : i32 {
      %parallel_loop3A_502 = arith.constant 16 : i32
      %parallel_loop3A_503 = arith.muli %parallel_loop3A_501, %parallel_loop3A_502 : i32
      %parallel_loop3A_504 = arith.index_cast %parallel_loop3A_503 : i32 to index
      %parallel_loop3A_505 = tpu.vector_load %arg6[%parallel_loop3A_504] {strides = array<i32>} : memref<10240xf32, #tpu.memory_space<vmem>>, vector<16xf32>,
      %parallel_loop3A_506 = arith.index_cast %parallel_loop3A_503 : i32 to index
      %parallel_loop3A_507 = tpu.vector_load %arg8[%parallel_loop3A_506] {strides = array<i32>} : memref<10240xi32, #tpu.memory_space<vmem>>, vector<16xi32>,
      %parallel_loop3A_508 = arith.index_cast %parallel_loop3A_503 : i32 to index
      %parallel_loop3A_509 = tpu.vector_load %arg10[%parallel_loop3A_508] {strides = array<i32>} : memref<10240xi32, #tpu.memory_space<vmem>>, vector<16xi32>,
      %parallel_loop3A_510 = arith.cmpi eq, %parallel_loop3A_507, %parallel_loop3A_509 : vector<16xi32>
      %parallel_loop3A_511 = arith.constant 8193 : i32
      %parallel_loop3A_512 = arith.constant 1 : i32
      %parallel_loop3A_513 = vector.broadcast %parallel_loop3A_511 : i32 to vector<16xi32>
      %parallel_loop3A_514 = vector.broadcast %parallel_loop3A_512 : i32 to vector<16xi32>
      %parallel_loop3A_515 = arith.select %parallel_loop3A_510, %parallel_loop3A_513, %parallel_loop3A_514 : vector<16xi1>, vector<16xi32>
      %parallel_loop3A_516 = arith.constant 1.500000e+01 : f32
      %parallel_loop3A_517 = vector.broadcast %parallel_loop3A_516 : f32 to vector<16xf32>
      %parallel_loop3A_518 = arith.mulf %parallel_loop3A_505, %parallel_loop3A_517 : vector<16xf32>
      %parallel_loop3A_519 = arith.constant 5.000000e-01 : f32
      %parallel_loop3A_520 = vector.broadcast %parallel_loop3A_519 : f32 to vector<16xf32>
      %parallel_loop3A_521 = arith.addf %parallel_loop3A_518, %parallel_loop3A_520 : vector<16xf32>
      %parallel_loop3A_522 = arith.fptosi %parallel_loop3A_521 : vector<16xf32> to vector<16xi32>
      %parallel_loop3A_523 = arith.sitofp %parallel_loop3A_522 : vector<16xi32> to vector<16xf32>
      %parallel_loop3A_524 = vector.broadcast %parallel_loop3A_98 : f32 to vector<16xf32>
      %parallel_loop3A_525 = arith.mulf %parallel_loop3A_523, %parallel_loop3A_524 : vector<16xf32>
      %parallel_loop3A_526 = arith.cmpf ole, %parallel_loop3A_505, %parallel_loop3A_525 : vector<16xf32>
      %parallel_loop3A_527 = arith.select %parallel_loop3A_526, %iota3A, %add3A_75 : vector<16xi1>, vector<16xi32>
      %parallel_loop3A_528 = arith.constant 16 : i32
      %parallel_loop3A_529 = vector.broadcast %parallel_loop3A_528 : i32 to vector<16xi32>
      %parallel_loop3A_530 = arith.muli %parallel_loop3A_522, %parallel_loop3A_529 : vector<16xi32>
      %parallel_loop3A_531 = arith.addi %parallel_loop3A_530, %parallel_loop3A_527 : vector<16xi32>
      tpu.vector_store_idx %arg12[%parallel_loop3A_531], %parallel_loop3A_515 {add = true} : memref<272xi32, #tpu.memory_space<vmem>>[vector<16xi32>], vector<16xi32>,
      tpu.vector_store_idx %arg13[%parallel_loop3A_531], %parallel_loop3A_505 {add = true} : memref<272xf32, #tpu.memory_space<vmem>>[vector<16xi32>], vector<16xf32>,
    } {sc.loop_unroll_factor = 8 : i64, sc.parallel_access}
    %dma_wait3A_99 = tpu.memref_slice %arg2[%add3A_89] : memref<2000000xf32, #tpu.memory_space<hbm>> -> memref<10240xf32, #tpu.memory_space<hbm>>
    %dma_wait3A_100 = tpu.memref_slice %arg2[%add3A_89] : memref<2000000xf32, #tpu.memory_space<hbm>> -> memref<10240xf32, #tpu.memory_space<hbm>>
    tpu.wait_dma2 semaphore(%arg16 : memref<!tpu.dma_semaphore, #tpu.memory_space<semaphore_mem>>) src(%dma_wait3A_100 : memref<10240xf32, #tpu.memory_space<hbm>>) dst(%arg7 : memref<10240xf32, #tpu.memory_space<vmem>>)
    %dma_wait3A_101 = tpu.memref_slice %arg3[%add3A_89] : memref<2000000xi32, #tpu.memory_space<hbm>> -> memref<10240xi32, #tpu.memory_space<hbm>>
    %dma_wait3A_102 = tpu.memref_slice %arg3[%add3A_89] : memref<2000000xi32, #tpu.memory_space<hbm>> -> memref<10240xi32, #tpu.memory_space<hbm>>
    tpu.wait_dma2 semaphore(%arg16 : memref<!tpu.dma_semaphore, #tpu.memory_space<semaphore_mem>>) src(%dma_wait3A_102 : memref<10240xi32, #tpu.memory_space<hbm>>) dst(%arg9 : memref<10240xi32, #tpu.memory_space<vmem>>)
    %dma_wait3A_103 = tpu.memref_slice %arg4[%add3A_89] : memref<2000000xi32, #tpu.memory_space<hbm>> -> memref<10240xi32, #tpu.memory_space<hbm>>
    %dma_wait3A_104 = tpu.memref_slice %arg4[%add3A_89] : memref<2000000xi32, #tpu.memory_space<hbm>> -> memref<10240xi32, #tpu.memory_space<hbm>>
    tpu.wait_dma2 semaphore(%arg16 : memref<!tpu.dma_semaphore, #tpu.memory_space<semaphore_mem>>) src(%dma_wait3A_104 : memref<10240xi32, #tpu.memory_space<hbm>>) dst(%arg11 : memref<10240xi32, #tpu.memory_space<vmem>>)
    %add3A_105 = arith.constant 20480 : i32
    %add3A_106 = arith.addi %mul3A_2, %add3A_105 : i32
    %dma_start3A_107 = tpu.memref_slice %arg2[%add3A_106] : memref<2000000xf32, #tpu.memory_space<hbm>> -> memref<10240xf32, #tpu.memory_space<hbm>>
    %dma_start3A_108 = tpu.memref_slice %arg2[%add3A_106] : memref<2000000xf32, #tpu.memory_space<hbm>> -> memref<10240xf32, #tpu.memory_space<hbm>>
    tpu.enqueue_dma source(%dma_start3A_108 : memref<10240xf32, #tpu.memory_space<hbm>>) target(%arg6 : memref<10240xf32, #tpu.memory_space<vmem>>) target_semaphore(%arg15 : memref<!tpu.dma_semaphore, #tpu.memory_space<semaphore_mem>>)
    %dma_start3A_109 = tpu.memref_slice %arg3[%add3A_106] : memref<2000000xi32, #tpu.memory_space<hbm>> -> memref<10240xi32, #tpu.memory_space<hbm>>
    %dma_start3A_110 = tpu.memref_slice %arg3[%add3A_106] : memref<2000000xi32, #tpu.memory_space<hbm>> -> memref<10240xi32, #tpu.memory_space<hbm>>
    tpu.enqueue_dma source(%dma_start3A_110 : memref<10240xi32, #tpu.memory_space<hbm>>) target(%arg8 : memref<10240xi32, #tpu.memory_space<vmem>>) target_semaphore(%arg15 : memref<!tpu.dma_semaphore, #tpu.memory_space<semaphore_mem>>)
    %dma_start3A_111 = tpu.memref_slice %arg4[%add3A_106] : memref<2000000xi32, #tpu.memory_space<hbm>> -> memref<10240xi32, #tpu.memory_space<hbm>>
    %dma_start3A_112 = tpu.memref_slice %arg4[%add3A_106] : memref<2000000xi32, #tpu.memory_space<hbm>> -> memref<10240xi32, #tpu.memory_space<hbm>>
    tpu.enqueue_dma source(%dma_start3A_112 : memref<10240xi32, #tpu.memory_space<hbm>>) target(%arg10 : memref<10240xi32, #tpu.memory_space<vmem>>) target_semaphore(%arg15 : memref<!tpu.dma_semaphore, #tpu.memory_space<semaphore_mem>>)
    %parallel_loop3A_113 = arith.constant 0 : i32
    %parallel_loop3A_114 = arith.constant 640 : i32
    %parallel_loop3A_115 = arith.constant 1 : i32
    %parallel_loop3A_116 = arith.constant 0.0666666701 : f32
    scf.for %parallel_loop3A_501 = %parallel_loop3A_113 to %parallel_loop3A_114 step %parallel_loop3A_115  : i32 {
      %parallel_loop3A_502 = arith.constant 16 : i32
      %parallel_loop3A_503 = arith.muli %parallel_loop3A_501, %parallel_loop3A_502 : i32
      %parallel_loop3A_504 = arith.index_cast %parallel_loop3A_503 : i32 to index
      %parallel_loop3A_505 = tpu.vector_load %arg7[%parallel_loop3A_504] {strides = array<i32>} : memref<10240xf32, #tpu.memory_space<vmem>>, vector<16xf32>,
      %parallel_loop3A_506 = arith.index_cast %parallel_loop3A_503 : i32 to index
      %parallel_loop3A_507 = tpu.vector_load %arg9[%parallel_loop3A_506] {strides = array<i32>} : memref<10240xi32, #tpu.memory_space<vmem>>, vector<16xi32>,
      %parallel_loop3A_508 = arith.index_cast %parallel_loop3A_503 : i32 to index
      %parallel_loop3A_509 = tpu.vector_load %arg11[%parallel_loop3A_508] {strides = array<i32>} : memref<10240xi32, #tpu.memory_space<vmem>>, vector<16xi32>,
      %parallel_loop3A_510 = arith.cmpi eq, %parallel_loop3A_507, %parallel_loop3A_509 : vector<16xi32>
      %parallel_loop3A_511 = arith.constant 8193 : i32
      %parallel_loop3A_512 = arith.constant 1 : i32
      %parallel_loop3A_513 = vector.broadcast %parallel_loop3A_511 : i32 to vector<16xi32>
      %parallel_loop3A_514 = vector.broadcast %parallel_loop3A_512 : i32 to vector<16xi32>
      %parallel_loop3A_515 = arith.select %parallel_loop3A_510, %parallel_loop3A_513, %parallel_loop3A_514 : vector<16xi1>, vector<16xi32>
      %parallel_loop3A_516 = arith.constant 1.500000e+01 : f32
      %parallel_loop3A_517 = vector.broadcast %parallel_loop3A_516 : f32 to vector<16xf32>
      %parallel_loop3A_518 = arith.mulf %parallel_loop3A_505, %parallel_loop3A_517 : vector<16xf32>
      %parallel_loop3A_519 = arith.constant 5.000000e-01 : f32
      %parallel_loop3A_520 = vector.broadcast %parallel_loop3A_519 : f32 to vector<16xf32>
      %parallel_loop3A_521 = arith.addf %parallel_loop3A_518, %parallel_loop3A_520 : vector<16xf32>
      %parallel_loop3A_522 = arith.fptosi %parallel_loop3A_521 : vector<16xf32> to vector<16xi32>
      %parallel_loop3A_523 = arith.sitofp %parallel_loop3A_522 : vector<16xi32> to vector<16xf32>
      %parallel_loop3A_524 = vector.broadcast %parallel_loop3A_116 : f32 to vector<16xf32>
      %parallel_loop3A_525 = arith.mulf %parallel_loop3A_523, %parallel_loop3A_524 : vector<16xf32>
      %parallel_loop3A_526 = arith.cmpf ole, %parallel_loop3A_505, %parallel_loop3A_525 : vector<16xf32>
      %parallel_loop3A_527 = arith.select %parallel_loop3A_526, %iota3A, %add3A_75 : vector<16xi1>, vector<16xi32>
      %parallel_loop3A_528 = arith.constant 16 : i32
      %parallel_loop3A_529 = vector.broadcast %parallel_loop3A_528 : i32 to vector<16xi32>
      %parallel_loop3A_530 = arith.muli %parallel_loop3A_522, %parallel_loop3A_529 : vector<16xi32>
      %parallel_loop3A_531 = arith.addi %parallel_loop3A_530, %parallel_loop3A_527 : vector<16xi32>
      tpu.vector_store_idx %arg12[%parallel_loop3A_531], %parallel_loop3A_515 {add = true} : memref<272xi32, #tpu.memory_space<vmem>>[vector<16xi32>], vector<16xi32>,
      tpu.vector_store_idx %arg13[%parallel_loop3A_531], %parallel_loop3A_505 {add = true} : memref<272xf32, #tpu.memory_space<vmem>>[vector<16xi32>], vector<16xf32>,
    } {sc.loop_unroll_factor = 8 : i64, sc.parallel_access}
    %dma_wait3A_117 = tpu.memref_slice %arg2[%add3A_106] : memref<2000000xf32, #tpu.memory_space<hbm>> -> memref<10240xf32, #tpu.memory_space<hbm>>
    %dma_wait3A_118 = tpu.memref_slice %arg2[%add3A_106] : memref<2000000xf32, #tpu.memory_space<hbm>> -> memref<10240xf32, #tpu.memory_space<hbm>>
    tpu.wait_dma2 semaphore(%arg15 : memref<!tpu.dma_semaphore, #tpu.memory_space<semaphore_mem>>) src(%dma_wait3A_118 : memref<10240xf32, #tpu.memory_space<hbm>>) dst(%arg6 : memref<10240xf32, #tpu.memory_space<vmem>>)
    %dma_wait3A_119 = tpu.memref_slice %arg3[%add3A_106] : memref<2000000xi32, #tpu.memory_space<hbm>> -> memref<10240xi32, #tpu.memory_space<hbm>>
    %dma_wait3A_120 = tpu.memref_slice %arg3[%add3A_106] : memref<2000000xi32, #tpu.memory_space<hbm>> -> memref<10240xi32, #tpu.memory_space<hbm>>
    tpu.wait_dma2 semaphore(%arg15 : memref<!tpu.dma_semaphore, #tpu.memory_space<semaphore_mem>>) src(%dma_wait3A_120 : memref<10240xi32, #tpu.memory_space<hbm>>) dst(%arg8 : memref<10240xi32, #tpu.memory_space<vmem>>)
    %dma_wait3A_121 = tpu.memref_slice %arg4[%add3A_106] : memref<2000000xi32, #tpu.memory_space<hbm>> -> memref<10240xi32, #tpu.memory_space<hbm>>
    %dma_wait3A_122 = tpu.memref_slice %arg4[%add3A_106] : memref<2000000xi32, #tpu.memory_space<hbm>> -> memref<10240xi32, #tpu.memory_space<hbm>>
    tpu.wait_dma2 semaphore(%arg15 : memref<!tpu.dma_semaphore, #tpu.memory_space<semaphore_mem>>) src(%dma_wait3A_122 : memref<10240xi32, #tpu.memory_space<hbm>>) dst(%arg10 : memref<10240xi32, #tpu.memory_space<vmem>>)
    %add3A_123 = arith.constant 30720 : i32
    %add3A_124 = arith.addi %mul3A_2, %add3A_123 : i32
    %dma_start3A_125 = tpu.memref_slice %arg2[%add3A_124] : memref<2000000xf32, #tpu.memory_space<hbm>> -> memref<10240xf32, #tpu.memory_space<hbm>>
    %dma_start3A_126 = tpu.memref_slice %arg2[%add3A_124] : memref<2000000xf32, #tpu.memory_space<hbm>> -> memref<10240xf32, #tpu.memory_space<hbm>>
    tpu.enqueue_dma source(%dma_start3A_126 : memref<10240xf32, #tpu.memory_space<hbm>>) target(%arg7 : memref<10240xf32, #tpu.memory_space<vmem>>) target_semaphore(%arg16 : memref<!tpu.dma_semaphore, #tpu.memory_space<semaphore_mem>>)
    %dma_start3A_127 = tpu.memref_slice %arg3[%add3A_124] : memref<2000000xi32, #tpu.memory_space<hbm>> -> memref<10240xi32, #tpu.memory_space<hbm>>
    %dma_start3A_128 = tpu.memref_slice %arg3[%add3A_124] : memref<2000000xi32, #tpu.memory_space<hbm>> -> memref<10240xi32, #tpu.memory_space<hbm>>
    tpu.enqueue_dma source(%dma_start3A_128 : memref<10240xi32, #tpu.memory_space<hbm>>) target(%arg9 : memref<10240xi32, #tpu.memory_space<vmem>>) target_semaphore(%arg16 : memref<!tpu.dma_semaphore, #tpu.memory_space<semaphore_mem>>)
    %dma_start3A_129 = tpu.memref_slice %arg4[%add3A_124] : memref<2000000xi32, #tpu.memory_space<hbm>> -> memref<10240xi32, #tpu.memory_space<hbm>>
    %dma_start3A_130 = tpu.memref_slice %arg4[%add3A_124] : memref<2000000xi32, #tpu.memory_space<hbm>> -> memref<10240xi32, #tpu.memory_space<hbm>>
    tpu.enqueue_dma source(%dma_start3A_130 : memref<10240xi32, #tpu.memory_space<hbm>>) target(%arg11 : memref<10240xi32, #tpu.memory_space<vmem>>) target_semaphore(%arg16 : memref<!tpu.dma_semaphore, #tpu.memory_space<semaphore_mem>>)
    %parallel_loop3A_131 = arith.constant 0 : i32
    %parallel_loop3A_132 = arith.constant 640 : i32
    %parallel_loop3A_133 = arith.constant 1 : i32
    %parallel_loop3A_134 = arith.constant 0.0666666701 : f32
    scf.for %parallel_loop3A_501 = %parallel_loop3A_131 to %parallel_loop3A_132 step %parallel_loop3A_133  : i32 {
      %parallel_loop3A_502 = arith.constant 16 : i32
      %parallel_loop3A_503 = arith.muli %parallel_loop3A_501, %parallel_loop3A_502 : i32
      %parallel_loop3A_504 = arith.index_cast %parallel_loop3A_503 : i32 to index
      %parallel_loop3A_505 = tpu.vector_load %arg6[%parallel_loop3A_504] {strides = array<i32>} : memref<10240xf32, #tpu.memory_space<vmem>>, vector<16xf32>,
      %parallel_loop3A_506 = arith.index_cast %parallel_loop3A_503 : i32 to index
      %parallel_loop3A_507 = tpu.vector_load %arg8[%parallel_loop3A_506] {strides = array<i32>} : memref<10240xi32, #tpu.memory_space<vmem>>, vector<16xi32>,
      %parallel_loop3A_508 = arith.index_cast %parallel_loop3A_503 : i32 to index
      %parallel_loop3A_509 = tpu.vector_load %arg10[%parallel_loop3A_508] {strides = array<i32>} : memref<10240xi32, #tpu.memory_space<vmem>>, vector<16xi32>,
      %parallel_loop3A_510 = arith.cmpi eq, %parallel_loop3A_507, %parallel_loop3A_509 : vector<16xi32>
      %parallel_loop3A_511 = arith.constant 8193 : i32
      %parallel_loop3A_512 = arith.constant 1 : i32
      %parallel_loop3A_513 = vector.broadcast %parallel_loop3A_511 : i32 to vector<16xi32>
      %parallel_loop3A_514 = vector.broadcast %parallel_loop3A_512 : i32 to vector<16xi32>
      %parallel_loop3A_515 = arith.select %parallel_loop3A_510, %parallel_loop3A_513, %parallel_loop3A_514 : vector<16xi1>, vector<16xi32>
      %parallel_loop3A_516 = arith.constant 1.500000e+01 : f32
      %parallel_loop3A_517 = vector.broadcast %parallel_loop3A_516 : f32 to vector<16xf32>
      %parallel_loop3A_518 = arith.mulf %parallel_loop3A_505, %parallel_loop3A_517 : vector<16xf32>
      %parallel_loop3A_519 = arith.constant 5.000000e-01 : f32
      %parallel_loop3A_520 = vector.broadcast %parallel_loop3A_519 : f32 to vector<16xf32>
      %parallel_loop3A_521 = arith.addf %parallel_loop3A_518, %parallel_loop3A_520 : vector<16xf32>
      %parallel_loop3A_522 = arith.fptosi %parallel_loop3A_521 : vector<16xf32> to vector<16xi32>
      %parallel_loop3A_523 = arith.sitofp %parallel_loop3A_522 : vector<16xi32> to vector<16xf32>
      %parallel_loop3A_524 = vector.broadcast %parallel_loop3A_134 : f32 to vector<16xf32>
      %parallel_loop3A_525 = arith.mulf %parallel_loop3A_523, %parallel_loop3A_524 : vector<16xf32>
      %parallel_loop3A_526 = arith.cmpf ole, %parallel_loop3A_505, %parallel_loop3A_525 : vector<16xf32>
      %parallel_loop3A_527 = arith.select %parallel_loop3A_526, %iota3A, %add3A_75 : vector<16xi1>, vector<16xi32>
      %parallel_loop3A_528 = arith.constant 16 : i32
      %parallel_loop3A_529 = vector.broadcast %parallel_loop3A_528 : i32 to vector<16xi32>
      %parallel_loop3A_530 = arith.muli %parallel_loop3A_522, %parallel_loop3A_529 : vector<16xi32>
      %parallel_loop3A_531 = arith.addi %parallel_loop3A_530, %parallel_loop3A_527 : vector<16xi32>
      tpu.vector_store_idx %arg12[%parallel_loop3A_531], %parallel_loop3A_515 {add = true} : memref<272xi32, #tpu.memory_space<vmem>>[vector<16xi32>], vector<16xi32>,
      tpu.vector_store_idx %arg13[%parallel_loop3A_531], %parallel_loop3A_505 {add = true} : memref<272xf32, #tpu.memory_space<vmem>>[vector<16xi32>], vector<16xf32>,
    } {sc.loop_unroll_factor = 8 : i64, sc.parallel_access}
    %dma_wait3A_135 = tpu.memref_slice %arg2[%add3A_124] : memref<2000000xf32, #tpu.memory_space<hbm>> -> memref<10240xf32, #tpu.memory_space<hbm>>
    %dma_wait3A_136 = tpu.memref_slice %arg2[%add3A_124] : memref<2000000xf32, #tpu.memory_space<hbm>> -> memref<10240xf32, #tpu.memory_space<hbm>>
    tpu.wait_dma2 semaphore(%arg16 : memref<!tpu.dma_semaphore, #tpu.memory_space<semaphore_mem>>) src(%dma_wait3A_136 : memref<10240xf32, #tpu.memory_space<hbm>>) dst(%arg7 : memref<10240xf32, #tpu.memory_space<vmem>>)
    %dma_wait3A_137 = tpu.memref_slice %arg3[%add3A_124] : memref<2000000xi32, #tpu.memory_space<hbm>> -> memref<10240xi32, #tpu.memory_space<hbm>>
    %dma_wait3A_138 = tpu.memref_slice %arg3[%add3A_124] : memref<2000000xi32, #tpu.memory_space<hbm>> -> memref<10240xi32, #tpu.memory_space<hbm>>
    tpu.wait_dma2 semaphore(%arg16 : memref<!tpu.dma_semaphore, #tpu.memory_space<semaphore_mem>>) src(%dma_wait3A_138 : memref<10240xi32, #tpu.memory_space<hbm>>) dst(%arg9 : memref<10240xi32, #tpu.memory_space<vmem>>)
    %dma_wait3A_139 = tpu.memref_slice %arg4[%add3A_124] : memref<2000000xi32, #tpu.memory_space<hbm>> -> memref<10240xi32, #tpu.memory_space<hbm>>
    %dma_wait3A_140 = tpu.memref_slice %arg4[%add3A_124] : memref<2000000xi32, #tpu.memory_space<hbm>> -> memref<10240xi32, #tpu.memory_space<hbm>>
    tpu.wait_dma2 semaphore(%arg16 : memref<!tpu.dma_semaphore, #tpu.memory_space<semaphore_mem>>) src(%dma_wait3A_140 : memref<10240xi32, #tpu.memory_space<hbm>>) dst(%arg11 : memref<10240xi32, #tpu.memory_space<vmem>>)
    %parallel_loop3A_141 = arith.constant 0 : i32
    %parallel_loop3A_142 = arith.constant 640 : i32
    %parallel_loop3A_143 = arith.constant 1 : i32
    %parallel_loop3A_144 = arith.constant 0.0666666701 : f32
    scf.for %parallel_loop3A_501 = %parallel_loop3A_141 to %parallel_loop3A_142 step %parallel_loop3A_143  : i32 {
      %parallel_loop3A_502 = arith.constant 16 : i32
      %parallel_loop3A_503 = arith.muli %parallel_loop3A_501, %parallel_loop3A_502 : i32
      %parallel_loop3A_504 = arith.index_cast %parallel_loop3A_503 : i32 to index
      %parallel_loop3A_505 = tpu.vector_load %arg7[%parallel_loop3A_504] {strides = array<i32>} : memref<10240xf32, #tpu.memory_space<vmem>>, vector<16xf32>,
      %parallel_loop3A_506 = arith.index_cast %parallel_loop3A_503 : i32 to index
      %parallel_loop3A_507 = tpu.vector_load %arg9[%parallel_loop3A_506] {strides = array<i32>} : memref<10240xi32, #tpu.memory_space<vmem>>, vector<16xi32>,
      %parallel_loop3A_508 = arith.index_cast %parallel_loop3A_503 : i32 to index
      %parallel_loop3A_509 = tpu.vector_load %arg11[%parallel_loop3A_508] {strides = array<i32>} : memref<10240xi32, #tpu.memory_space<vmem>>, vector<16xi32>,
      %parallel_loop3A_510 = arith.cmpi eq, %parallel_loop3A_507, %parallel_loop3A_509 : vector<16xi32>
      %parallel_loop3A_511 = arith.constant 8193 : i32
      %parallel_loop3A_512 = arith.constant 1 : i32
      %parallel_loop3A_513 = vector.broadcast %parallel_loop3A_511 : i32 to vector<16xi32>
      %parallel_loop3A_514 = vector.broadcast %parallel_loop3A_512 : i32 to vector<16xi32>
      %parallel_loop3A_515 = arith.select %parallel_loop3A_510, %parallel_loop3A_513, %parallel_loop3A_514 : vector<16xi1>, vector<16xi32>
      %parallel_loop3A_516 = arith.constant 1.500000e+01 : f32
      %parallel_loop3A_517 = vector.broadcast %parallel_loop3A_516 : f32 to vector<16xf32>
      %parallel_loop3A_518 = arith.mulf %parallel_loop3A_505, %parallel_loop3A_517 : vector<16xf32>
      %parallel_loop3A_519 = arith.constant 5.000000e-01 : f32
      %parallel_loop3A_520 = vector.broadcast %parallel_loop3A_519 : f32 to vector<16xf32>
      %parallel_loop3A_521 = arith.addf %parallel_loop3A_518, %parallel_loop3A_520 : vector<16xf32>
      %parallel_loop3A_522 = arith.fptosi %parallel_loop3A_521 : vector<16xf32> to vector<16xi32>
      %parallel_loop3A_523 = arith.sitofp %parallel_loop3A_522 : vector<16xi32> to vector<16xf32>
      %parallel_loop3A_524 = vector.broadcast %parallel_loop3A_144 : f32 to vector<16xf32>
      %parallel_loop3A_525 = arith.mulf %parallel_loop3A_523, %parallel_loop3A_524 : vector<16xf32>
      %parallel_loop3A_526 = arith.cmpf ole, %parallel_loop3A_505, %parallel_loop3A_525 : vector<16xf32>
      %parallel_loop3A_527 = arith.select %parallel_loop3A_526, %iota3A, %add3A_75 : vector<16xi1>, vector<16xi32>
      %parallel_loop3A_528 = arith.constant 16 : i32
      %parallel_loop3A_529 = vector.broadcast %parallel_loop3A_528 : i32 to vector<16xi32>
      %parallel_loop3A_530 = arith.muli %parallel_loop3A_522, %parallel_loop3A_529 : vector<16xi32>
      %parallel_loop3A_531 = arith.addi %parallel_loop3A_530, %parallel_loop3A_527 : vector<16xi32>
      tpu.vector_store_idx %arg12[%parallel_loop3A_531], %parallel_loop3A_515 {add = true} : memref<272xi32, #tpu.memory_space<vmem>>[vector<16xi32>], vector<16xi32>,
      tpu.vector_store_idx %arg13[%parallel_loop3A_531], %parallel_loop3A_505 {add = true} : memref<272xf32, #tpu.memory_space<vmem>>[vector<16xi32>], vector<16xf32>,
    } {sc.loop_unroll_factor = 8 : i64, sc.parallel_access}
    %get3A = arith.constant 16 : index
    %get3A_145 = tpu.vector_load %arg12[%get3A] {strides = array<i32>} : memref<272xi32, #tpu.memory_space<vmem>>, vector<16xi32>,
    %and3A = arith.constant 8191 : i32
    %and3A_146 = vector.broadcast %and3A : i32 to vector<16xi32>
    %and3A_147 = arith.andi %get3A_145, %and3A_146 : vector<16xi32>
    %convert_element_type3A = arith.sitofp %and3A_147 : vector<16xi32> to vector<16xf32>
    %swap3A_148 = arith.constant 0 : i32
    %swap3A_149 = arith.index_cast %swap3A_148 : i32 to index
    %swap3A_150 = arith.constant 0 : index
    %swap3A_151 = tpu.vector_load %arg14[%swap3A_149, %swap3A_150] {strides = array<i32>} : memref<45x16xf32, #tpu.memory_space<vmem>>, vector<16xf32>,
    tpu.vector_store %arg14[%swap3A_149, %swap3A_150], %convert_element_type3A {strides = array<i32>} : memref<45x16xf32, #tpu.memory_space<vmem>>, vector<16xf32>,
    %get3A_152 = arith.constant 16 : index
    %get3A_153 = tpu.vector_load %arg13[%get3A_152] {strides = array<i32>} : memref<272xf32, #tpu.memory_space<vmem>>, vector<16xf32>,
    %swap3A_154 = arith.constant 15 : i32
    %swap3A_155 = arith.index_cast %swap3A_154 : i32 to index
    %swap3A_156 = arith.constant 0 : index
    %swap3A_157 = tpu.vector_load %arg14[%swap3A_155, %swap3A_156] {strides = array<i32>} : memref<45x16xf32, #tpu.memory_space<vmem>>, vector<16xf32>,
    tpu.vector_store %arg14[%swap3A_155, %swap3A_156], %get3A_153 {strides = array<i32>} : memref<45x16xf32, #tpu.memory_space<vmem>>, vector<16xf32>,
    %shift_right_arithmetic3A = arith.constant 13 : i32
    %shift_right_arithmetic3A_158 = vector.broadcast %shift_right_arithmetic3A : i32 to vector<16xi32>
    %shift_right_arithmetic3A_159 = arith.shrsi %get3A_145, %shift_right_arithmetic3A_158 : vector<16xi32>
    %convert_element_type3A_160 = arith.sitofp %shift_right_arithmetic3A_159 : vector<16xi32> to vector<16xf32>
    %swap3A_161 = arith.constant 30 : i32
    %swap3A_162 = arith.index_cast %swap3A_161 : i32 to index
    %swap3A_163 = arith.constant 0 : index
    %swap3A_164 = tpu.vector_load %arg14[%swap3A_162, %swap3A_163] {strides = array<i32>} : memref<45x16xf32, #tpu.memory_space<vmem>>, vector<16xf32>,
    tpu.vector_store %arg14[%swap3A_162, %swap3A_163], %convert_element_type3A_160 {strides = array<i32>} : memref<45x16xf32, #tpu.memory_space<vmem>>, vector<16xf32>,
    %get3A_165 = arith.constant 32 : index
    %get3A_166 = tpu.vector_load %arg12[%get3A_165] {strides = array<i32>} : memref<272xi32, #tpu.memory_space<vmem>>, vector<16xi32>,
    %and3A_167 = arith.constant 8191 : i32
    %and3A_168 = vector.broadcast %and3A_167 : i32 to vector<16xi32>
    %and3A_169 = arith.andi %get3A_166, %and3A_168 : vector<16xi32>
    %convert_element_type3A_170 = arith.sitofp %and3A_169 : vector<16xi32> to vector<16xf32>
    %swap3A_171 = arith.constant 1 : i32
    %swap3A_172 = arith.index_cast %swap3A_171 : i32 to index
    %swap3A_173 = arith.constant 0 : index
    %swap3A_174 = tpu.vector_load %arg14[%swap3A_172, %swap3A_173] {strides = array<i32>} : memref<45x16xf32, #tpu.memory_space<vmem>>, vector<16xf32>,
    tpu.vector_store %arg14[%swap3A_172, %swap3A_173], %convert_element_type3A_170 {strides = array<i32>} : memref<45x16xf32, #tpu.memory_space<vmem>>, vector<16xf32>,
    %get3A_175 = arith.constant 32 : index
    %get3A_176 = tpu.vector_load %arg13[%get3A_175] {strides = array<i32>} : memref<272xf32, #tpu.memory_space<vmem>>, vector<16xf32>,
    %swap3A_177 = arith.constant 16 : i32
    %swap3A_178 = arith.index_cast %swap3A_177 : i32 to index
    %swap3A_179 = arith.constant 0 : index
    %swap3A_180 = tpu.vector_load %arg14[%swap3A_178, %swap3A_179] {strides = array<i32>} : memref<45x16xf32, #tpu.memory_space<vmem>>, vector<16xf32>,
    tpu.vector_store %arg14[%swap3A_178, %swap3A_179], %get3A_176 {strides = array<i32>} : memref<45x16xf32, #tpu.memory_space<vmem>>, vector<16xf32>,
    %shift_right_arithmetic3A_181 = arith.constant 13 : i32
    %shift_right_arithmetic3A_182 = vector.broadcast %shift_right_arithmetic3A_181 : i32 to vector<16xi32>
    %shift_right_arithmetic3A_183 = arith.shrsi %get3A_166, %shift_right_arithmetic3A_182 : vector<16xi32>
    %convert_element_type3A_184 = arith.sitofp %shift_right_arithmetic3A_183 : vector<16xi32> to vector<16xf32>
    %swap3A_185 = arith.constant 31 : i32
    %swap3A_186 = arith.index_cast %swap3A_185 : i32 to index
    %swap3A_187 = arith.constant 0 : index
    %swap3A_188 = tpu.vector_load %arg14[%swap3A_186, %swap3A_187] {strides = array<i32>} : memref<45x16xf32, #tpu.memory_space<vmem>>, vector<16xf32>,
    tpu.vector_store %arg14[%swap3A_186, %swap3A_187], %convert_element_type3A_184 {strides = array<i32>} : memref<45x16xf32, #tpu.memory_space<vmem>>, vector<16xf32>,
    %get3A_189 = arith.constant 48 : index
    %get3A_190 = tpu.vector_load %arg12[%get3A_189] {strides = array<i32>} : memref<272xi32, #tpu.memory_space<vmem>>, vector<16xi32>,
    %and3A_191 = arith.constant 8191 : i32
    %and3A_192 = vector.broadcast %and3A_191 : i32 to vector<16xi32>
    %and3A_193 = arith.andi %get3A_190, %and3A_192 : vector<16xi32>
    %convert_element_type3A_194 = arith.sitofp %and3A_193 : vector<16xi32> to vector<16xf32>
    %swap3A_195 = arith.constant 2 : i32
    %swap3A_196 = arith.index_cast %swap3A_195 : i32 to index
    %swap3A_197 = arith.constant 0 : index
    %swap3A_198 = tpu.vector_load %arg14[%swap3A_196, %swap3A_197] {strides = array<i32>} : memref<45x16xf32, #tpu.memory_space<vmem>>, vector<16xf32>,
    tpu.vector_store %arg14[%swap3A_196, %swap3A_197], %convert_element_type3A_194 {strides = array<i32>} : memref<45x16xf32, #tpu.memory_space<vmem>>, vector<16xf32>,
    %get3A_199 = arith.constant 48 : index
    %get3A_200 = tpu.vector_load %arg13[%get3A_199] {strides = array<i32>} : memref<272xf32, #tpu.memory_space<vmem>>, vector<16xf32>,
    %swap3A_201 = arith.constant 17 : i32
    %swap3A_202 = arith.index_cast %swap3A_201 : i32 to index
    %swap3A_203 = arith.constant 0 : index
    %swap3A_204 = tpu.vector_load %arg14[%swap3A_202, %swap3A_203] {strides = array<i32>} : memref<45x16xf32, #tpu.memory_space<vmem>>, vector<16xf32>,
    tpu.vector_store %arg14[%swap3A_202, %swap3A_203], %get3A_200 {strides = array<i32>} : memref<45x16xf32, #tpu.memory_space<vmem>>, vector<16xf32>,
    %shift_right_arithmetic3A_205 = arith.constant 13 : i32
    %shift_right_arithmetic3A_206 = vector.broadcast %shift_right_arithmetic3A_205 : i32 to vector<16xi32>
    %shift_right_arithmetic3A_207 = arith.shrsi %get3A_190, %shift_right_arithmetic3A_206 : vector<16xi32>
    %convert_element_type3A_208 = arith.sitofp %shift_right_arithmetic3A_207 : vector<16xi32> to vector<16xf32>
    %swap3A_209 = arith.constant 32 : i32
    %swap3A_210 = arith.index_cast %swap3A_209 : i32 to index
    %swap3A_211 = arith.constant 0 : index
    %swap3A_212 = tpu.vector_load %arg14[%swap3A_210, %swap3A_211] {strides = array<i32>} : memref<45x16xf32, #tpu.memory_space<vmem>>, vector<16xf32>,
    tpu.vector_store %arg14[%swap3A_210, %swap3A_211], %convert_element_type3A_208 {strides = array<i32>} : memref<45x16xf32, #tpu.memory_space<vmem>>, vector<16xf32>,
    %get3A_213 = arith.constant 64 : index
    %get3A_214 = tpu.vector_load %arg12[%get3A_213] {strides = array<i32>} : memref<272xi32, #tpu.memory_space<vmem>>, vector<16xi32>,
    %and3A_215 = arith.constant 8191 : i32
    %and3A_216 = vector.broadcast %and3A_215 : i32 to vector<16xi32>
    %and3A_217 = arith.andi %get3A_214, %and3A_216 : vector<16xi32>
    %convert_element_type3A_218 = arith.sitofp %and3A_217 : vector<16xi32> to vector<16xf32>
    %swap3A_219 = arith.constant 3 : i32
    %swap3A_220 = arith.index_cast %swap3A_219 : i32 to index
    %swap3A_221 = arith.constant 0 : index
    %swap3A_222 = tpu.vector_load %arg14[%swap3A_220, %swap3A_221] {strides = array<i32>} : memref<45x16xf32, #tpu.memory_space<vmem>>, vector<16xf32>,
    tpu.vector_store %arg14[%swap3A_220, %swap3A_221], %convert_element_type3A_218 {strides = array<i32>} : memref<45x16xf32, #tpu.memory_space<vmem>>, vector<16xf32>,
    %get3A_223 = arith.constant 64 : index
    %get3A_224 = tpu.vector_load %arg13[%get3A_223] {strides = array<i32>} : memref<272xf32, #tpu.memory_space<vmem>>, vector<16xf32>,
    %swap3A_225 = arith.constant 18 : i32
    %swap3A_226 = arith.index_cast %swap3A_225 : i32 to index
    %swap3A_227 = arith.constant 0 : index
    %swap3A_228 = tpu.vector_load %arg14[%swap3A_226, %swap3A_227] {strides = array<i32>} : memref<45x16xf32, #tpu.memory_space<vmem>>, vector<16xf32>,
    tpu.vector_store %arg14[%swap3A_226, %swap3A_227], %get3A_224 {strides = array<i32>} : memref<45x16xf32, #tpu.memory_space<vmem>>, vector<16xf32>,
    %shift_right_arithmetic3A_229 = arith.constant 13 : i32
    %shift_right_arithmetic3A_230 = vector.broadcast %shift_right_arithmetic3A_229 : i32 to vector<16xi32>
    %shift_right_arithmetic3A_231 = arith.shrsi %get3A_214, %shift_right_arithmetic3A_230 : vector<16xi32>
    %convert_element_type3A_232 = arith.sitofp %shift_right_arithmetic3A_231 : vector<16xi32> to vector<16xf32>
    %swap3A_233 = arith.constant 33 : i32
    %swap3A_234 = arith.index_cast %swap3A_233 : i32 to index
    %swap3A_235 = arith.constant 0 : index
    %swap3A_236 = tpu.vector_load %arg14[%swap3A_234, %swap3A_235] {strides = array<i32>} : memref<45x16xf32, #tpu.memory_space<vmem>>, vector<16xf32>,
    tpu.vector_store %arg14[%swap3A_234, %swap3A_235], %convert_element_type3A_232 {strides = array<i32>} : memref<45x16xf32, #tpu.memory_space<vmem>>, vector<16xf32>,
    %get3A_237 = arith.constant 80 : index
    %get3A_238 = tpu.vector_load %arg12[%get3A_237] {strides = array<i32>} : memref<272xi32, #tpu.memory_space<vmem>>, vector<16xi32>,
    %and3A_239 = arith.constant 8191 : i32
    %and3A_240 = vector.broadcast %and3A_239 : i32 to vector<16xi32>
    %and3A_241 = arith.andi %get3A_238, %and3A_240 : vector<16xi32>
    %convert_element_type3A_242 = arith.sitofp %and3A_241 : vector<16xi32> to vector<16xf32>
    %swap3A_243 = arith.constant 4 : i32
    %swap3A_244 = arith.index_cast %swap3A_243 : i32 to index
    %swap3A_245 = arith.constant 0 : index
    %swap3A_246 = tpu.vector_load %arg14[%swap3A_244, %swap3A_245] {strides = array<i32>} : memref<45x16xf32, #tpu.memory_space<vmem>>, vector<16xf32>,
    tpu.vector_store %arg14[%swap3A_244, %swap3A_245], %convert_element_type3A_242 {strides = array<i32>} : memref<45x16xf32, #tpu.memory_space<vmem>>, vector<16xf32>,
    %get3A_247 = arith.constant 80 : index
    %get3A_248 = tpu.vector_load %arg13[%get3A_247] {strides = array<i32>} : memref<272xf32, #tpu.memory_space<vmem>>, vector<16xf32>,
    %swap3A_249 = arith.constant 19 : i32
    %swap3A_250 = arith.index_cast %swap3A_249 : i32 to index
    %swap3A_251 = arith.constant 0 : index
    %swap3A_252 = tpu.vector_load %arg14[%swap3A_250, %swap3A_251] {strides = array<i32>} : memref<45x16xf32, #tpu.memory_space<vmem>>, vector<16xf32>,
    tpu.vector_store %arg14[%swap3A_250, %swap3A_251], %get3A_248 {strides = array<i32>} : memref<45x16xf32, #tpu.memory_space<vmem>>, vector<16xf32>,
    %shift_right_arithmetic3A_253 = arith.constant 13 : i32
    %shift_right_arithmetic3A_254 = vector.broadcast %shift_right_arithmetic3A_253 : i32 to vector<16xi32>
    %shift_right_arithmetic3A_255 = arith.shrsi %get3A_238, %shift_right_arithmetic3A_254 : vector<16xi32>
    %convert_element_type3A_256 = arith.sitofp %shift_right_arithmetic3A_255 : vector<16xi32> to vector<16xf32>
    %swap3A_257 = arith.constant 34 : i32
    %swap3A_258 = arith.index_cast %swap3A_257 : i32 to index
    %swap3A_259 = arith.constant 0 : index
    %swap3A_260 = tpu.vector_load %arg14[%swap3A_258, %swap3A_259] {strides = array<i32>} : memref<45x16xf32, #tpu.memory_space<vmem>>, vector<16xf32>,
    tpu.vector_store %arg14[%swap3A_258, %swap3A_259], %convert_element_type3A_256 {strides = array<i32>} : memref<45x16xf32, #tpu.memory_space<vmem>>, vector<16xf32>,
    %get3A_261 = arith.constant 96 : index
    %get3A_262 = tpu.vector_load %arg12[%get3A_261] {strides = array<i32>} : memref<272xi32, #tpu.memory_space<vmem>>, vector<16xi32>,
    %and3A_263 = arith.constant 8191 : i32
    %and3A_264 = vector.broadcast %and3A_263 : i32 to vector<16xi32>
    %and3A_265 = arith.andi %get3A_262, %and3A_264 : vector<16xi32>
    %convert_element_type3A_266 = arith.sitofp %and3A_265 : vector<16xi32> to vector<16xf32>
    %swap3A_267 = arith.constant 5 : i32
    %swap3A_268 = arith.index_cast %swap3A_267 : i32 to index
    %swap3A_269 = arith.constant 0 : index
    %swap3A_270 = tpu.vector_load %arg14[%swap3A_268, %swap3A_269] {strides = array<i32>} : memref<45x16xf32, #tpu.memory_space<vmem>>, vector<16xf32>,
    tpu.vector_store %arg14[%swap3A_268, %swap3A_269], %convert_element_type3A_266 {strides = array<i32>} : memref<45x16xf32, #tpu.memory_space<vmem>>, vector<16xf32>,
    %get3A_271 = arith.constant 96 : index
    %get3A_272 = tpu.vector_load %arg13[%get3A_271] {strides = array<i32>} : memref<272xf32, #tpu.memory_space<vmem>>, vector<16xf32>,
    %swap3A_273 = arith.constant 20 : i32
    %swap3A_274 = arith.index_cast %swap3A_273 : i32 to index
    %swap3A_275 = arith.constant 0 : index
    %swap3A_276 = tpu.vector_load %arg14[%swap3A_274, %swap3A_275] {strides = array<i32>} : memref<45x16xf32, #tpu.memory_space<vmem>>, vector<16xf32>,
    tpu.vector_store %arg14[%swap3A_274, %swap3A_275], %get3A_272 {strides = array<i32>} : memref<45x16xf32, #tpu.memory_space<vmem>>, vector<16xf32>,
    %shift_right_arithmetic3A_277 = arith.constant 13 : i32
    %shift_right_arithmetic3A_278 = vector.broadcast %shift_right_arithmetic3A_277 : i32 to vector<16xi32>
    %shift_right_arithmetic3A_279 = arith.shrsi %get3A_262, %shift_right_arithmetic3A_278 : vector<16xi32>
    %convert_element_type3A_280 = arith.sitofp %shift_right_arithmetic3A_279 : vector<16xi32> to vector<16xf32>
    %swap3A_281 = arith.constant 35 : i32
    %swap3A_282 = arith.index_cast %swap3A_281 : i32 to index
    %swap3A_283 = arith.constant 0 : index
    %swap3A_284 = tpu.vector_load %arg14[%swap3A_282, %swap3A_283] {strides = array<i32>} : memref<45x16xf32, #tpu.memory_space<vmem>>, vector<16xf32>,
    tpu.vector_store %arg14[%swap3A_282, %swap3A_283], %convert_element_type3A_280 {strides = array<i32>} : memref<45x16xf32, #tpu.memory_space<vmem>>, vector<16xf32>,
    %get3A_285 = arith.constant 112 : index
    %get3A_286 = tpu.vector_load %arg12[%get3A_285] {strides = array<i32>} : memref<272xi32, #tpu.memory_space<vmem>>, vector<16xi32>,
    %and3A_287 = arith.constant 8191 : i32
    %and3A_288 = vector.broadcast %and3A_287 : i32 to vector<16xi32>
    %and3A_289 = arith.andi %get3A_286, %and3A_288 : vector<16xi32>
    %convert_element_type3A_290 = arith.sitofp %and3A_289 : vector<16xi32> to vector<16xf32>
    %swap3A_291 = arith.constant 6 : i32
    %swap3A_292 = arith.index_cast %swap3A_291 : i32 to index
    %swap3A_293 = arith.constant 0 : index
    %swap3A_294 = tpu.vector_load %arg14[%swap3A_292, %swap3A_293] {strides = array<i32>} : memref<45x16xf32, #tpu.memory_space<vmem>>, vector<16xf32>,
    tpu.vector_store %arg14[%swap3A_292, %swap3A_293], %convert_element_type3A_290 {strides = array<i32>} : memref<45x16xf32, #tpu.memory_space<vmem>>, vector<16xf32>,
    %get3A_295 = arith.constant 112 : index
    %get3A_296 = tpu.vector_load %arg13[%get3A_295] {strides = array<i32>} : memref<272xf32, #tpu.memory_space<vmem>>, vector<16xf32>,
    %swap3A_297 = arith.constant 21 : i32
    %swap3A_298 = arith.index_cast %swap3A_297 : i32 to index
    %swap3A_299 = arith.constant 0 : index
    %swap3A_300 = tpu.vector_load %arg14[%swap3A_298, %swap3A_299] {strides = array<i32>} : memref<45x16xf32, #tpu.memory_space<vmem>>, vector<16xf32>,
    tpu.vector_store %arg14[%swap3A_298, %swap3A_299], %get3A_296 {strides = array<i32>} : memref<45x16xf32, #tpu.memory_space<vmem>>, vector<16xf32>,
    %shift_right_arithmetic3A_301 = arith.constant 13 : i32
    %shift_right_arithmetic3A_302 = vector.broadcast %shift_right_arithmetic3A_301 : i32 to vector<16xi32>
    %shift_right_arithmetic3A_303 = arith.shrsi %get3A_286, %shift_right_arithmetic3A_302 : vector<16xi32>
    %convert_element_type3A_304 = arith.sitofp %shift_right_arithmetic3A_303 : vector<16xi32> to vector<16xf32>
    %swap3A_305 = arith.constant 36 : i32
    %swap3A_306 = arith.index_cast %swap3A_305 : i32 to index
    %swap3A_307 = arith.constant 0 : index
    %swap3A_308 = tpu.vector_load %arg14[%swap3A_306, %swap3A_307] {strides = array<i32>} : memref<45x16xf32, #tpu.memory_space<vmem>>, vector<16xf32>,
    tpu.vector_store %arg14[%swap3A_306, %swap3A_307], %convert_element_type3A_304 {strides = array<i32>} : memref<45x16xf32, #tpu.memory_space<vmem>>, vector<16xf32>,
    %get3A_309 = arith.constant 128 : index
    %get3A_310 = tpu.vector_load %arg12[%get3A_309] {strides = array<i32>} : memref<272xi32, #tpu.memory_space<vmem>>, vector<16xi32>,
    %and3A_311 = arith.constant 8191 : i32
    %and3A_312 = vector.broadcast %and3A_311 : i32 to vector<16xi32>
    %and3A_313 = arith.andi %get3A_310, %and3A_312 : vector<16xi32>
    %convert_element_type3A_314 = arith.sitofp %and3A_313 : vector<16xi32> to vector<16xf32>
    %swap3A_315 = arith.constant 7 : i32
    %swap3A_316 = arith.index_cast %swap3A_315 : i32 to index
    %swap3A_317 = arith.constant 0 : index
    %swap3A_318 = tpu.vector_load %arg14[%swap3A_316, %swap3A_317] {strides = array<i32>} : memref<45x16xf32, #tpu.memory_space<vmem>>, vector<16xf32>,
    tpu.vector_store %arg14[%swap3A_316, %swap3A_317], %convert_element_type3A_314 {strides = array<i32>} : memref<45x16xf32, #tpu.memory_space<vmem>>, vector<16xf32>,
    %get3A_319 = arith.constant 128 : index
    %get3A_320 = tpu.vector_load %arg13[%get3A_319] {strides = array<i32>} : memref<272xf32, #tpu.memory_space<vmem>>, vector<16xf32>,
    %swap3A_321 = arith.constant 22 : i32
    %swap3A_322 = arith.index_cast %swap3A_321 : i32 to index
    %swap3A_323 = arith.constant 0 : index
    %swap3A_324 = tpu.vector_load %arg14[%swap3A_322, %swap3A_323] {strides = array<i32>} : memref<45x16xf32, #tpu.memory_space<vmem>>, vector<16xf32>,
    tpu.vector_store %arg14[%swap3A_322, %swap3A_323], %get3A_320 {strides = array<i32>} : memref<45x16xf32, #tpu.memory_space<vmem>>, vector<16xf32>,
    %shift_right_arithmetic3A_325 = arith.constant 13 : i32
    %shift_right_arithmetic3A_326 = vector.broadcast %shift_right_arithmetic3A_325 : i32 to vector<16xi32>
    %shift_right_arithmetic3A_327 = arith.shrsi %get3A_310, %shift_right_arithmetic3A_326 : vector<16xi32>
    %convert_element_type3A_328 = arith.sitofp %shift_right_arithmetic3A_327 : vector<16xi32> to vector<16xf32>
    %swap3A_329 = arith.constant 37 : i32
    %swap3A_330 = arith.index_cast %swap3A_329 : i32 to index
    %swap3A_331 = arith.constant 0 : index
    %swap3A_332 = tpu.vector_load %arg14[%swap3A_330, %swap3A_331] {strides = array<i32>} : memref<45x16xf32, #tpu.memory_space<vmem>>, vector<16xf32>,
    tpu.vector_store %arg14[%swap3A_330, %swap3A_331], %convert_element_type3A_328 {strides = array<i32>} : memref<45x16xf32, #tpu.memory_space<vmem>>, vector<16xf32>,
    %get3A_333 = arith.constant 144 : index
    %get3A_334 = tpu.vector_load %arg12[%get3A_333] {strides = array<i32>} : memref<272xi32, #tpu.memory_space<vmem>>, vector<16xi32>,
    %and3A_335 = arith.constant 8191 : i32
    %and3A_336 = vector.broadcast %and3A_335 : i32 to vector<16xi32>
    %and3A_337 = arith.andi %get3A_334, %and3A_336 : vector<16xi32>
    %convert_element_type3A_338 = arith.sitofp %and3A_337 : vector<16xi32> to vector<16xf32>
    %swap3A_339 = arith.constant 8 : i32
    %swap3A_340 = arith.index_cast %swap3A_339 : i32 to index
    %swap3A_341 = arith.constant 0 : index
    %swap3A_342 = tpu.vector_load %arg14[%swap3A_340, %swap3A_341] {strides = array<i32>} : memref<45x16xf32, #tpu.memory_space<vmem>>, vector<16xf32>,
    tpu.vector_store %arg14[%swap3A_340, %swap3A_341], %convert_element_type3A_338 {strides = array<i32>} : memref<45x16xf32, #tpu.memory_space<vmem>>, vector<16xf32>,
    %get3A_343 = arith.constant 144 : index
    %get3A_344 = tpu.vector_load %arg13[%get3A_343] {strides = array<i32>} : memref<272xf32, #tpu.memory_space<vmem>>, vector<16xf32>,
    %swap3A_345 = arith.constant 23 : i32
    %swap3A_346 = arith.index_cast %swap3A_345 : i32 to index
    %swap3A_347 = arith.constant 0 : index
    %swap3A_348 = tpu.vector_load %arg14[%swap3A_346, %swap3A_347] {strides = array<i32>} : memref<45x16xf32, #tpu.memory_space<vmem>>, vector<16xf32>,
    tpu.vector_store %arg14[%swap3A_346, %swap3A_347], %get3A_344 {strides = array<i32>} : memref<45x16xf32, #tpu.memory_space<vmem>>, vector<16xf32>,
    %shift_right_arithmetic3A_349 = arith.constant 13 : i32
    %shift_right_arithmetic3A_350 = vector.broadcast %shift_right_arithmetic3A_349 : i32 to vector<16xi32>
    %shift_right_arithmetic3A_351 = arith.shrsi %get3A_334, %shift_right_arithmetic3A_350 : vector<16xi32>
    %convert_element_type3A_352 = arith.sitofp %shift_right_arithmetic3A_351 : vector<16xi32> to vector<16xf32>
    %swap3A_353 = arith.constant 38 : i32
    %swap3A_354 = arith.index_cast %swap3A_353 : i32 to index
    %swap3A_355 = arith.constant 0 : index
    %swap3A_356 = tpu.vector_load %arg14[%swap3A_354, %swap3A_355] {strides = array<i32>} : memref<45x16xf32, #tpu.memory_space<vmem>>, vector<16xf32>,
    tpu.vector_store %arg14[%swap3A_354, %swap3A_355], %convert_element_type3A_352 {strides = array<i32>} : memref<45x16xf32, #tpu.memory_space<vmem>>, vector<16xf32>,
    %get3A_357 = arith.constant 160 : index
    %get3A_358 = tpu.vector_load %arg12[%get3A_357] {strides = array<i32>} : memref<272xi32, #tpu.memory_space<vmem>>, vector<16xi32>,
    %and3A_359 = arith.constant 8191 : i32
    %and3A_360 = vector.broadcast %and3A_359 : i32 to vector<16xi32>
    %and3A_361 = arith.andi %get3A_358, %and3A_360 : vector<16xi32>
    %convert_element_type3A_362 = arith.sitofp %and3A_361 : vector<16xi32> to vector<16xf32>
    %swap3A_363 = arith.constant 9 : i32
    %swap3A_364 = arith.index_cast %swap3A_363 : i32 to index
    %swap3A_365 = arith.constant 0 : index
    %swap3A_366 = tpu.vector_load %arg14[%swap3A_364, %swap3A_365] {strides = array<i32>} : memref<45x16xf32, #tpu.memory_space<vmem>>, vector<16xf32>,
    tpu.vector_store %arg14[%swap3A_364, %swap3A_365], %convert_element_type3A_362 {strides = array<i32>} : memref<45x16xf32, #tpu.memory_space<vmem>>, vector<16xf32>,
    %get3A_367 = arith.constant 160 : index
    %get3A_368 = tpu.vector_load %arg13[%get3A_367] {strides = array<i32>} : memref<272xf32, #tpu.memory_space<vmem>>, vector<16xf32>,
    %swap3A_369 = arith.constant 24 : i32
    %swap3A_370 = arith.index_cast %swap3A_369 : i32 to index
    %swap3A_371 = arith.constant 0 : index
    %swap3A_372 = tpu.vector_load %arg14[%swap3A_370, %swap3A_371] {strides = array<i32>} : memref<45x16xf32, #tpu.memory_space<vmem>>, vector<16xf32>,
    tpu.vector_store %arg14[%swap3A_370, %swap3A_371], %get3A_368 {strides = array<i32>} : memref<45x16xf32, #tpu.memory_space<vmem>>, vector<16xf32>,
    %shift_right_arithmetic3A_373 = arith.constant 13 : i32
    %shift_right_arithmetic3A_374 = vector.broadcast %shift_right_arithmetic3A_373 : i32 to vector<16xi32>
    %shift_right_arithmetic3A_375 = arith.shrsi %get3A_358, %shift_right_arithmetic3A_374 : vector<16xi32>
    %convert_element_type3A_376 = arith.sitofp %shift_right_arithmetic3A_375 : vector<16xi32> to vector<16xf32>
    %swap3A_377 = arith.constant 39 : i32
    %swap3A_378 = arith.index_cast %swap3A_377 : i32 to index
    %swap3A_379 = arith.constant 0 : index
    %swap3A_380 = tpu.vector_load %arg14[%swap3A_378, %swap3A_379] {strides = array<i32>} : memref<45x16xf32, #tpu.memory_space<vmem>>, vector<16xf32>,
    tpu.vector_store %arg14[%swap3A_378, %swap3A_379], %convert_element_type3A_376 {strides = array<i32>} : memref<45x16xf32, #tpu.memory_space<vmem>>, vector<16xf32>,
    %get3A_381 = arith.constant 176 : index
    %get3A_382 = tpu.vector_load %arg12[%get3A_381] {strides = array<i32>} : memref<272xi32, #tpu.memory_space<vmem>>, vector<16xi32>,
    %and3A_383 = arith.constant 8191 : i32
    %and3A_384 = vector.broadcast %and3A_383 : i32 to vector<16xi32>
    %and3A_385 = arith.andi %get3A_382, %and3A_384 : vector<16xi32>
    %convert_element_type3A_386 = arith.sitofp %and3A_385 : vector<16xi32> to vector<16xf32>
    %swap3A_387 = arith.constant 10 : i32
    %swap3A_388 = arith.index_cast %swap3A_387 : i32 to index
    %swap3A_389 = arith.constant 0 : index
    %swap3A_390 = tpu.vector_load %arg14[%swap3A_388, %swap3A_389] {strides = array<i32>} : memref<45x16xf32, #tpu.memory_space<vmem>>, vector<16xf32>,
    tpu.vector_store %arg14[%swap3A_388, %swap3A_389], %convert_element_type3A_386 {strides = array<i32>} : memref<45x16xf32, #tpu.memory_space<vmem>>, vector<16xf32>,
    %get3A_391 = arith.constant 176 : index
    %get3A_392 = tpu.vector_load %arg13[%get3A_391] {strides = array<i32>} : memref<272xf32, #tpu.memory_space<vmem>>, vector<16xf32>,
    %swap3A_393 = arith.constant 25 : i32
    %swap3A_394 = arith.index_cast %swap3A_393 : i32 to index
    %swap3A_395 = arith.constant 0 : index
    %swap3A_396 = tpu.vector_load %arg14[%swap3A_394, %swap3A_395] {strides = array<i32>} : memref<45x16xf32, #tpu.memory_space<vmem>>, vector<16xf32>,
    tpu.vector_store %arg14[%swap3A_394, %swap3A_395], %get3A_392 {strides = array<i32>} : memref<45x16xf32, #tpu.memory_space<vmem>>, vector<16xf32>,
    %shift_right_arithmetic3A_397 = arith.constant 13 : i32
    %shift_right_arithmetic3A_398 = vector.broadcast %shift_right_arithmetic3A_397 : i32 to vector<16xi32>
    %shift_right_arithmetic3A_399 = arith.shrsi %get3A_382, %shift_right_arithmetic3A_398 : vector<16xi32>
    %convert_element_type3A_400 = arith.sitofp %shift_right_arithmetic3A_399 : vector<16xi32> to vector<16xf32>
    %swap3A_401 = arith.constant 40 : i32
    %swap3A_402 = arith.index_cast %swap3A_401 : i32 to index
    %swap3A_403 = arith.constant 0 : index
    %swap3A_404 = tpu.vector_load %arg14[%swap3A_402, %swap3A_403] {strides = array<i32>} : memref<45x16xf32, #tpu.memory_space<vmem>>, vector<16xf32>,
    tpu.vector_store %arg14[%swap3A_402, %swap3A_403], %convert_element_type3A_400 {strides = array<i32>} : memref<45x16xf32, #tpu.memory_space<vmem>>, vector<16xf32>,
    %get3A_405 = arith.constant 192 : index
    %get3A_406 = tpu.vector_load %arg12[%get3A_405] {strides = array<i32>} : memref<272xi32, #tpu.memory_space<vmem>>, vector<16xi32>,
    %and3A_407 = arith.constant 8191 : i32
    %and3A_408 = vector.broadcast %and3A_407 : i32 to vector<16xi32>
    %and3A_409 = arith.andi %get3A_406, %and3A_408 : vector<16xi32>
    %convert_element_type3A_410 = arith.sitofp %and3A_409 : vector<16xi32> to vector<16xf32>
    %swap3A_411 = arith.constant 11 : i32
    %swap3A_412 = arith.index_cast %swap3A_411 : i32 to index
    %swap3A_413 = arith.constant 0 : index
    %swap3A_414 = tpu.vector_load %arg14[%swap3A_412, %swap3A_413] {strides = array<i32>} : memref<45x16xf32, #tpu.memory_space<vmem>>, vector<16xf32>,
    tpu.vector_store %arg14[%swap3A_412, %swap3A_413], %convert_element_type3A_410 {strides = array<i32>} : memref<45x16xf32, #tpu.memory_space<vmem>>, vector<16xf32>,
    %get3A_415 = arith.constant 192 : index
    %get3A_416 = tpu.vector_load %arg13[%get3A_415] {strides = array<i32>} : memref<272xf32, #tpu.memory_space<vmem>>, vector<16xf32>,
    %swap3A_417 = arith.constant 26 : i32
    %swap3A_418 = arith.index_cast %swap3A_417 : i32 to index
    %swap3A_419 = arith.constant 0 : index
    %swap3A_420 = tpu.vector_load %arg14[%swap3A_418, %swap3A_419] {strides = array<i32>} : memref<45x16xf32, #tpu.memory_space<vmem>>, vector<16xf32>,
    tpu.vector_store %arg14[%swap3A_418, %swap3A_419], %get3A_416 {strides = array<i32>} : memref<45x16xf32, #tpu.memory_space<vmem>>, vector<16xf32>,
    %shift_right_arithmetic3A_421 = arith.constant 13 : i32
    %shift_right_arithmetic3A_422 = vector.broadcast %shift_right_arithmetic3A_421 : i32 to vector<16xi32>
    %shift_right_arithmetic3A_423 = arith.shrsi %get3A_406, %shift_right_arithmetic3A_422 : vector<16xi32>
    %convert_element_type3A_424 = arith.sitofp %shift_right_arithmetic3A_423 : vector<16xi32> to vector<16xf32>
    %swap3A_425 = arith.constant 41 : i32
    %swap3A_426 = arith.index_cast %swap3A_425 : i32 to index
    %swap3A_427 = arith.constant 0 : index
    %swap3A_428 = tpu.vector_load %arg14[%swap3A_426, %swap3A_427] {strides = array<i32>} : memref<45x16xf32, #tpu.memory_space<vmem>>, vector<16xf32>,
    tpu.vector_store %arg14[%swap3A_426, %swap3A_427], %convert_element_type3A_424 {strides = array<i32>} : memref<45x16xf32, #tpu.memory_space<vmem>>, vector<16xf32>,
    %get3A_429 = arith.constant 208 : index
    %get3A_430 = tpu.vector_load %arg12[%get3A_429] {strides = array<i32>} : memref<272xi32, #tpu.memory_space<vmem>>, vector<16xi32>,
    %and3A_431 = arith.constant 8191 : i32
    %and3A_432 = vector.broadcast %and3A_431 : i32 to vector<16xi32>
    %and3A_433 = arith.andi %get3A_430, %and3A_432 : vector<16xi32>
    %convert_element_type3A_434 = arith.sitofp %and3A_433 : vector<16xi32> to vector<16xf32>
    %swap3A_435 = arith.constant 12 : i32
    %swap3A_436 = arith.index_cast %swap3A_435 : i32 to index
    %swap3A_437 = arith.constant 0 : index
    %swap3A_438 = tpu.vector_load %arg14[%swap3A_436, %swap3A_437] {strides = array<i32>} : memref<45x16xf32, #tpu.memory_space<vmem>>, vector<16xf32>,
    tpu.vector_store %arg14[%swap3A_436, %swap3A_437], %convert_element_type3A_434 {strides = array<i32>} : memref<45x16xf32, #tpu.memory_space<vmem>>, vector<16xf32>,
    %get3A_439 = arith.constant 208 : index
    %get3A_440 = tpu.vector_load %arg13[%get3A_439] {strides = array<i32>} : memref<272xf32, #tpu.memory_space<vmem>>, vector<16xf32>,
    %swap3A_441 = arith.constant 27 : i32
    %swap3A_442 = arith.index_cast %swap3A_441 : i32 to index
    %swap3A_443 = arith.constant 0 : index
    %swap3A_444 = tpu.vector_load %arg14[%swap3A_442, %swap3A_443] {strides = array<i32>} : memref<45x16xf32, #tpu.memory_space<vmem>>, vector<16xf32>,
    tpu.vector_store %arg14[%swap3A_442, %swap3A_443], %get3A_440 {strides = array<i32>} : memref<45x16xf32, #tpu.memory_space<vmem>>, vector<16xf32>,
    %shift_right_arithmetic3A_445 = arith.constant 13 : i32
    %shift_right_arithmetic3A_446 = vector.broadcast %shift_right_arithmetic3A_445 : i32 to vector<16xi32>
    %shift_right_arithmetic3A_447 = arith.shrsi %get3A_430, %shift_right_arithmetic3A_446 : vector<16xi32>
    %convert_element_type3A_448 = arith.sitofp %shift_right_arithmetic3A_447 : vector<16xi32> to vector<16xf32>
    %swap3A_449 = arith.constant 42 : i32
    %swap3A_450 = arith.index_cast %swap3A_449 : i32 to index
    %swap3A_451 = arith.constant 0 : index
    %swap3A_452 = tpu.vector_load %arg14[%swap3A_450, %swap3A_451] {strides = array<i32>} : memref<45x16xf32, #tpu.memory_space<vmem>>, vector<16xf32>,
    tpu.vector_store %arg14[%swap3A_450, %swap3A_451], %convert_element_type3A_448 {strides = array<i32>} : memref<45x16xf32, #tpu.memory_space<vmem>>, vector<16xf32>,
    %get3A_453 = arith.constant 224 : index
    %get3A_454 = tpu.vector_load %arg12[%get3A_453] {strides = array<i32>} : memref<272xi32, #tpu.memory_space<vmem>>, vector<16xi32>,
    %and3A_455 = arith.constant 8191 : i32
    %and3A_456 = vector.broadcast %and3A_455 : i32 to vector<16xi32>
    %and3A_457 = arith.andi %get3A_454, %and3A_456 : vector<16xi32>
    %convert_element_type3A_458 = arith.sitofp %and3A_457 : vector<16xi32> to vector<16xf32>
    %swap3A_459 = arith.constant 13 : i32
    %swap3A_460 = arith.index_cast %swap3A_459 : i32 to index
    %swap3A_461 = arith.constant 0 : index
    %swap3A_462 = tpu.vector_load %arg14[%swap3A_460, %swap3A_461] {strides = array<i32>} : memref<45x16xf32, #tpu.memory_space<vmem>>, vector<16xf32>,
    tpu.vector_store %arg14[%swap3A_460, %swap3A_461], %convert_element_type3A_458 {strides = array<i32>} : memref<45x16xf32, #tpu.memory_space<vmem>>, vector<16xf32>,
    %get3A_463 = arith.constant 224 : index
    %get3A_464 = tpu.vector_load %arg13[%get3A_463] {strides = array<i32>} : memref<272xf32, #tpu.memory_space<vmem>>, vector<16xf32>,
    %swap3A_465 = arith.constant 28 : i32
    %swap3A_466 = arith.index_cast %swap3A_465 : i32 to index
    %swap3A_467 = arith.constant 0 : index
    %swap3A_468 = tpu.vector_load %arg14[%swap3A_466, %swap3A_467] {strides = array<i32>} : memref<45x16xf32, #tpu.memory_space<vmem>>, vector<16xf32>,
    tpu.vector_store %arg14[%swap3A_466, %swap3A_467], %get3A_464 {strides = array<i32>} : memref<45x16xf32, #tpu.memory_space<vmem>>, vector<16xf32>,
    %shift_right_arithmetic3A_469 = arith.constant 13 : i32
    %shift_right_arithmetic3A_470 = vector.broadcast %shift_right_arithmetic3A_469 : i32 to vector<16xi32>
    %shift_right_arithmetic3A_471 = arith.shrsi %get3A_454, %shift_right_arithmetic3A_470 : vector<16xi32>
    %convert_element_type3A_472 = arith.sitofp %shift_right_arithmetic3A_471 : vector<16xi32> to vector<16xf32>
    %swap3A_473 = arith.constant 43 : i32
    %swap3A_474 = arith.index_cast %swap3A_473 : i32 to index
    %swap3A_475 = arith.constant 0 : index
    %swap3A_476 = tpu.vector_load %arg14[%swap3A_474, %swap3A_475] {strides = array<i32>} : memref<45x16xf32, #tpu.memory_space<vmem>>, vector<16xf32>,
    tpu.vector_store %arg14[%swap3A_474, %swap3A_475], %convert_element_type3A_472 {strides = array<i32>} : memref<45x16xf32, #tpu.memory_space<vmem>>, vector<16xf32>,
    %get3A_477 = arith.constant 240 : index
    %get3A_478 = tpu.vector_load %arg12[%get3A_477] {strides = array<i32>} : memref<272xi32, #tpu.memory_space<vmem>>, vector<16xi32>,
    %and3A_479 = arith.constant 8191 : i32
    %and3A_480 = vector.broadcast %and3A_479 : i32 to vector<16xi32>
    %and3A_481 = arith.andi %get3A_478, %and3A_480 : vector<16xi32>
    %convert_element_type3A_482 = arith.sitofp %and3A_481 : vector<16xi32> to vector<16xf32>
    %swap3A_483 = arith.constant 14 : i32
    %swap3A_484 = arith.index_cast %swap3A_483 : i32 to index
    %swap3A_485 = arith.constant 0 : index
    %swap3A_486 = tpu.vector_load %arg14[%swap3A_484, %swap3A_485] {strides = array<i32>} : memref<45x16xf32, #tpu.memory_space<vmem>>, vector<16xf32>,
    tpu.vector_store %arg14[%swap3A_484, %swap3A_485], %convert_element_type3A_482 {strides = array<i32>} : memref<45x16xf32, #tpu.memory_space<vmem>>, vector<16xf32>,
    %get3A_487 = arith.constant 240 : index
    %get3A_488 = tpu.vector_load %arg13[%get3A_487] {strides = array<i32>} : memref<272xf32, #tpu.memory_space<vmem>>, vector<16xf32>,
    %swap3A_489 = arith.constant 29 : i32
    %swap3A_490 = arith.index_cast %swap3A_489 : i32 to index
    %swap3A_491 = arith.constant 0 : index
    %swap3A_492 = tpu.vector_load %arg14[%swap3A_490, %swap3A_491] {strides = array<i32>} : memref<45x16xf32, #tpu.memory_space<vmem>>, vector<16xf32>,
    tpu.vector_store %arg14[%swap3A_490, %swap3A_491], %get3A_488 {strides = array<i32>} : memref<45x16xf32, #tpu.memory_space<vmem>>, vector<16xf32>,
    %shift_right_arithmetic3A_493 = arith.constant 13 : i32
    %shift_right_arithmetic3A_494 = vector.broadcast %shift_right_arithmetic3A_493 : i32 to vector<16xi32>
    %shift_right_arithmetic3A_495 = arith.shrsi %get3A_478, %shift_right_arithmetic3A_494 : vector<16xi32>
    %convert_element_type3A_496 = arith.sitofp %shift_right_arithmetic3A_495 : vector<16xi32> to vector<16xf32>
    %swap3A_497 = arith.constant 44 : i32
    %swap3A_498 = arith.index_cast %swap3A_497 : i32 to index
    %swap3A_499 = arith.constant 0 : index
    %swap3A_500 = tpu.vector_load %arg14[%swap3A_498, %swap3A_499] {strides = array<i32>} : memref<45x16xf32, #tpu.memory_space<vmem>>, vector<16xf32>,
    tpu.vector_store %arg14[%swap3A_498, %swap3A_499], %convert_element_type3A_496 {strides = array<i32>} : memref<45x16xf32, #tpu.memory_space<vmem>>, vector<16xf32>,
    "tpu.region"() ({
      %run_scoped3A = tpu.sem_alloc : memref<!tpu.dma_semaphore, #tpu.memory_space<semaphore_mem>>
      %dma_start3A_501 = arith.constant 0 : i32
      %dma_start3A_502 = arith.constant 0 : i32
      %dma_start3A_503 = tpu.memref_slice %arg5[%add3A, %dma_start3A_501, %dma_start3A_502] : memref<32x45x16xf32, #tpu.memory_space<hbm>> -> memref<1x45x16xf32, #tpu.memory_space<hbm>>
      %dma_start3A_504 = tpu.memref_squeeze %dma_start3A_503 : memref<1x45x16xf32, #tpu.memory_space<hbm>> -> memref<45x16xf32, #tpu.memory_space<hbm>>
      %dma_start3A_505 = arith.constant 0 : i32
      %dma_start3A_506 = arith.constant 0 : i32
      %dma_start3A_507 = tpu.memref_slice %arg5[%add3A, %dma_start3A_505, %dma_start3A_506] : memref<32x45x16xf32, #tpu.memory_space<hbm>> -> memref<1x45x16xf32, #tpu.memory_space<hbm>>
      %dma_start3A_508 = tpu.memref_squeeze %dma_start3A_507 : memref<1x45x16xf32, #tpu.memory_space<hbm>> -> memref<45x16xf32, #tpu.memory_space<hbm>>
      tpu.enqueue_dma source(%arg14 : memref<45x16xf32, #tpu.memory_space<vmem>>) target(%dma_start3A_508 : memref<45x16xf32, #tpu.memory_space<hbm>>) target_semaphore(%run_scoped3A : memref<!tpu.dma_semaphore, #tpu.memory_space<semaphore_mem>>)
      %dma_wait3A_509 = arith.constant 0 : i32
      %dma_wait3A_510 = arith.constant 0 : i32
      %dma_wait3A_511 = tpu.memref_slice %arg5[%add3A, %dma_wait3A_509, %dma_wait3A_510] : memref<32x45x16xf32, #tpu.memory_space<hbm>> -> memref<1x45x16xf32, #tpu.memory_space<hbm>>
      %dma_wait3A_512 = tpu.memref_squeeze %dma_wait3A_511 : memref<1x45x16xf32, #tpu.memory_space<hbm>> -> memref<45x16xf32, #tpu.memory_space<hbm>>
      %dma_wait3A_513 = arith.constant 0 : i32
      %dma_wait3A_514 = arith.constant 0 : i32
      %dma_wait3A_515 = tpu.memref_slice %arg5[%add3A, %dma_wait3A_513, %dma_wait3A_514] : memref<32x45x16xf32, #tpu.memory_space<hbm>> -> memref<1x45x16xf32, #tpu.memory_space<hbm>>
      %dma_wait3A_516 = tpu.memref_squeeze %dma_wait3A_515 : memref<1x45x16xf32, #tpu.memory_space<hbm>> -> memref<45x16xf32, #tpu.memory_space<hbm>>
      tpu.wait_dma2 semaphore(%run_scoped3A : memref<!tpu.dma_semaphore, #tpu.memory_space<semaphore_mem>>) src(%arg14 : memref<45x16xf32, #tpu.memory_space<vmem>>) dst(%dma_wait3A_516 : memref<45x16xf32, #tpu.memory_space<hbm>>)
      tpu.yield
    }) : () -> ()
    return
  }
}

module attributes {stable_mosaic.version = 14 : i64} {
  func.func @_tc_hist(%arg0: i32, %arg1: memref<512x128xf32, #tpu.memory_space<vmem>>, %arg2: memref<512x128xi32, #tpu.memory_space<vmem>>, %arg3: memref<512x128xi32, #tpu.memory_space<vmem>>, %arg4: memref<45x128xf32, #tpu.memory_space<vmem>>) attributes {dimension_semantics = [#tpu.dimension_semantics<arbitrary>], iteration_bounds = array<i64: 11>, scalar_prefetch = 0 : i64, scratch_operands = 0 : i64, tpu.core_type = #tpu.core_type<tc>, window_params = [{transform_indices = @transform_0, window_bounds = array<i64: 512, 128>}, {transform_indices = @transform_1, window_bounds = array<i64: 512, 128>}, {transform_indices = @transform_2, window_bounds = array<i64: 512, 128>}, {pipeline_mode = #tpu.pipeline_mode<synchronous>, transform_indices = @transform_3, window_bounds = array<i64: 45, 128>}]} {
    %eq3A = arith.constant 0 : i32
    %eq3A_0 = arith.cmpi eq, %arg0, %eq3A : i32
    %convert_element_type3A = arith.extui %eq3A_0 : i1 to i32
    %cond3A = arith.constant 0 : i32
    %cond3A_1 = arith.cmpi ne, %convert_element_type3A, %cond3A : i32
    scf.if %cond3A_1 {
      %broadcast_in_dim3A_756 = arith.constant 0.000000e+00 : f32
      %broadcast_in_dim3A_757 = vector.broadcast %broadcast_in_dim3A_756 : f32 to vector<45x128xf32>
      %swap3A_758 = arith.constant 0 : index
      %swap3A_759 = arith.constant 0 : index
      %swap3A_760 = vector.load %arg4[%swap3A_758, %swap3A_759] : memref<45x128xf32, #tpu.memory_space<vmem>>, vector<45x128xf32>
      tpu.vector_store %arg4[%swap3A_758, %swap3A_759], %broadcast_in_dim3A_757 {strides = array<i32>} : memref<45x128xf32, #tpu.memory_space<vmem>>, vector<45x128xf32>,
    } else {
    }
    %get3A = arith.constant 0 : index
    %get3A_2 = arith.constant 0 : index
    %get3A_3 = vector.load %arg1[%get3A, %get3A_2] : memref<512x128xf32, #tpu.memory_space<vmem>>, vector<512x128xf32>
    %get3A_4 = arith.constant 0 : index
    %get3A_5 = arith.constant 0 : index
    %get3A_6 = vector.load %arg2[%get3A_4, %get3A_5] : memref<512x128xi32, #tpu.memory_space<vmem>>, vector<512x128xi32>
    %get3A_7 = arith.constant 0 : index
    %get3A_8 = arith.constant 0 : index
    %get3A_9 = vector.load %arg3[%get3A_7, %get3A_8] : memref<512x128xi32, #tpu.memory_space<vmem>>, vector<512x128xi32>
    %eq3A_10 = arith.cmpi eq, %get3A_6, %get3A_9 : vector<512x128xi32>
    %jit3A = arith.constant 1.000000e+00 : f32
    %jit3A_11 = arith.constant 0.000000e+00 : f32
    %broadcast_in_dim3A = vector.broadcast %jit3A : f32 to vector<512x128xf32>
    %broadcast_in_dim3A_12 = vector.broadcast %jit3A_11 : f32 to vector<512x128xf32>
    %select_n3A = arith.select %eq3A_10, %broadcast_in_dim3A, %broadcast_in_dim3A_12 : vector<512x128xi1>, vector<512x128xf32>
    %mul3A = arith.constant 512 : i32
    %mul3A_13 = arith.muli %arg0, %mul3A : i32
    %add3A = arith.constant 10240 : i32
    %add3A_14 = arith.addi %add3A, %mul3A_13 : i32
    %iota3A = tpu.iota {dimensions = array<i32: 0>} : vector<512x128xi32>
    %add3A_15 = vector.broadcast %add3A_14 : i32 to vector<512x128xi32>
    %add3A_16 = arith.addi %add3A_15, %iota3A : vector<512x128xi32>
    %lt3A = arith.constant 15625 : i32
    %lt3A_17 = vector.broadcast %lt3A : i32 to vector<512x128xi32>
    %lt3A_18 = arith.cmpi slt, %add3A_16, %lt3A_17 : vector<512x128xi32>
    %mul3A_19 = arith.constant 1.500000e+01 : f32
    %mul3A_20 = vector.broadcast %mul3A_19 : f32 to vector<512x128xf32>
    %mul3A_21 = arith.mulf %get3A_3, %mul3A_20 : vector<512x128xf32>
    %add3A_22 = arith.constant 5.000000e-01 : f32
    %add3A_23 = vector.broadcast %add3A_22 : f32 to vector<512x128xf32>
    %add3A_24 = arith.addf %mul3A_21, %add3A_23 : vector<512x128xf32>
    %convert_element_type3A_25 = arith.fptosi %add3A_24 : vector<512x128xf32> to vector<512x128xi32>
    %convert_element_type3A_26 = arith.sitofp %convert_element_type3A_25 : vector<512x128xi32> to vector<512x128xf32>
    %mul3A_27 = arith.constant 0.0666666701 : f32
    %mul3A_28 = vector.broadcast %mul3A_27 : f32 to vector<512x128xf32>
    %mul3A_29 = arith.mulf %convert_element_type3A_26, %mul3A_28 : vector<512x128xf32>
    %le3A = arith.cmpf ole, %get3A_3, %mul3A_29 : vector<512x128xf32>
    %jit3A_30 = arith.constant 1 : i32
    %jit3A_31 = arith.constant 0 : i32
    %broadcast_in_dim3A_32 = vector.broadcast %jit3A_30 : i32 to vector<512x128xi32>
    %broadcast_in_dim3A_33 = vector.broadcast %jit3A_31 : i32 to vector<512x128xi32>
    %select_n3A_34 = arith.select %le3A, %broadcast_in_dim3A_32, %broadcast_in_dim3A_33 : vector<512x128xi1>, vector<512x128xi32>
    %sub3A = arith.subi %convert_element_type3A_25, %select_n3A_34 : vector<512x128xi32>
    %jit3A_35 = arith.constant -1 : i32
    %broadcast_in_dim3A_36 = vector.broadcast %jit3A_35 : i32 to vector<512x128xi32>
    %select_n3A_37 = arith.select %lt3A_18, %sub3A, %broadcast_in_dim3A_36 : vector<512x128xi1>, vector<512x128xi32>
    %eq3A_38 = arith.constant 0 : i32
    %eq3A_39 = vector.broadcast %eq3A_38 : i32 to vector<512x128xi32>
    %eq3A_40 = arith.cmpi eq, %select_n3A_37, %eq3A_39 : vector<512x128xi32>
    %jit3A_41 = arith.constant 1.000000e+00 : f32
    %jit3A_42 = arith.constant 0.000000e+00 : f32
    %broadcast_in_dim3A_43 = vector.broadcast %jit3A_41 : f32 to vector<512x128xf32>
    %broadcast_in_dim3A_44 = vector.broadcast %jit3A_42 : f32 to vector<512x128xf32>
    %select_n3A_45 = arith.select %eq3A_40, %broadcast_in_dim3A_43, %broadcast_in_dim3A_44 : vector<512x128xi1>, vector<512x128xf32>
    %get3A_46 = arith.constant 0 : index
    %get3A_47 = arith.constant 0 : index
    %get3A_48 = vector.load %arg4[%get3A_46, %get3A_47] : memref<45x128xf32, #tpu.memory_space<vmem>>, vector<1x128xf32>
    %get3A_49 = vector.shape_cast %get3A_48 : vector<1x128xf32> to vector<128xf32>
    %reduce_sum3A = arith.constant dense<0.000000e+00> : vector<128xf32>
    %reduce_sum3A_50 = vector.multi_reduction <add>, %select_n3A_45, %reduce_sum3A [0] : vector<512x128xf32> to vector<128xf32>
    %add3A_51 = arith.addf %get3A_49, %reduce_sum3A_50 : vector<128xf32>
    %swap3A = arith.constant 0 : index
    %swap3A_52 = arith.constant 0 : index
    %swap3A_53 = vector.load %arg4[%swap3A, %swap3A_52] : memref<45x128xf32, #tpu.memory_space<vmem>>, vector<1x128xf32>
    %swap3A_54 = vector.shape_cast %swap3A_53 : vector<1x128xf32> to vector<128xf32>
    %swap3A_55 = vector.shape_cast %add3A_51 : vector<128xf32> to vector<1x128xf32>
    tpu.vector_store %arg4[%swap3A, %swap3A_52], %swap3A_55 {strides = array<i32>} : memref<45x128xf32, #tpu.memory_space<vmem>>, vector<1x128xf32>,
    %get3A_56 = arith.constant 15 : index
    %get3A_57 = arith.constant 0 : index
    %get3A_58 = vector.load %arg4[%get3A_56, %get3A_57] : memref<45x128xf32, #tpu.memory_space<vmem>>, vector<1x128xf32>
    %get3A_59 = vector.shape_cast %get3A_58 : vector<1x128xf32> to vector<128xf32>
    %jit3A_60 = arith.constant 0.000000e+00 : f32
    %broadcast_in_dim3A_61 = vector.broadcast %jit3A_60 : f32 to vector<512x128xf32>
    %select_n3A_62 = arith.select %eq3A_40, %get3A_3, %broadcast_in_dim3A_61 : vector<512x128xi1>, vector<512x128xf32>
    %reduce_sum3A_63 = arith.constant dense<0.000000e+00> : vector<128xf32>
    %reduce_sum3A_64 = vector.multi_reduction <add>, %select_n3A_62, %reduce_sum3A_63 [0] : vector<512x128xf32> to vector<128xf32>
    %add3A_65 = arith.addf %get3A_59, %reduce_sum3A_64 : vector<128xf32>
    %swap3A_66 = arith.constant 15 : index
    %swap3A_67 = arith.constant 0 : index
    %swap3A_68 = vector.load %arg4[%swap3A_66, %swap3A_67] : memref<45x128xf32, #tpu.memory_space<vmem>>, vector<1x128xf32>
    %swap3A_69 = vector.shape_cast %swap3A_68 : vector<1x128xf32> to vector<128xf32>
    %swap3A_70 = vector.shape_cast %add3A_65 : vector<128xf32> to vector<1x128xf32>
    tpu.vector_store %arg4[%swap3A_66, %swap3A_67], %swap3A_70 {strides = array<i32>} : memref<45x128xf32, #tpu.memory_space<vmem>>, vector<1x128xf32>,
    %get3A_71 = arith.constant 30 : index
    %get3A_72 = arith.constant 0 : index
    %get3A_73 = vector.load %arg4[%get3A_71, %get3A_72] : memref<45x128xf32, #tpu.memory_space<vmem>>, vector<1x128xf32>
    %get3A_74 = vector.shape_cast %get3A_73 : vector<1x128xf32> to vector<128xf32>
    %mul3A_75 = arith.mulf %select_n3A_45, %select_n3A : vector<512x128xf32>
    %reduce_sum3A_76 = arith.constant dense<0.000000e+00> : vector<128xf32>
    %reduce_sum3A_77 = vector.multi_reduction <add>, %mul3A_75, %reduce_sum3A_76 [0] : vector<512x128xf32> to vector<128xf32>
    %add3A_78 = arith.addf %get3A_74, %reduce_sum3A_77 : vector<128xf32>
    %swap3A_79 = arith.constant 30 : index
    %swap3A_80 = arith.constant 0 : index
    %swap3A_81 = vector.load %arg4[%swap3A_79, %swap3A_80] : memref<45x128xf32, #tpu.memory_space<vmem>>, vector<1x128xf32>
    %swap3A_82 = vector.shape_cast %swap3A_81 : vector<1x128xf32> to vector<128xf32>
    %swap3A_83 = vector.shape_cast %add3A_78 : vector<128xf32> to vector<1x128xf32>
    tpu.vector_store %arg4[%swap3A_79, %swap3A_80], %swap3A_83 {strides = array<i32>} : memref<45x128xf32, #tpu.memory_space<vmem>>, vector<1x128xf32>,
    %eq3A_84 = arith.constant 1 : i32
    %eq3A_85 = vector.broadcast %eq3A_84 : i32 to vector<512x128xi32>
    %eq3A_86 = arith.cmpi eq, %select_n3A_37, %eq3A_85 : vector<512x128xi32>
    %jit3A_87 = arith.constant 1.000000e+00 : f32
    %jit3A_88 = arith.constant 0.000000e+00 : f32
    %broadcast_in_dim3A_89 = vector.broadcast %jit3A_87 : f32 to vector<512x128xf32>
    %broadcast_in_dim3A_90 = vector.broadcast %jit3A_88 : f32 to vector<512x128xf32>
    %select_n3A_91 = arith.select %eq3A_86, %broadcast_in_dim3A_89, %broadcast_in_dim3A_90 : vector<512x128xi1>, vector<512x128xf32>
    %get3A_92 = arith.constant 1 : index
    %get3A_93 = arith.constant 0 : index
    %get3A_94 = vector.load %arg4[%get3A_92, %get3A_93] : memref<45x128xf32, #tpu.memory_space<vmem>>, vector<1x128xf32>
    %get3A_95 = vector.shape_cast %get3A_94 : vector<1x128xf32> to vector<128xf32>
    %reduce_sum3A_96 = arith.constant dense<0.000000e+00> : vector<128xf32>
    %reduce_sum3A_97 = vector.multi_reduction <add>, %select_n3A_91, %reduce_sum3A_96 [0] : vector<512x128xf32> to vector<128xf32>
    %add3A_98 = arith.addf %get3A_95, %reduce_sum3A_97 : vector<128xf32>
    %swap3A_99 = arith.constant 1 : index
    %swap3A_100 = arith.constant 0 : index
    %swap3A_101 = vector.load %arg4[%swap3A_99, %swap3A_100] : memref<45x128xf32, #tpu.memory_space<vmem>>, vector<1x128xf32>
    %swap3A_102 = vector.shape_cast %swap3A_101 : vector<1x128xf32> to vector<128xf32>
    %swap3A_103 = vector.shape_cast %add3A_98 : vector<128xf32> to vector<1x128xf32>
    tpu.vector_store %arg4[%swap3A_99, %swap3A_100], %swap3A_103 {strides = array<i32>} : memref<45x128xf32, #tpu.memory_space<vmem>>, vector<1x128xf32>,
    %get3A_104 = arith.constant 16 : index
    %get3A_105 = arith.constant 0 : index
    %get3A_106 = vector.load %arg4[%get3A_104, %get3A_105] : memref<45x128xf32, #tpu.memory_space<vmem>>, vector<1x128xf32>
    %get3A_107 = vector.shape_cast %get3A_106 : vector<1x128xf32> to vector<128xf32>
    %jit3A_108 = arith.constant 0.000000e+00 : f32
    %broadcast_in_dim3A_109 = vector.broadcast %jit3A_108 : f32 to vector<512x128xf32>
    %select_n3A_110 = arith.select %eq3A_86, %get3A_3, %broadcast_in_dim3A_109 : vector<512x128xi1>, vector<512x128xf32>
    %reduce_sum3A_111 = arith.constant dense<0.000000e+00> : vector<128xf32>
    %reduce_sum3A_112 = vector.multi_reduction <add>, %select_n3A_110, %reduce_sum3A_111 [0] : vector<512x128xf32> to vector<128xf32>
    %add3A_113 = arith.addf %get3A_107, %reduce_sum3A_112 : vector<128xf32>
    %swap3A_114 = arith.constant 16 : index
    %swap3A_115 = arith.constant 0 : index
    %swap3A_116 = vector.load %arg4[%swap3A_114, %swap3A_115] : memref<45x128xf32, #tpu.memory_space<vmem>>, vector<1x128xf32>
    %swap3A_117 = vector.shape_cast %swap3A_116 : vector<1x128xf32> to vector<128xf32>
    %swap3A_118 = vector.shape_cast %add3A_113 : vector<128xf32> to vector<1x128xf32>
    tpu.vector_store %arg4[%swap3A_114, %swap3A_115], %swap3A_118 {strides = array<i32>} : memref<45x128xf32, #tpu.memory_space<vmem>>, vector<1x128xf32>,
    %get3A_119 = arith.constant 31 : index
    %get3A_120 = arith.constant 0 : index
    %get3A_121 = vector.load %arg4[%get3A_119, %get3A_120] : memref<45x128xf32, #tpu.memory_space<vmem>>, vector<1x128xf32>
    %get3A_122 = vector.shape_cast %get3A_121 : vector<1x128xf32> to vector<128xf32>
    %mul3A_123 = arith.mulf %select_n3A_91, %select_n3A : vector<512x128xf32>
    %reduce_sum3A_124 = arith.constant dense<0.000000e+00> : vector<128xf32>
    %reduce_sum3A_125 = vector.multi_reduction <add>, %mul3A_123, %reduce_sum3A_124 [0] : vector<512x128xf32> to vector<128xf32>
    %add3A_126 = arith.addf %get3A_122, %reduce_sum3A_125 : vector<128xf32>
    %swap3A_127 = arith.constant 31 : index
    %swap3A_128 = arith.constant 0 : index
    %swap3A_129 = vector.load %arg4[%swap3A_127, %swap3A_128] : memref<45x128xf32, #tpu.memory_space<vmem>>, vector<1x128xf32>
    %swap3A_130 = vector.shape_cast %swap3A_129 : vector<1x128xf32> to vector<128xf32>
    %swap3A_131 = vector.shape_cast %add3A_126 : vector<128xf32> to vector<1x128xf32>
    tpu.vector_store %arg4[%swap3A_127, %swap3A_128], %swap3A_131 {strides = array<i32>} : memref<45x128xf32, #tpu.memory_space<vmem>>, vector<1x128xf32>,
    %eq3A_132 = arith.constant 2 : i32
    %eq3A_133 = vector.broadcast %eq3A_132 : i32 to vector<512x128xi32>
    %eq3A_134 = arith.cmpi eq, %select_n3A_37, %eq3A_133 : vector<512x128xi32>
    %jit3A_135 = arith.constant 1.000000e+00 : f32
    %jit3A_136 = arith.constant 0.000000e+00 : f32
    %broadcast_in_dim3A_137 = vector.broadcast %jit3A_135 : f32 to vector<512x128xf32>
    %broadcast_in_dim3A_138 = vector.broadcast %jit3A_136 : f32 to vector<512x128xf32>
    %select_n3A_139 = arith.select %eq3A_134, %broadcast_in_dim3A_137, %broadcast_in_dim3A_138 : vector<512x128xi1>, vector<512x128xf32>
    %get3A_140 = arith.constant 2 : index
    %get3A_141 = arith.constant 0 : index
    %get3A_142 = vector.load %arg4[%get3A_140, %get3A_141] : memref<45x128xf32, #tpu.memory_space<vmem>>, vector<1x128xf32>
    %get3A_143 = vector.shape_cast %get3A_142 : vector<1x128xf32> to vector<128xf32>
    %reduce_sum3A_144 = arith.constant dense<0.000000e+00> : vector<128xf32>
    %reduce_sum3A_145 = vector.multi_reduction <add>, %select_n3A_139, %reduce_sum3A_144 [0] : vector<512x128xf32> to vector<128xf32>
    %add3A_146 = arith.addf %get3A_143, %reduce_sum3A_145 : vector<128xf32>
    %swap3A_147 = arith.constant 2 : index
    %swap3A_148 = arith.constant 0 : index
    %swap3A_149 = vector.load %arg4[%swap3A_147, %swap3A_148] : memref<45x128xf32, #tpu.memory_space<vmem>>, vector<1x128xf32>
    %swap3A_150 = vector.shape_cast %swap3A_149 : vector<1x128xf32> to vector<128xf32>
    %swap3A_151 = vector.shape_cast %add3A_146 : vector<128xf32> to vector<1x128xf32>
    tpu.vector_store %arg4[%swap3A_147, %swap3A_148], %swap3A_151 {strides = array<i32>} : memref<45x128xf32, #tpu.memory_space<vmem>>, vector<1x128xf32>,
    %get3A_152 = arith.constant 17 : index
    %get3A_153 = arith.constant 0 : index
    %get3A_154 = vector.load %arg4[%get3A_152, %get3A_153] : memref<45x128xf32, #tpu.memory_space<vmem>>, vector<1x128xf32>
    %get3A_155 = vector.shape_cast %get3A_154 : vector<1x128xf32> to vector<128xf32>
    %jit3A_156 = arith.constant 0.000000e+00 : f32
    %broadcast_in_dim3A_157 = vector.broadcast %jit3A_156 : f32 to vector<512x128xf32>
    %select_n3A_158 = arith.select %eq3A_134, %get3A_3, %broadcast_in_dim3A_157 : vector<512x128xi1>, vector<512x128xf32>
    %reduce_sum3A_159 = arith.constant dense<0.000000e+00> : vector<128xf32>
    %reduce_sum3A_160 = vector.multi_reduction <add>, %select_n3A_158, %reduce_sum3A_159 [0] : vector<512x128xf32> to vector<128xf32>
    %add3A_161 = arith.addf %get3A_155, %reduce_sum3A_160 : vector<128xf32>
    %swap3A_162 = arith.constant 17 : index
    %swap3A_163 = arith.constant 0 : index
    %swap3A_164 = vector.load %arg4[%swap3A_162, %swap3A_163] : memref<45x128xf32, #tpu.memory_space<vmem>>, vector<1x128xf32>
    %swap3A_165 = vector.shape_cast %swap3A_164 : vector<1x128xf32> to vector<128xf32>
    %swap3A_166 = vector.shape_cast %add3A_161 : vector<128xf32> to vector<1x128xf32>
    tpu.vector_store %arg4[%swap3A_162, %swap3A_163], %swap3A_166 {strides = array<i32>} : memref<45x128xf32, #tpu.memory_space<vmem>>, vector<1x128xf32>,
    %get3A_167 = arith.constant 32 : index
    %get3A_168 = arith.constant 0 : index
    %get3A_169 = vector.load %arg4[%get3A_167, %get3A_168] : memref<45x128xf32, #tpu.memory_space<vmem>>, vector<1x128xf32>
    %get3A_170 = vector.shape_cast %get3A_169 : vector<1x128xf32> to vector<128xf32>
    %mul3A_171 = arith.mulf %select_n3A_139, %select_n3A : vector<512x128xf32>
    %reduce_sum3A_172 = arith.constant dense<0.000000e+00> : vector<128xf32>
    %reduce_sum3A_173 = vector.multi_reduction <add>, %mul3A_171, %reduce_sum3A_172 [0] : vector<512x128xf32> to vector<128xf32>
    %add3A_174 = arith.addf %get3A_170, %reduce_sum3A_173 : vector<128xf32>
    %swap3A_175 = arith.constant 32 : index
    %swap3A_176 = arith.constant 0 : index
    %swap3A_177 = vector.load %arg4[%swap3A_175, %swap3A_176] : memref<45x128xf32, #tpu.memory_space<vmem>>, vector<1x128xf32>
    %swap3A_178 = vector.shape_cast %swap3A_177 : vector<1x128xf32> to vector<128xf32>
    %swap3A_179 = vector.shape_cast %add3A_174 : vector<128xf32> to vector<1x128xf32>
    tpu.vector_store %arg4[%swap3A_175, %swap3A_176], %swap3A_179 {strides = array<i32>} : memref<45x128xf32, #tpu.memory_space<vmem>>, vector<1x128xf32>,
    %eq3A_180 = arith.constant 3 : i32
    %eq3A_181 = vector.broadcast %eq3A_180 : i32 to vector<512x128xi32>
    %eq3A_182 = arith.cmpi eq, %select_n3A_37, %eq3A_181 : vector<512x128xi32>
    %jit3A_183 = arith.constant 1.000000e+00 : f32
    %jit3A_184 = arith.constant 0.000000e+00 : f32
    %broadcast_in_dim3A_185 = vector.broadcast %jit3A_183 : f32 to vector<512x128xf32>
    %broadcast_in_dim3A_186 = vector.broadcast %jit3A_184 : f32 to vector<512x128xf32>
    %select_n3A_187 = arith.select %eq3A_182, %broadcast_in_dim3A_185, %broadcast_in_dim3A_186 : vector<512x128xi1>, vector<512x128xf32>
    %get3A_188 = arith.constant 3 : index
    %get3A_189 = arith.constant 0 : index
    %get3A_190 = vector.load %arg4[%get3A_188, %get3A_189] : memref<45x128xf32, #tpu.memory_space<vmem>>, vector<1x128xf32>
    %get3A_191 = vector.shape_cast %get3A_190 : vector<1x128xf32> to vector<128xf32>
    %reduce_sum3A_192 = arith.constant dense<0.000000e+00> : vector<128xf32>
    %reduce_sum3A_193 = vector.multi_reduction <add>, %select_n3A_187, %reduce_sum3A_192 [0] : vector<512x128xf32> to vector<128xf32>
    %add3A_194 = arith.addf %get3A_191, %reduce_sum3A_193 : vector<128xf32>
    %swap3A_195 = arith.constant 3 : index
    %swap3A_196 = arith.constant 0 : index
    %swap3A_197 = vector.load %arg4[%swap3A_195, %swap3A_196] : memref<45x128xf32, #tpu.memory_space<vmem>>, vector<1x128xf32>
    %swap3A_198 = vector.shape_cast %swap3A_197 : vector<1x128xf32> to vector<128xf32>
    %swap3A_199 = vector.shape_cast %add3A_194 : vector<128xf32> to vector<1x128xf32>
    tpu.vector_store %arg4[%swap3A_195, %swap3A_196], %swap3A_199 {strides = array<i32>} : memref<45x128xf32, #tpu.memory_space<vmem>>, vector<1x128xf32>,
    %get3A_200 = arith.constant 18 : index
    %get3A_201 = arith.constant 0 : index
    %get3A_202 = vector.load %arg4[%get3A_200, %get3A_201] : memref<45x128xf32, #tpu.memory_space<vmem>>, vector<1x128xf32>
    %get3A_203 = vector.shape_cast %get3A_202 : vector<1x128xf32> to vector<128xf32>
    %jit3A_204 = arith.constant 0.000000e+00 : f32
    %broadcast_in_dim3A_205 = vector.broadcast %jit3A_204 : f32 to vector<512x128xf32>
    %select_n3A_206 = arith.select %eq3A_182, %get3A_3, %broadcast_in_dim3A_205 : vector<512x128xi1>, vector<512x128xf32>
    %reduce_sum3A_207 = arith.constant dense<0.000000e+00> : vector<128xf32>
    %reduce_sum3A_208 = vector.multi_reduction <add>, %select_n3A_206, %reduce_sum3A_207 [0] : vector<512x128xf32> to vector<128xf32>
    %add3A_209 = arith.addf %get3A_203, %reduce_sum3A_208 : vector<128xf32>
    %swap3A_210 = arith.constant 18 : index
    %swap3A_211 = arith.constant 0 : index
    %swap3A_212 = vector.load %arg4[%swap3A_210, %swap3A_211] : memref<45x128xf32, #tpu.memory_space<vmem>>, vector<1x128xf32>
    %swap3A_213 = vector.shape_cast %swap3A_212 : vector<1x128xf32> to vector<128xf32>
    %swap3A_214 = vector.shape_cast %add3A_209 : vector<128xf32> to vector<1x128xf32>
    tpu.vector_store %arg4[%swap3A_210, %swap3A_211], %swap3A_214 {strides = array<i32>} : memref<45x128xf32, #tpu.memory_space<vmem>>, vector<1x128xf32>,
    %get3A_215 = arith.constant 33 : index
    %get3A_216 = arith.constant 0 : index
    %get3A_217 = vector.load %arg4[%get3A_215, %get3A_216] : memref<45x128xf32, #tpu.memory_space<vmem>>, vector<1x128xf32>
    %get3A_218 = vector.shape_cast %get3A_217 : vector<1x128xf32> to vector<128xf32>
    %mul3A_219 = arith.mulf %select_n3A_187, %select_n3A : vector<512x128xf32>
    %reduce_sum3A_220 = arith.constant dense<0.000000e+00> : vector<128xf32>
    %reduce_sum3A_221 = vector.multi_reduction <add>, %mul3A_219, %reduce_sum3A_220 [0] : vector<512x128xf32> to vector<128xf32>
    %add3A_222 = arith.addf %get3A_218, %reduce_sum3A_221 : vector<128xf32>
    %swap3A_223 = arith.constant 33 : index
    %swap3A_224 = arith.constant 0 : index
    %swap3A_225 = vector.load %arg4[%swap3A_223, %swap3A_224] : memref<45x128xf32, #tpu.memory_space<vmem>>, vector<1x128xf32>
    %swap3A_226 = vector.shape_cast %swap3A_225 : vector<1x128xf32> to vector<128xf32>
    %swap3A_227 = vector.shape_cast %add3A_222 : vector<128xf32> to vector<1x128xf32>
    tpu.vector_store %arg4[%swap3A_223, %swap3A_224], %swap3A_227 {strides = array<i32>} : memref<45x128xf32, #tpu.memory_space<vmem>>, vector<1x128xf32>,
    %eq3A_228 = arith.constant 4 : i32
    %eq3A_229 = vector.broadcast %eq3A_228 : i32 to vector<512x128xi32>
    %eq3A_230 = arith.cmpi eq, %select_n3A_37, %eq3A_229 : vector<512x128xi32>
    %jit3A_231 = arith.constant 1.000000e+00 : f32
    %jit3A_232 = arith.constant 0.000000e+00 : f32
    %broadcast_in_dim3A_233 = vector.broadcast %jit3A_231 : f32 to vector<512x128xf32>
    %broadcast_in_dim3A_234 = vector.broadcast %jit3A_232 : f32 to vector<512x128xf32>
    %select_n3A_235 = arith.select %eq3A_230, %broadcast_in_dim3A_233, %broadcast_in_dim3A_234 : vector<512x128xi1>, vector<512x128xf32>
    %get3A_236 = arith.constant 4 : index
    %get3A_237 = arith.constant 0 : index
    %get3A_238 = vector.load %arg4[%get3A_236, %get3A_237] : memref<45x128xf32, #tpu.memory_space<vmem>>, vector<1x128xf32>
    %get3A_239 = vector.shape_cast %get3A_238 : vector<1x128xf32> to vector<128xf32>
    %reduce_sum3A_240 = arith.constant dense<0.000000e+00> : vector<128xf32>
    %reduce_sum3A_241 = vector.multi_reduction <add>, %select_n3A_235, %reduce_sum3A_240 [0] : vector<512x128xf32> to vector<128xf32>
    %add3A_242 = arith.addf %get3A_239, %reduce_sum3A_241 : vector<128xf32>
    %swap3A_243 = arith.constant 4 : index
    %swap3A_244 = arith.constant 0 : index
    %swap3A_245 = vector.load %arg4[%swap3A_243, %swap3A_244] : memref<45x128xf32, #tpu.memory_space<vmem>>, vector<1x128xf32>
    %swap3A_246 = vector.shape_cast %swap3A_245 : vector<1x128xf32> to vector<128xf32>
    %swap3A_247 = vector.shape_cast %add3A_242 : vector<128xf32> to vector<1x128xf32>
    tpu.vector_store %arg4[%swap3A_243, %swap3A_244], %swap3A_247 {strides = array<i32>} : memref<45x128xf32, #tpu.memory_space<vmem>>, vector<1x128xf32>,
    %get3A_248 = arith.constant 19 : index
    %get3A_249 = arith.constant 0 : index
    %get3A_250 = vector.load %arg4[%get3A_248, %get3A_249] : memref<45x128xf32, #tpu.memory_space<vmem>>, vector<1x128xf32>
    %get3A_251 = vector.shape_cast %get3A_250 : vector<1x128xf32> to vector<128xf32>
    %jit3A_252 = arith.constant 0.000000e+00 : f32
    %broadcast_in_dim3A_253 = vector.broadcast %jit3A_252 : f32 to vector<512x128xf32>
    %select_n3A_254 = arith.select %eq3A_230, %get3A_3, %broadcast_in_dim3A_253 : vector<512x128xi1>, vector<512x128xf32>
    %reduce_sum3A_255 = arith.constant dense<0.000000e+00> : vector<128xf32>
    %reduce_sum3A_256 = vector.multi_reduction <add>, %select_n3A_254, %reduce_sum3A_255 [0] : vector<512x128xf32> to vector<128xf32>
    %add3A_257 = arith.addf %get3A_251, %reduce_sum3A_256 : vector<128xf32>
    %swap3A_258 = arith.constant 19 : index
    %swap3A_259 = arith.constant 0 : index
    %swap3A_260 = vector.load %arg4[%swap3A_258, %swap3A_259] : memref<45x128xf32, #tpu.memory_space<vmem>>, vector<1x128xf32>
    %swap3A_261 = vector.shape_cast %swap3A_260 : vector<1x128xf32> to vector<128xf32>
    %swap3A_262 = vector.shape_cast %add3A_257 : vector<128xf32> to vector<1x128xf32>
    tpu.vector_store %arg4[%swap3A_258, %swap3A_259], %swap3A_262 {strides = array<i32>} : memref<45x128xf32, #tpu.memory_space<vmem>>, vector<1x128xf32>,
    %get3A_263 = arith.constant 34 : index
    %get3A_264 = arith.constant 0 : index
    %get3A_265 = vector.load %arg4[%get3A_263, %get3A_264] : memref<45x128xf32, #tpu.memory_space<vmem>>, vector<1x128xf32>
    %get3A_266 = vector.shape_cast %get3A_265 : vector<1x128xf32> to vector<128xf32>
    %mul3A_267 = arith.mulf %select_n3A_235, %select_n3A : vector<512x128xf32>
    %reduce_sum3A_268 = arith.constant dense<0.000000e+00> : vector<128xf32>
    %reduce_sum3A_269 = vector.multi_reduction <add>, %mul3A_267, %reduce_sum3A_268 [0] : vector<512x128xf32> to vector<128xf32>
    %add3A_270 = arith.addf %get3A_266, %reduce_sum3A_269 : vector<128xf32>
    %swap3A_271 = arith.constant 34 : index
    %swap3A_272 = arith.constant 0 : index
    %swap3A_273 = vector.load %arg4[%swap3A_271, %swap3A_272] : memref<45x128xf32, #tpu.memory_space<vmem>>, vector<1x128xf32>
    %swap3A_274 = vector.shape_cast %swap3A_273 : vector<1x128xf32> to vector<128xf32>
    %swap3A_275 = vector.shape_cast %add3A_270 : vector<128xf32> to vector<1x128xf32>
    tpu.vector_store %arg4[%swap3A_271, %swap3A_272], %swap3A_275 {strides = array<i32>} : memref<45x128xf32, #tpu.memory_space<vmem>>, vector<1x128xf32>,
    %eq3A_276 = arith.constant 5 : i32
    %eq3A_277 = vector.broadcast %eq3A_276 : i32 to vector<512x128xi32>
    %eq3A_278 = arith.cmpi eq, %select_n3A_37, %eq3A_277 : vector<512x128xi32>
    %jit3A_279 = arith.constant 1.000000e+00 : f32
    %jit3A_280 = arith.constant 0.000000e+00 : f32
    %broadcast_in_dim3A_281 = vector.broadcast %jit3A_279 : f32 to vector<512x128xf32>
    %broadcast_in_dim3A_282 = vector.broadcast %jit3A_280 : f32 to vector<512x128xf32>
    %select_n3A_283 = arith.select %eq3A_278, %broadcast_in_dim3A_281, %broadcast_in_dim3A_282 : vector<512x128xi1>, vector<512x128xf32>
    %get3A_284 = arith.constant 5 : index
    %get3A_285 = arith.constant 0 : index
    %get3A_286 = vector.load %arg4[%get3A_284, %get3A_285] : memref<45x128xf32, #tpu.memory_space<vmem>>, vector<1x128xf32>
    %get3A_287 = vector.shape_cast %get3A_286 : vector<1x128xf32> to vector<128xf32>
    %reduce_sum3A_288 = arith.constant dense<0.000000e+00> : vector<128xf32>
    %reduce_sum3A_289 = vector.multi_reduction <add>, %select_n3A_283, %reduce_sum3A_288 [0] : vector<512x128xf32> to vector<128xf32>
    %add3A_290 = arith.addf %get3A_287, %reduce_sum3A_289 : vector<128xf32>
    %swap3A_291 = arith.constant 5 : index
    %swap3A_292 = arith.constant 0 : index
    %swap3A_293 = vector.load %arg4[%swap3A_291, %swap3A_292] : memref<45x128xf32, #tpu.memory_space<vmem>>, vector<1x128xf32>
    %swap3A_294 = vector.shape_cast %swap3A_293 : vector<1x128xf32> to vector<128xf32>
    %swap3A_295 = vector.shape_cast %add3A_290 : vector<128xf32> to vector<1x128xf32>
    tpu.vector_store %arg4[%swap3A_291, %swap3A_292], %swap3A_295 {strides = array<i32>} : memref<45x128xf32, #tpu.memory_space<vmem>>, vector<1x128xf32>,
    %get3A_296 = arith.constant 20 : index
    %get3A_297 = arith.constant 0 : index
    %get3A_298 = vector.load %arg4[%get3A_296, %get3A_297] : memref<45x128xf32, #tpu.memory_space<vmem>>, vector<1x128xf32>
    %get3A_299 = vector.shape_cast %get3A_298 : vector<1x128xf32> to vector<128xf32>
    %jit3A_300 = arith.constant 0.000000e+00 : f32
    %broadcast_in_dim3A_301 = vector.broadcast %jit3A_300 : f32 to vector<512x128xf32>
    %select_n3A_302 = arith.select %eq3A_278, %get3A_3, %broadcast_in_dim3A_301 : vector<512x128xi1>, vector<512x128xf32>
    %reduce_sum3A_303 = arith.constant dense<0.000000e+00> : vector<128xf32>
    %reduce_sum3A_304 = vector.multi_reduction <add>, %select_n3A_302, %reduce_sum3A_303 [0] : vector<512x128xf32> to vector<128xf32>
    %add3A_305 = arith.addf %get3A_299, %reduce_sum3A_304 : vector<128xf32>
    %swap3A_306 = arith.constant 20 : index
    %swap3A_307 = arith.constant 0 : index
    %swap3A_308 = vector.load %arg4[%swap3A_306, %swap3A_307] : memref<45x128xf32, #tpu.memory_space<vmem>>, vector<1x128xf32>
    %swap3A_309 = vector.shape_cast %swap3A_308 : vector<1x128xf32> to vector<128xf32>
    %swap3A_310 = vector.shape_cast %add3A_305 : vector<128xf32> to vector<1x128xf32>
    tpu.vector_store %arg4[%swap3A_306, %swap3A_307], %swap3A_310 {strides = array<i32>} : memref<45x128xf32, #tpu.memory_space<vmem>>, vector<1x128xf32>,
    %get3A_311 = arith.constant 35 : index
    %get3A_312 = arith.constant 0 : index
    %get3A_313 = vector.load %arg4[%get3A_311, %get3A_312] : memref<45x128xf32, #tpu.memory_space<vmem>>, vector<1x128xf32>
    %get3A_314 = vector.shape_cast %get3A_313 : vector<1x128xf32> to vector<128xf32>
    %mul3A_315 = arith.mulf %select_n3A_283, %select_n3A : vector<512x128xf32>
    %reduce_sum3A_316 = arith.constant dense<0.000000e+00> : vector<128xf32>
    %reduce_sum3A_317 = vector.multi_reduction <add>, %mul3A_315, %reduce_sum3A_316 [0] : vector<512x128xf32> to vector<128xf32>
    %add3A_318 = arith.addf %get3A_314, %reduce_sum3A_317 : vector<128xf32>
    %swap3A_319 = arith.constant 35 : index
    %swap3A_320 = arith.constant 0 : index
    %swap3A_321 = vector.load %arg4[%swap3A_319, %swap3A_320] : memref<45x128xf32, #tpu.memory_space<vmem>>, vector<1x128xf32>
    %swap3A_322 = vector.shape_cast %swap3A_321 : vector<1x128xf32> to vector<128xf32>
    %swap3A_323 = vector.shape_cast %add3A_318 : vector<128xf32> to vector<1x128xf32>
    tpu.vector_store %arg4[%swap3A_319, %swap3A_320], %swap3A_323 {strides = array<i32>} : memref<45x128xf32, #tpu.memory_space<vmem>>, vector<1x128xf32>,
    %eq3A_324 = arith.constant 6 : i32
    %eq3A_325 = vector.broadcast %eq3A_324 : i32 to vector<512x128xi32>
    %eq3A_326 = arith.cmpi eq, %select_n3A_37, %eq3A_325 : vector<512x128xi32>
    %jit3A_327 = arith.constant 1.000000e+00 : f32
    %jit3A_328 = arith.constant 0.000000e+00 : f32
    %broadcast_in_dim3A_329 = vector.broadcast %jit3A_327 : f32 to vector<512x128xf32>
    %broadcast_in_dim3A_330 = vector.broadcast %jit3A_328 : f32 to vector<512x128xf32>
    %select_n3A_331 = arith.select %eq3A_326, %broadcast_in_dim3A_329, %broadcast_in_dim3A_330 : vector<512x128xi1>, vector<512x128xf32>
    %get3A_332 = arith.constant 6 : index
    %get3A_333 = arith.constant 0 : index
    %get3A_334 = vector.load %arg4[%get3A_332, %get3A_333] : memref<45x128xf32, #tpu.memory_space<vmem>>, vector<1x128xf32>
    %get3A_335 = vector.shape_cast %get3A_334 : vector<1x128xf32> to vector<128xf32>
    %reduce_sum3A_336 = arith.constant dense<0.000000e+00> : vector<128xf32>
    %reduce_sum3A_337 = vector.multi_reduction <add>, %select_n3A_331, %reduce_sum3A_336 [0] : vector<512x128xf32> to vector<128xf32>
    %add3A_338 = arith.addf %get3A_335, %reduce_sum3A_337 : vector<128xf32>
    %swap3A_339 = arith.constant 6 : index
    %swap3A_340 = arith.constant 0 : index
    %swap3A_341 = vector.load %arg4[%swap3A_339, %swap3A_340] : memref<45x128xf32, #tpu.memory_space<vmem>>, vector<1x128xf32>
    %swap3A_342 = vector.shape_cast %swap3A_341 : vector<1x128xf32> to vector<128xf32>
    %swap3A_343 = vector.shape_cast %add3A_338 : vector<128xf32> to vector<1x128xf32>
    tpu.vector_store %arg4[%swap3A_339, %swap3A_340], %swap3A_343 {strides = array<i32>} : memref<45x128xf32, #tpu.memory_space<vmem>>, vector<1x128xf32>,
    %get3A_344 = arith.constant 21 : index
    %get3A_345 = arith.constant 0 : index
    %get3A_346 = vector.load %arg4[%get3A_344, %get3A_345] : memref<45x128xf32, #tpu.memory_space<vmem>>, vector<1x128xf32>
    %get3A_347 = vector.shape_cast %get3A_346 : vector<1x128xf32> to vector<128xf32>
    %jit3A_348 = arith.constant 0.000000e+00 : f32
    %broadcast_in_dim3A_349 = vector.broadcast %jit3A_348 : f32 to vector<512x128xf32>
    %select_n3A_350 = arith.select %eq3A_326, %get3A_3, %broadcast_in_dim3A_349 : vector<512x128xi1>, vector<512x128xf32>
    %reduce_sum3A_351 = arith.constant dense<0.000000e+00> : vector<128xf32>
    %reduce_sum3A_352 = vector.multi_reduction <add>, %select_n3A_350, %reduce_sum3A_351 [0] : vector<512x128xf32> to vector<128xf32>
    %add3A_353 = arith.addf %get3A_347, %reduce_sum3A_352 : vector<128xf32>
    %swap3A_354 = arith.constant 21 : index
    %swap3A_355 = arith.constant 0 : index
    %swap3A_356 = vector.load %arg4[%swap3A_354, %swap3A_355] : memref<45x128xf32, #tpu.memory_space<vmem>>, vector<1x128xf32>
    %swap3A_357 = vector.shape_cast %swap3A_356 : vector<1x128xf32> to vector<128xf32>
    %swap3A_358 = vector.shape_cast %add3A_353 : vector<128xf32> to vector<1x128xf32>
    tpu.vector_store %arg4[%swap3A_354, %swap3A_355], %swap3A_358 {strides = array<i32>} : memref<45x128xf32, #tpu.memory_space<vmem>>, vector<1x128xf32>,
    %get3A_359 = arith.constant 36 : index
    %get3A_360 = arith.constant 0 : index
    %get3A_361 = vector.load %arg4[%get3A_359, %get3A_360] : memref<45x128xf32, #tpu.memory_space<vmem>>, vector<1x128xf32>
    %get3A_362 = vector.shape_cast %get3A_361 : vector<1x128xf32> to vector<128xf32>
    %mul3A_363 = arith.mulf %select_n3A_331, %select_n3A : vector<512x128xf32>
    %reduce_sum3A_364 = arith.constant dense<0.000000e+00> : vector<128xf32>
    %reduce_sum3A_365 = vector.multi_reduction <add>, %mul3A_363, %reduce_sum3A_364 [0] : vector<512x128xf32> to vector<128xf32>
    %add3A_366 = arith.addf %get3A_362, %reduce_sum3A_365 : vector<128xf32>
    %swap3A_367 = arith.constant 36 : index
    %swap3A_368 = arith.constant 0 : index
    %swap3A_369 = vector.load %arg4[%swap3A_367, %swap3A_368] : memref<45x128xf32, #tpu.memory_space<vmem>>, vector<1x128xf32>
    %swap3A_370 = vector.shape_cast %swap3A_369 : vector<1x128xf32> to vector<128xf32>
    %swap3A_371 = vector.shape_cast %add3A_366 : vector<128xf32> to vector<1x128xf32>
    tpu.vector_store %arg4[%swap3A_367, %swap3A_368], %swap3A_371 {strides = array<i32>} : memref<45x128xf32, #tpu.memory_space<vmem>>, vector<1x128xf32>,
    %eq3A_372 = arith.constant 7 : i32
    %eq3A_373 = vector.broadcast %eq3A_372 : i32 to vector<512x128xi32>
    %eq3A_374 = arith.cmpi eq, %select_n3A_37, %eq3A_373 : vector<512x128xi32>
    %jit3A_375 = arith.constant 1.000000e+00 : f32
    %jit3A_376 = arith.constant 0.000000e+00 : f32
    %broadcast_in_dim3A_377 = vector.broadcast %jit3A_375 : f32 to vector<512x128xf32>
    %broadcast_in_dim3A_378 = vector.broadcast %jit3A_376 : f32 to vector<512x128xf32>
    %select_n3A_379 = arith.select %eq3A_374, %broadcast_in_dim3A_377, %broadcast_in_dim3A_378 : vector<512x128xi1>, vector<512x128xf32>
    %get3A_380 = arith.constant 7 : index
    %get3A_381 = arith.constant 0 : index
    %get3A_382 = vector.load %arg4[%get3A_380, %get3A_381] : memref<45x128xf32, #tpu.memory_space<vmem>>, vector<1x128xf32>
    %get3A_383 = vector.shape_cast %get3A_382 : vector<1x128xf32> to vector<128xf32>
    %reduce_sum3A_384 = arith.constant dense<0.000000e+00> : vector<128xf32>
    %reduce_sum3A_385 = vector.multi_reduction <add>, %select_n3A_379, %reduce_sum3A_384 [0] : vector<512x128xf32> to vector<128xf32>
    %add3A_386 = arith.addf %get3A_383, %reduce_sum3A_385 : vector<128xf32>
    %swap3A_387 = arith.constant 7 : index
    %swap3A_388 = arith.constant 0 : index
    %swap3A_389 = vector.load %arg4[%swap3A_387, %swap3A_388] : memref<45x128xf32, #tpu.memory_space<vmem>>, vector<1x128xf32>
    %swap3A_390 = vector.shape_cast %swap3A_389 : vector<1x128xf32> to vector<128xf32>
    %swap3A_391 = vector.shape_cast %add3A_386 : vector<128xf32> to vector<1x128xf32>
    tpu.vector_store %arg4[%swap3A_387, %swap3A_388], %swap3A_391 {strides = array<i32>} : memref<45x128xf32, #tpu.memory_space<vmem>>, vector<1x128xf32>,
    %get3A_392 = arith.constant 22 : index
    %get3A_393 = arith.constant 0 : index
    %get3A_394 = vector.load %arg4[%get3A_392, %get3A_393] : memref<45x128xf32, #tpu.memory_space<vmem>>, vector<1x128xf32>
    %get3A_395 = vector.shape_cast %get3A_394 : vector<1x128xf32> to vector<128xf32>
    %jit3A_396 = arith.constant 0.000000e+00 : f32
    %broadcast_in_dim3A_397 = vector.broadcast %jit3A_396 : f32 to vector<512x128xf32>
    %select_n3A_398 = arith.select %eq3A_374, %get3A_3, %broadcast_in_dim3A_397 : vector<512x128xi1>, vector<512x128xf32>
    %reduce_sum3A_399 = arith.constant dense<0.000000e+00> : vector<128xf32>
    %reduce_sum3A_400 = vector.multi_reduction <add>, %select_n3A_398, %reduce_sum3A_399 [0] : vector<512x128xf32> to vector<128xf32>
    %add3A_401 = arith.addf %get3A_395, %reduce_sum3A_400 : vector<128xf32>
    %swap3A_402 = arith.constant 22 : index
    %swap3A_403 = arith.constant 0 : index
    %swap3A_404 = vector.load %arg4[%swap3A_402, %swap3A_403] : memref<45x128xf32, #tpu.memory_space<vmem>>, vector<1x128xf32>
    %swap3A_405 = vector.shape_cast %swap3A_404 : vector<1x128xf32> to vector<128xf32>
    %swap3A_406 = vector.shape_cast %add3A_401 : vector<128xf32> to vector<1x128xf32>
    tpu.vector_store %arg4[%swap3A_402, %swap3A_403], %swap3A_406 {strides = array<i32>} : memref<45x128xf32, #tpu.memory_space<vmem>>, vector<1x128xf32>,
    %get3A_407 = arith.constant 37 : index
    %get3A_408 = arith.constant 0 : index
    %get3A_409 = vector.load %arg4[%get3A_407, %get3A_408] : memref<45x128xf32, #tpu.memory_space<vmem>>, vector<1x128xf32>
    %get3A_410 = vector.shape_cast %get3A_409 : vector<1x128xf32> to vector<128xf32>
    %mul3A_411 = arith.mulf %select_n3A_379, %select_n3A : vector<512x128xf32>
    %reduce_sum3A_412 = arith.constant dense<0.000000e+00> : vector<128xf32>
    %reduce_sum3A_413 = vector.multi_reduction <add>, %mul3A_411, %reduce_sum3A_412 [0] : vector<512x128xf32> to vector<128xf32>
    %add3A_414 = arith.addf %get3A_410, %reduce_sum3A_413 : vector<128xf32>
    %swap3A_415 = arith.constant 37 : index
    %swap3A_416 = arith.constant 0 : index
    %swap3A_417 = vector.load %arg4[%swap3A_415, %swap3A_416] : memref<45x128xf32, #tpu.memory_space<vmem>>, vector<1x128xf32>
    %swap3A_418 = vector.shape_cast %swap3A_417 : vector<1x128xf32> to vector<128xf32>
    %swap3A_419 = vector.shape_cast %add3A_414 : vector<128xf32> to vector<1x128xf32>
    tpu.vector_store %arg4[%swap3A_415, %swap3A_416], %swap3A_419 {strides = array<i32>} : memref<45x128xf32, #tpu.memory_space<vmem>>, vector<1x128xf32>,
    %eq3A_420 = arith.constant 8 : i32
    %eq3A_421 = vector.broadcast %eq3A_420 : i32 to vector<512x128xi32>
    %eq3A_422 = arith.cmpi eq, %select_n3A_37, %eq3A_421 : vector<512x128xi32>
    %jit3A_423 = arith.constant 1.000000e+00 : f32
    %jit3A_424 = arith.constant 0.000000e+00 : f32
    %broadcast_in_dim3A_425 = vector.broadcast %jit3A_423 : f32 to vector<512x128xf32>
    %broadcast_in_dim3A_426 = vector.broadcast %jit3A_424 : f32 to vector<512x128xf32>
    %select_n3A_427 = arith.select %eq3A_422, %broadcast_in_dim3A_425, %broadcast_in_dim3A_426 : vector<512x128xi1>, vector<512x128xf32>
    %get3A_428 = arith.constant 8 : index
    %get3A_429 = arith.constant 0 : index
    %get3A_430 = vector.load %arg4[%get3A_428, %get3A_429] : memref<45x128xf32, #tpu.memory_space<vmem>>, vector<1x128xf32>
    %get3A_431 = vector.shape_cast %get3A_430 : vector<1x128xf32> to vector<128xf32>
    %reduce_sum3A_432 = arith.constant dense<0.000000e+00> : vector<128xf32>
    %reduce_sum3A_433 = vector.multi_reduction <add>, %select_n3A_427, %reduce_sum3A_432 [0] : vector<512x128xf32> to vector<128xf32>
    %add3A_434 = arith.addf %get3A_431, %reduce_sum3A_433 : vector<128xf32>
    %swap3A_435 = arith.constant 8 : index
    %swap3A_436 = arith.constant 0 : index
    %swap3A_437 = vector.load %arg4[%swap3A_435, %swap3A_436] : memref<45x128xf32, #tpu.memory_space<vmem>>, vector<1x128xf32>
    %swap3A_438 = vector.shape_cast %swap3A_437 : vector<1x128xf32> to vector<128xf32>
    %swap3A_439 = vector.shape_cast %add3A_434 : vector<128xf32> to vector<1x128xf32>
    tpu.vector_store %arg4[%swap3A_435, %swap3A_436], %swap3A_439 {strides = array<i32>} : memref<45x128xf32, #tpu.memory_space<vmem>>, vector<1x128xf32>,
    %get3A_440 = arith.constant 23 : index
    %get3A_441 = arith.constant 0 : index
    %get3A_442 = vector.load %arg4[%get3A_440, %get3A_441] : memref<45x128xf32, #tpu.memory_space<vmem>>, vector<1x128xf32>
    %get3A_443 = vector.shape_cast %get3A_442 : vector<1x128xf32> to vector<128xf32>
    %jit3A_444 = arith.constant 0.000000e+00 : f32
    %broadcast_in_dim3A_445 = vector.broadcast %jit3A_444 : f32 to vector<512x128xf32>
    %select_n3A_446 = arith.select %eq3A_422, %get3A_3, %broadcast_in_dim3A_445 : vector<512x128xi1>, vector<512x128xf32>
    %reduce_sum3A_447 = arith.constant dense<0.000000e+00> : vector<128xf32>
    %reduce_sum3A_448 = vector.multi_reduction <add>, %select_n3A_446, %reduce_sum3A_447 [0] : vector<512x128xf32> to vector<128xf32>
    %add3A_449 = arith.addf %get3A_443, %reduce_sum3A_448 : vector<128xf32>
    %swap3A_450 = arith.constant 23 : index
    %swap3A_451 = arith.constant 0 : index
    %swap3A_452 = vector.load %arg4[%swap3A_450, %swap3A_451] : memref<45x128xf32, #tpu.memory_space<vmem>>, vector<1x128xf32>
    %swap3A_453 = vector.shape_cast %swap3A_452 : vector<1x128xf32> to vector<128xf32>
    %swap3A_454 = vector.shape_cast %add3A_449 : vector<128xf32> to vector<1x128xf32>
    tpu.vector_store %arg4[%swap3A_450, %swap3A_451], %swap3A_454 {strides = array<i32>} : memref<45x128xf32, #tpu.memory_space<vmem>>, vector<1x128xf32>,
    %get3A_455 = arith.constant 38 : index
    %get3A_456 = arith.constant 0 : index
    %get3A_457 = vector.load %arg4[%get3A_455, %get3A_456] : memref<45x128xf32, #tpu.memory_space<vmem>>, vector<1x128xf32>
    %get3A_458 = vector.shape_cast %get3A_457 : vector<1x128xf32> to vector<128xf32>
    %mul3A_459 = arith.mulf %select_n3A_427, %select_n3A : vector<512x128xf32>
    %reduce_sum3A_460 = arith.constant dense<0.000000e+00> : vector<128xf32>
    %reduce_sum3A_461 = vector.multi_reduction <add>, %mul3A_459, %reduce_sum3A_460 [0] : vector<512x128xf32> to vector<128xf32>
    %add3A_462 = arith.addf %get3A_458, %reduce_sum3A_461 : vector<128xf32>
    %swap3A_463 = arith.constant 38 : index
    %swap3A_464 = arith.constant 0 : index
    %swap3A_465 = vector.load %arg4[%swap3A_463, %swap3A_464] : memref<45x128xf32, #tpu.memory_space<vmem>>, vector<1x128xf32>
    %swap3A_466 = vector.shape_cast %swap3A_465 : vector<1x128xf32> to vector<128xf32>
    %swap3A_467 = vector.shape_cast %add3A_462 : vector<128xf32> to vector<1x128xf32>
    tpu.vector_store %arg4[%swap3A_463, %swap3A_464], %swap3A_467 {strides = array<i32>} : memref<45x128xf32, #tpu.memory_space<vmem>>, vector<1x128xf32>,
    %eq3A_468 = arith.constant 9 : i32
    %eq3A_469 = vector.broadcast %eq3A_468 : i32 to vector<512x128xi32>
    %eq3A_470 = arith.cmpi eq, %select_n3A_37, %eq3A_469 : vector<512x128xi32>
    %jit3A_471 = arith.constant 1.000000e+00 : f32
    %jit3A_472 = arith.constant 0.000000e+00 : f32
    %broadcast_in_dim3A_473 = vector.broadcast %jit3A_471 : f32 to vector<512x128xf32>
    %broadcast_in_dim3A_474 = vector.broadcast %jit3A_472 : f32 to vector<512x128xf32>
    %select_n3A_475 = arith.select %eq3A_470, %broadcast_in_dim3A_473, %broadcast_in_dim3A_474 : vector<512x128xi1>, vector<512x128xf32>
    %get3A_476 = arith.constant 9 : index
    %get3A_477 = arith.constant 0 : index
    %get3A_478 = vector.load %arg4[%get3A_476, %get3A_477] : memref<45x128xf32, #tpu.memory_space<vmem>>, vector<1x128xf32>
    %get3A_479 = vector.shape_cast %get3A_478 : vector<1x128xf32> to vector<128xf32>
    %reduce_sum3A_480 = arith.constant dense<0.000000e+00> : vector<128xf32>
    %reduce_sum3A_481 = vector.multi_reduction <add>, %select_n3A_475, %reduce_sum3A_480 [0] : vector<512x128xf32> to vector<128xf32>
    %add3A_482 = arith.addf %get3A_479, %reduce_sum3A_481 : vector<128xf32>
    %swap3A_483 = arith.constant 9 : index
    %swap3A_484 = arith.constant 0 : index
    %swap3A_485 = vector.load %arg4[%swap3A_483, %swap3A_484] : memref<45x128xf32, #tpu.memory_space<vmem>>, vector<1x128xf32>
    %swap3A_486 = vector.shape_cast %swap3A_485 : vector<1x128xf32> to vector<128xf32>
    %swap3A_487 = vector.shape_cast %add3A_482 : vector<128xf32> to vector<1x128xf32>
    tpu.vector_store %arg4[%swap3A_483, %swap3A_484], %swap3A_487 {strides = array<i32>} : memref<45x128xf32, #tpu.memory_space<vmem>>, vector<1x128xf32>,
    %get3A_488 = arith.constant 24 : index
    %get3A_489 = arith.constant 0 : index
    %get3A_490 = vector.load %arg4[%get3A_488, %get3A_489] : memref<45x128xf32, #tpu.memory_space<vmem>>, vector<1x128xf32>
    %get3A_491 = vector.shape_cast %get3A_490 : vector<1x128xf32> to vector<128xf32>
    %jit3A_492 = arith.constant 0.000000e+00 : f32
    %broadcast_in_dim3A_493 = vector.broadcast %jit3A_492 : f32 to vector<512x128xf32>
    %select_n3A_494 = arith.select %eq3A_470, %get3A_3, %broadcast_in_dim3A_493 : vector<512x128xi1>, vector<512x128xf32>
    %reduce_sum3A_495 = arith.constant dense<0.000000e+00> : vector<128xf32>
    %reduce_sum3A_496 = vector.multi_reduction <add>, %select_n3A_494, %reduce_sum3A_495 [0] : vector<512x128xf32> to vector<128xf32>
    %add3A_497 = arith.addf %get3A_491, %reduce_sum3A_496 : vector<128xf32>
    %swap3A_498 = arith.constant 24 : index
    %swap3A_499 = arith.constant 0 : index
    %swap3A_500 = vector.load %arg4[%swap3A_498, %swap3A_499] : memref<45x128xf32, #tpu.memory_space<vmem>>, vector<1x128xf32>
    %swap3A_501 = vector.shape_cast %swap3A_500 : vector<1x128xf32> to vector<128xf32>
    %swap3A_502 = vector.shape_cast %add3A_497 : vector<128xf32> to vector<1x128xf32>
    tpu.vector_store %arg4[%swap3A_498, %swap3A_499], %swap3A_502 {strides = array<i32>} : memref<45x128xf32, #tpu.memory_space<vmem>>, vector<1x128xf32>,
    %get3A_503 = arith.constant 39 : index
    %get3A_504 = arith.constant 0 : index
    %get3A_505 = vector.load %arg4[%get3A_503, %get3A_504] : memref<45x128xf32, #tpu.memory_space<vmem>>, vector<1x128xf32>
    %get3A_506 = vector.shape_cast %get3A_505 : vector<1x128xf32> to vector<128xf32>
    %mul3A_507 = arith.mulf %select_n3A_475, %select_n3A : vector<512x128xf32>
    %reduce_sum3A_508 = arith.constant dense<0.000000e+00> : vector<128xf32>
    %reduce_sum3A_509 = vector.multi_reduction <add>, %mul3A_507, %reduce_sum3A_508 [0] : vector<512x128xf32> to vector<128xf32>
    %add3A_510 = arith.addf %get3A_506, %reduce_sum3A_509 : vector<128xf32>
    %swap3A_511 = arith.constant 39 : index
    %swap3A_512 = arith.constant 0 : index
    %swap3A_513 = vector.load %arg4[%swap3A_511, %swap3A_512] : memref<45x128xf32, #tpu.memory_space<vmem>>, vector<1x128xf32>
    %swap3A_514 = vector.shape_cast %swap3A_513 : vector<1x128xf32> to vector<128xf32>
    %swap3A_515 = vector.shape_cast %add3A_510 : vector<128xf32> to vector<1x128xf32>
    tpu.vector_store %arg4[%swap3A_511, %swap3A_512], %swap3A_515 {strides = array<i32>} : memref<45x128xf32, #tpu.memory_space<vmem>>, vector<1x128xf32>,
    %eq3A_516 = arith.constant 10 : i32
    %eq3A_517 = vector.broadcast %eq3A_516 : i32 to vector<512x128xi32>
    %eq3A_518 = arith.cmpi eq, %select_n3A_37, %eq3A_517 : vector<512x128xi32>
    %jit3A_519 = arith.constant 1.000000e+00 : f32
    %jit3A_520 = arith.constant 0.000000e+00 : f32
    %broadcast_in_dim3A_521 = vector.broadcast %jit3A_519 : f32 to vector<512x128xf32>
    %broadcast_in_dim3A_522 = vector.broadcast %jit3A_520 : f32 to vector<512x128xf32>
    %select_n3A_523 = arith.select %eq3A_518, %broadcast_in_dim3A_521, %broadcast_in_dim3A_522 : vector<512x128xi1>, vector<512x128xf32>
    %get3A_524 = arith.constant 10 : index
    %get3A_525 = arith.constant 0 : index
    %get3A_526 = vector.load %arg4[%get3A_524, %get3A_525] : memref<45x128xf32, #tpu.memory_space<vmem>>, vector<1x128xf32>
    %get3A_527 = vector.shape_cast %get3A_526 : vector<1x128xf32> to vector<128xf32>
    %reduce_sum3A_528 = arith.constant dense<0.000000e+00> : vector<128xf32>
    %reduce_sum3A_529 = vector.multi_reduction <add>, %select_n3A_523, %reduce_sum3A_528 [0] : vector<512x128xf32> to vector<128xf32>
    %add3A_530 = arith.addf %get3A_527, %reduce_sum3A_529 : vector<128xf32>
    %swap3A_531 = arith.constant 10 : index
    %swap3A_532 = arith.constant 0 : index
    %swap3A_533 = vector.load %arg4[%swap3A_531, %swap3A_532] : memref<45x128xf32, #tpu.memory_space<vmem>>, vector<1x128xf32>
    %swap3A_534 = vector.shape_cast %swap3A_533 : vector<1x128xf32> to vector<128xf32>
    %swap3A_535 = vector.shape_cast %add3A_530 : vector<128xf32> to vector<1x128xf32>
    tpu.vector_store %arg4[%swap3A_531, %swap3A_532], %swap3A_535 {strides = array<i32>} : memref<45x128xf32, #tpu.memory_space<vmem>>, vector<1x128xf32>,
    %get3A_536 = arith.constant 25 : index
    %get3A_537 = arith.constant 0 : index
    %get3A_538 = vector.load %arg4[%get3A_536, %get3A_537] : memref<45x128xf32, #tpu.memory_space<vmem>>, vector<1x128xf32>
    %get3A_539 = vector.shape_cast %get3A_538 : vector<1x128xf32> to vector<128xf32>
    %jit3A_540 = arith.constant 0.000000e+00 : f32
    %broadcast_in_dim3A_541 = vector.broadcast %jit3A_540 : f32 to vector<512x128xf32>
    %select_n3A_542 = arith.select %eq3A_518, %get3A_3, %broadcast_in_dim3A_541 : vector<512x128xi1>, vector<512x128xf32>
    %reduce_sum3A_543 = arith.constant dense<0.000000e+00> : vector<128xf32>
    %reduce_sum3A_544 = vector.multi_reduction <add>, %select_n3A_542, %reduce_sum3A_543 [0] : vector<512x128xf32> to vector<128xf32>
    %add3A_545 = arith.addf %get3A_539, %reduce_sum3A_544 : vector<128xf32>
    %swap3A_546 = arith.constant 25 : index
    %swap3A_547 = arith.constant 0 : index
    %swap3A_548 = vector.load %arg4[%swap3A_546, %swap3A_547] : memref<45x128xf32, #tpu.memory_space<vmem>>, vector<1x128xf32>
    %swap3A_549 = vector.shape_cast %swap3A_548 : vector<1x128xf32> to vector<128xf32>
    %swap3A_550 = vector.shape_cast %add3A_545 : vector<128xf32> to vector<1x128xf32>
    tpu.vector_store %arg4[%swap3A_546, %swap3A_547], %swap3A_550 {strides = array<i32>} : memref<45x128xf32, #tpu.memory_space<vmem>>, vector<1x128xf32>,
    %get3A_551 = arith.constant 40 : index
    %get3A_552 = arith.constant 0 : index
    %get3A_553 = vector.load %arg4[%get3A_551, %get3A_552] : memref<45x128xf32, #tpu.memory_space<vmem>>, vector<1x128xf32>
    %get3A_554 = vector.shape_cast %get3A_553 : vector<1x128xf32> to vector<128xf32>
    %mul3A_555 = arith.mulf %select_n3A_523, %select_n3A : vector<512x128xf32>
    %reduce_sum3A_556 = arith.constant dense<0.000000e+00> : vector<128xf32>
    %reduce_sum3A_557 = vector.multi_reduction <add>, %mul3A_555, %reduce_sum3A_556 [0] : vector<512x128xf32> to vector<128xf32>
    %add3A_558 = arith.addf %get3A_554, %reduce_sum3A_557 : vector<128xf32>
    %swap3A_559 = arith.constant 40 : index
    %swap3A_560 = arith.constant 0 : index
    %swap3A_561 = vector.load %arg4[%swap3A_559, %swap3A_560] : memref<45x128xf32, #tpu.memory_space<vmem>>, vector<1x128xf32>
    %swap3A_562 = vector.shape_cast %swap3A_561 : vector<1x128xf32> to vector<128xf32>
    %swap3A_563 = vector.shape_cast %add3A_558 : vector<128xf32> to vector<1x128xf32>
    tpu.vector_store %arg4[%swap3A_559, %swap3A_560], %swap3A_563 {strides = array<i32>} : memref<45x128xf32, #tpu.memory_space<vmem>>, vector<1x128xf32>,
    %eq3A_564 = arith.constant 11 : i32
    %eq3A_565 = vector.broadcast %eq3A_564 : i32 to vector<512x128xi32>
    %eq3A_566 = arith.cmpi eq, %select_n3A_37, %eq3A_565 : vector<512x128xi32>
    %jit3A_567 = arith.constant 1.000000e+00 : f32
    %jit3A_568 = arith.constant 0.000000e+00 : f32
    %broadcast_in_dim3A_569 = vector.broadcast %jit3A_567 : f32 to vector<512x128xf32>
    %broadcast_in_dim3A_570 = vector.broadcast %jit3A_568 : f32 to vector<512x128xf32>
    %select_n3A_571 = arith.select %eq3A_566, %broadcast_in_dim3A_569, %broadcast_in_dim3A_570 : vector<512x128xi1>, vector<512x128xf32>
    %get3A_572 = arith.constant 11 : index
    %get3A_573 = arith.constant 0 : index
    %get3A_574 = vector.load %arg4[%get3A_572, %get3A_573] : memref<45x128xf32, #tpu.memory_space<vmem>>, vector<1x128xf32>
    %get3A_575 = vector.shape_cast %get3A_574 : vector<1x128xf32> to vector<128xf32>
    %reduce_sum3A_576 = arith.constant dense<0.000000e+00> : vector<128xf32>
    %reduce_sum3A_577 = vector.multi_reduction <add>, %select_n3A_571, %reduce_sum3A_576 [0] : vector<512x128xf32> to vector<128xf32>
    %add3A_578 = arith.addf %get3A_575, %reduce_sum3A_577 : vector<128xf32>
    %swap3A_579 = arith.constant 11 : index
    %swap3A_580 = arith.constant 0 : index
    %swap3A_581 = vector.load %arg4[%swap3A_579, %swap3A_580] : memref<45x128xf32, #tpu.memory_space<vmem>>, vector<1x128xf32>
    %swap3A_582 = vector.shape_cast %swap3A_581 : vector<1x128xf32> to vector<128xf32>
    %swap3A_583 = vector.shape_cast %add3A_578 : vector<128xf32> to vector<1x128xf32>
    tpu.vector_store %arg4[%swap3A_579, %swap3A_580], %swap3A_583 {strides = array<i32>} : memref<45x128xf32, #tpu.memory_space<vmem>>, vector<1x128xf32>,
    %get3A_584 = arith.constant 26 : index
    %get3A_585 = arith.constant 0 : index
    %get3A_586 = vector.load %arg4[%get3A_584, %get3A_585] : memref<45x128xf32, #tpu.memory_space<vmem>>, vector<1x128xf32>
    %get3A_587 = vector.shape_cast %get3A_586 : vector<1x128xf32> to vector<128xf32>
    %jit3A_588 = arith.constant 0.000000e+00 : f32
    %broadcast_in_dim3A_589 = vector.broadcast %jit3A_588 : f32 to vector<512x128xf32>
    %select_n3A_590 = arith.select %eq3A_566, %get3A_3, %broadcast_in_dim3A_589 : vector<512x128xi1>, vector<512x128xf32>
    %reduce_sum3A_591 = arith.constant dense<0.000000e+00> : vector<128xf32>
    %reduce_sum3A_592 = vector.multi_reduction <add>, %select_n3A_590, %reduce_sum3A_591 [0] : vector<512x128xf32> to vector<128xf32>
    %add3A_593 = arith.addf %get3A_587, %reduce_sum3A_592 : vector<128xf32>
    %swap3A_594 = arith.constant 26 : index
    %swap3A_595 = arith.constant 0 : index
    %swap3A_596 = vector.load %arg4[%swap3A_594, %swap3A_595] : memref<45x128xf32, #tpu.memory_space<vmem>>, vector<1x128xf32>
    %swap3A_597 = vector.shape_cast %swap3A_596 : vector<1x128xf32> to vector<128xf32>
    %swap3A_598 = vector.shape_cast %add3A_593 : vector<128xf32> to vector<1x128xf32>
    tpu.vector_store %arg4[%swap3A_594, %swap3A_595], %swap3A_598 {strides = array<i32>} : memref<45x128xf32, #tpu.memory_space<vmem>>, vector<1x128xf32>,
    %get3A_599 = arith.constant 41 : index
    %get3A_600 = arith.constant 0 : index
    %get3A_601 = vector.load %arg4[%get3A_599, %get3A_600] : memref<45x128xf32, #tpu.memory_space<vmem>>, vector<1x128xf32>
    %get3A_602 = vector.shape_cast %get3A_601 : vector<1x128xf32> to vector<128xf32>
    %mul3A_603 = arith.mulf %select_n3A_571, %select_n3A : vector<512x128xf32>
    %reduce_sum3A_604 = arith.constant dense<0.000000e+00> : vector<128xf32>
    %reduce_sum3A_605 = vector.multi_reduction <add>, %mul3A_603, %reduce_sum3A_604 [0] : vector<512x128xf32> to vector<128xf32>
    %add3A_606 = arith.addf %get3A_602, %reduce_sum3A_605 : vector<128xf32>
    %swap3A_607 = arith.constant 41 : index
    %swap3A_608 = arith.constant 0 : index
    %swap3A_609 = vector.load %arg4[%swap3A_607, %swap3A_608] : memref<45x128xf32, #tpu.memory_space<vmem>>, vector<1x128xf32>
    %swap3A_610 = vector.shape_cast %swap3A_609 : vector<1x128xf32> to vector<128xf32>
    %swap3A_611 = vector.shape_cast %add3A_606 : vector<128xf32> to vector<1x128xf32>
    tpu.vector_store %arg4[%swap3A_607, %swap3A_608], %swap3A_611 {strides = array<i32>} : memref<45x128xf32, #tpu.memory_space<vmem>>, vector<1x128xf32>,
    %eq3A_612 = arith.constant 12 : i32
    %eq3A_613 = vector.broadcast %eq3A_612 : i32 to vector<512x128xi32>
    %eq3A_614 = arith.cmpi eq, %select_n3A_37, %eq3A_613 : vector<512x128xi32>
    %jit3A_615 = arith.constant 1.000000e+00 : f32
    %jit3A_616 = arith.constant 0.000000e+00 : f32
    %broadcast_in_dim3A_617 = vector.broadcast %jit3A_615 : f32 to vector<512x128xf32>
    %broadcast_in_dim3A_618 = vector.broadcast %jit3A_616 : f32 to vector<512x128xf32>
    %select_n3A_619 = arith.select %eq3A_614, %broadcast_in_dim3A_617, %broadcast_in_dim3A_618 : vector<512x128xi1>, vector<512x128xf32>
    %get3A_620 = arith.constant 12 : index
    %get3A_621 = arith.constant 0 : index
    %get3A_622 = vector.load %arg4[%get3A_620, %get3A_621] : memref<45x128xf32, #tpu.memory_space<vmem>>, vector<1x128xf32>
    %get3A_623 = vector.shape_cast %get3A_622 : vector<1x128xf32> to vector<128xf32>
    %reduce_sum3A_624 = arith.constant dense<0.000000e+00> : vector<128xf32>
    %reduce_sum3A_625 = vector.multi_reduction <add>, %select_n3A_619, %reduce_sum3A_624 [0] : vector<512x128xf32> to vector<128xf32>
    %add3A_626 = arith.addf %get3A_623, %reduce_sum3A_625 : vector<128xf32>
    %swap3A_627 = arith.constant 12 : index
    %swap3A_628 = arith.constant 0 : index
    %swap3A_629 = vector.load %arg4[%swap3A_627, %swap3A_628] : memref<45x128xf32, #tpu.memory_space<vmem>>, vector<1x128xf32>
    %swap3A_630 = vector.shape_cast %swap3A_629 : vector<1x128xf32> to vector<128xf32>
    %swap3A_631 = vector.shape_cast %add3A_626 : vector<128xf32> to vector<1x128xf32>
    tpu.vector_store %arg4[%swap3A_627, %swap3A_628], %swap3A_631 {strides = array<i32>} : memref<45x128xf32, #tpu.memory_space<vmem>>, vector<1x128xf32>,
    %get3A_632 = arith.constant 27 : index
    %get3A_633 = arith.constant 0 : index
    %get3A_634 = vector.load %arg4[%get3A_632, %get3A_633] : memref<45x128xf32, #tpu.memory_space<vmem>>, vector<1x128xf32>
    %get3A_635 = vector.shape_cast %get3A_634 : vector<1x128xf32> to vector<128xf32>
    %jit3A_636 = arith.constant 0.000000e+00 : f32
    %broadcast_in_dim3A_637 = vector.broadcast %jit3A_636 : f32 to vector<512x128xf32>
    %select_n3A_638 = arith.select %eq3A_614, %get3A_3, %broadcast_in_dim3A_637 : vector<512x128xi1>, vector<512x128xf32>
    %reduce_sum3A_639 = arith.constant dense<0.000000e+00> : vector<128xf32>
    %reduce_sum3A_640 = vector.multi_reduction <add>, %select_n3A_638, %reduce_sum3A_639 [0] : vector<512x128xf32> to vector<128xf32>
    %add3A_641 = arith.addf %get3A_635, %reduce_sum3A_640 : vector<128xf32>
    %swap3A_642 = arith.constant 27 : index
    %swap3A_643 = arith.constant 0 : index
    %swap3A_644 = vector.load %arg4[%swap3A_642, %swap3A_643] : memref<45x128xf32, #tpu.memory_space<vmem>>, vector<1x128xf32>
    %swap3A_645 = vector.shape_cast %swap3A_644 : vector<1x128xf32> to vector<128xf32>
    %swap3A_646 = vector.shape_cast %add3A_641 : vector<128xf32> to vector<1x128xf32>
    tpu.vector_store %arg4[%swap3A_642, %swap3A_643], %swap3A_646 {strides = array<i32>} : memref<45x128xf32, #tpu.memory_space<vmem>>, vector<1x128xf32>,
    %get3A_647 = arith.constant 42 : index
    %get3A_648 = arith.constant 0 : index
    %get3A_649 = vector.load %arg4[%get3A_647, %get3A_648] : memref<45x128xf32, #tpu.memory_space<vmem>>, vector<1x128xf32>
    %get3A_650 = vector.shape_cast %get3A_649 : vector<1x128xf32> to vector<128xf32>
    %mul3A_651 = arith.mulf %select_n3A_619, %select_n3A : vector<512x128xf32>
    %reduce_sum3A_652 = arith.constant dense<0.000000e+00> : vector<128xf32>
    %reduce_sum3A_653 = vector.multi_reduction <add>, %mul3A_651, %reduce_sum3A_652 [0] : vector<512x128xf32> to vector<128xf32>
    %add3A_654 = arith.addf %get3A_650, %reduce_sum3A_653 : vector<128xf32>
    %swap3A_655 = arith.constant 42 : index
    %swap3A_656 = arith.constant 0 : index
    %swap3A_657 = vector.load %arg4[%swap3A_655, %swap3A_656] : memref<45x128xf32, #tpu.memory_space<vmem>>, vector<1x128xf32>
    %swap3A_658 = vector.shape_cast %swap3A_657 : vector<1x128xf32> to vector<128xf32>
    %swap3A_659 = vector.shape_cast %add3A_654 : vector<128xf32> to vector<1x128xf32>
    tpu.vector_store %arg4[%swap3A_655, %swap3A_656], %swap3A_659 {strides = array<i32>} : memref<45x128xf32, #tpu.memory_space<vmem>>, vector<1x128xf32>,
    %eq3A_660 = arith.constant 13 : i32
    %eq3A_661 = vector.broadcast %eq3A_660 : i32 to vector<512x128xi32>
    %eq3A_662 = arith.cmpi eq, %select_n3A_37, %eq3A_661 : vector<512x128xi32>
    %jit3A_663 = arith.constant 1.000000e+00 : f32
    %jit3A_664 = arith.constant 0.000000e+00 : f32
    %broadcast_in_dim3A_665 = vector.broadcast %jit3A_663 : f32 to vector<512x128xf32>
    %broadcast_in_dim3A_666 = vector.broadcast %jit3A_664 : f32 to vector<512x128xf32>
    %select_n3A_667 = arith.select %eq3A_662, %broadcast_in_dim3A_665, %broadcast_in_dim3A_666 : vector<512x128xi1>, vector<512x128xf32>
    %get3A_668 = arith.constant 13 : index
    %get3A_669 = arith.constant 0 : index
    %get3A_670 = vector.load %arg4[%get3A_668, %get3A_669] : memref<45x128xf32, #tpu.memory_space<vmem>>, vector<1x128xf32>
    %get3A_671 = vector.shape_cast %get3A_670 : vector<1x128xf32> to vector<128xf32>
    %reduce_sum3A_672 = arith.constant dense<0.000000e+00> : vector<128xf32>
    %reduce_sum3A_673 = vector.multi_reduction <add>, %select_n3A_667, %reduce_sum3A_672 [0] : vector<512x128xf32> to vector<128xf32>
    %add3A_674 = arith.addf %get3A_671, %reduce_sum3A_673 : vector<128xf32>
    %swap3A_675 = arith.constant 13 : index
    %swap3A_676 = arith.constant 0 : index
    %swap3A_677 = vector.load %arg4[%swap3A_675, %swap3A_676] : memref<45x128xf32, #tpu.memory_space<vmem>>, vector<1x128xf32>
    %swap3A_678 = vector.shape_cast %swap3A_677 : vector<1x128xf32> to vector<128xf32>
    %swap3A_679 = vector.shape_cast %add3A_674 : vector<128xf32> to vector<1x128xf32>
    tpu.vector_store %arg4[%swap3A_675, %swap3A_676], %swap3A_679 {strides = array<i32>} : memref<45x128xf32, #tpu.memory_space<vmem>>, vector<1x128xf32>,
    %get3A_680 = arith.constant 28 : index
    %get3A_681 = arith.constant 0 : index
    %get3A_682 = vector.load %arg4[%get3A_680, %get3A_681] : memref<45x128xf32, #tpu.memory_space<vmem>>, vector<1x128xf32>
    %get3A_683 = vector.shape_cast %get3A_682 : vector<1x128xf32> to vector<128xf32>
    %jit3A_684 = arith.constant 0.000000e+00 : f32
    %broadcast_in_dim3A_685 = vector.broadcast %jit3A_684 : f32 to vector<512x128xf32>
    %select_n3A_686 = arith.select %eq3A_662, %get3A_3, %broadcast_in_dim3A_685 : vector<512x128xi1>, vector<512x128xf32>
    %reduce_sum3A_687 = arith.constant dense<0.000000e+00> : vector<128xf32>
    %reduce_sum3A_688 = vector.multi_reduction <add>, %select_n3A_686, %reduce_sum3A_687 [0] : vector<512x128xf32> to vector<128xf32>
    %add3A_689 = arith.addf %get3A_683, %reduce_sum3A_688 : vector<128xf32>
    %swap3A_690 = arith.constant 28 : index
    %swap3A_691 = arith.constant 0 : index
    %swap3A_692 = vector.load %arg4[%swap3A_690, %swap3A_691] : memref<45x128xf32, #tpu.memory_space<vmem>>, vector<1x128xf32>
    %swap3A_693 = vector.shape_cast %swap3A_692 : vector<1x128xf32> to vector<128xf32>
    %swap3A_694 = vector.shape_cast %add3A_689 : vector<128xf32> to vector<1x128xf32>
    tpu.vector_store %arg4[%swap3A_690, %swap3A_691], %swap3A_694 {strides = array<i32>} : memref<45x128xf32, #tpu.memory_space<vmem>>, vector<1x128xf32>,
    %get3A_695 = arith.constant 43 : index
    %get3A_696 = arith.constant 0 : index
    %get3A_697 = vector.load %arg4[%get3A_695, %get3A_696] : memref<45x128xf32, #tpu.memory_space<vmem>>, vector<1x128xf32>
    %get3A_698 = vector.shape_cast %get3A_697 : vector<1x128xf32> to vector<128xf32>
    %mul3A_699 = arith.mulf %select_n3A_667, %select_n3A : vector<512x128xf32>
    %reduce_sum3A_700 = arith.constant dense<0.000000e+00> : vector<128xf32>
    %reduce_sum3A_701 = vector.multi_reduction <add>, %mul3A_699, %reduce_sum3A_700 [0] : vector<512x128xf32> to vector<128xf32>
    %add3A_702 = arith.addf %get3A_698, %reduce_sum3A_701 : vector<128xf32>
    %swap3A_703 = arith.constant 43 : index
    %swap3A_704 = arith.constant 0 : index
    %swap3A_705 = vector.load %arg4[%swap3A_703, %swap3A_704] : memref<45x128xf32, #tpu.memory_space<vmem>>, vector<1x128xf32>
    %swap3A_706 = vector.shape_cast %swap3A_705 : vector<1x128xf32> to vector<128xf32>
    %swap3A_707 = vector.shape_cast %add3A_702 : vector<128xf32> to vector<1x128xf32>
    tpu.vector_store %arg4[%swap3A_703, %swap3A_704], %swap3A_707 {strides = array<i32>} : memref<45x128xf32, #tpu.memory_space<vmem>>, vector<1x128xf32>,
    %eq3A_708 = arith.constant 14 : i32
    %eq3A_709 = vector.broadcast %eq3A_708 : i32 to vector<512x128xi32>
    %eq3A_710 = arith.cmpi eq, %select_n3A_37, %eq3A_709 : vector<512x128xi32>
    %jit3A_711 = arith.constant 1.000000e+00 : f32
    %jit3A_712 = arith.constant 0.000000e+00 : f32
    %broadcast_in_dim3A_713 = vector.broadcast %jit3A_711 : f32 to vector<512x128xf32>
    %broadcast_in_dim3A_714 = vector.broadcast %jit3A_712 : f32 to vector<512x128xf32>
    %select_n3A_715 = arith.select %eq3A_710, %broadcast_in_dim3A_713, %broadcast_in_dim3A_714 : vector<512x128xi1>, vector<512x128xf32>
    %get3A_716 = arith.constant 14 : index
    %get3A_717 = arith.constant 0 : index
    %get3A_718 = vector.load %arg4[%get3A_716, %get3A_717] : memref<45x128xf32, #tpu.memory_space<vmem>>, vector<1x128xf32>
    %get3A_719 = vector.shape_cast %get3A_718 : vector<1x128xf32> to vector<128xf32>
    %reduce_sum3A_720 = arith.constant dense<0.000000e+00> : vector<128xf32>
    %reduce_sum3A_721 = vector.multi_reduction <add>, %select_n3A_715, %reduce_sum3A_720 [0] : vector<512x128xf32> to vector<128xf32>
    %add3A_722 = arith.addf %get3A_719, %reduce_sum3A_721 : vector<128xf32>
    %swap3A_723 = arith.constant 14 : index
    %swap3A_724 = arith.constant 0 : index
    %swap3A_725 = vector.load %arg4[%swap3A_723, %swap3A_724] : memref<45x128xf32, #tpu.memory_space<vmem>>, vector<1x128xf32>
    %swap3A_726 = vector.shape_cast %swap3A_725 : vector<1x128xf32> to vector<128xf32>
    %swap3A_727 = vector.shape_cast %add3A_722 : vector<128xf32> to vector<1x128xf32>
    tpu.vector_store %arg4[%swap3A_723, %swap3A_724], %swap3A_727 {strides = array<i32>} : memref<45x128xf32, #tpu.memory_space<vmem>>, vector<1x128xf32>,
    %get3A_728 = arith.constant 29 : index
    %get3A_729 = arith.constant 0 : index
    %get3A_730 = vector.load %arg4[%get3A_728, %get3A_729] : memref<45x128xf32, #tpu.memory_space<vmem>>, vector<1x128xf32>
    %get3A_731 = vector.shape_cast %get3A_730 : vector<1x128xf32> to vector<128xf32>
    %jit3A_732 = arith.constant 0.000000e+00 : f32
    %broadcast_in_dim3A_733 = vector.broadcast %jit3A_732 : f32 to vector<512x128xf32>
    %select_n3A_734 = arith.select %eq3A_710, %get3A_3, %broadcast_in_dim3A_733 : vector<512x128xi1>, vector<512x128xf32>
    %reduce_sum3A_735 = arith.constant dense<0.000000e+00> : vector<128xf32>
    %reduce_sum3A_736 = vector.multi_reduction <add>, %select_n3A_734, %reduce_sum3A_735 [0] : vector<512x128xf32> to vector<128xf32>
    %add3A_737 = arith.addf %get3A_731, %reduce_sum3A_736 : vector<128xf32>
    %swap3A_738 = arith.constant 29 : index
    %swap3A_739 = arith.constant 0 : index
    %swap3A_740 = vector.load %arg4[%swap3A_738, %swap3A_739] : memref<45x128xf32, #tpu.memory_space<vmem>>, vector<1x128xf32>
    %swap3A_741 = vector.shape_cast %swap3A_740 : vector<1x128xf32> to vector<128xf32>
    %swap3A_742 = vector.shape_cast %add3A_737 : vector<128xf32> to vector<1x128xf32>
    tpu.vector_store %arg4[%swap3A_738, %swap3A_739], %swap3A_742 {strides = array<i32>} : memref<45x128xf32, #tpu.memory_space<vmem>>, vector<1x128xf32>,
    %get3A_743 = arith.constant 44 : index
    %get3A_744 = arith.constant 0 : index
    %get3A_745 = vector.load %arg4[%get3A_743, %get3A_744] : memref<45x128xf32, #tpu.memory_space<vmem>>, vector<1x128xf32>
    %get3A_746 = vector.shape_cast %get3A_745 : vector<1x128xf32> to vector<128xf32>
    %mul3A_747 = arith.mulf %select_n3A_715, %select_n3A : vector<512x128xf32>
    %reduce_sum3A_748 = arith.constant dense<0.000000e+00> : vector<128xf32>
    %reduce_sum3A_749 = vector.multi_reduction <add>, %mul3A_747, %reduce_sum3A_748 [0] : vector<512x128xf32> to vector<128xf32>
    %add3A_750 = arith.addf %get3A_746, %reduce_sum3A_749 : vector<128xf32>
    %swap3A_751 = arith.constant 44 : index
    %swap3A_752 = arith.constant 0 : index
    %swap3A_753 = vector.load %arg4[%swap3A_751, %swap3A_752] : memref<45x128xf32, #tpu.memory_space<vmem>>, vector<1x128xf32>
    %swap3A_754 = vector.shape_cast %swap3A_753 : vector<1x128xf32> to vector<128xf32>
    %swap3A_755 = vector.shape_cast %add3A_750 : vector<128xf32> to vector<1x128xf32>
    tpu.vector_store %arg4[%swap3A_751, %swap3A_752], %swap3A_755 {strides = array<i32>} : memref<45x128xf32, #tpu.memory_space<vmem>>, vector<1x128xf32>,
    return
  }
  func.func @transform_0(%arg0: i32) -> (i32, i32) {
    %add3A = arith.constant 20 : i32
    %add3A_0 = arith.addi %add3A, %arg0 : i32
    %c0_i32 = arith.constant 0 : i32
    %c0_i32_1 = arith.constant 0 : i32
    return %add3A_0, %c0_i32 : i32, i32
  }
  func.func @transform_1(%arg0: i32) -> (i32, i32) {
    %add3A = arith.constant 20 : i32
    %add3A_0 = arith.addi %add3A, %arg0 : i32
    %c0_i32 = arith.constant 0 : i32
    %c0_i32_1 = arith.constant 0 : i32
    return %add3A_0, %c0_i32 : i32, i32
  }
  func.func @transform_2(%arg0: i32) -> (i32, i32) {
    %add3A = arith.constant 20 : i32
    %add3A_0 = arith.addi %add3A, %arg0 : i32
    %c0_i32 = arith.constant 0 : i32
    %c0_i32_1 = arith.constant 0 : i32
    return %add3A_0, %c0_i32 : i32, i32
  }
  func.func @transform_3(%arg0: i32) -> (i32, i32) {
    %c0_i32 = arith.constant 0 : i32
    %c0_i32_0 = arith.constant 0 : i32
    %c0_i32_1 = arith.constant 0 : i32
    return %c0_i32, %c0_i32_0 : i32, i32
  }
}

module attributes {stable_mosaic.version = 14 : i64} {
  func.func @_tc_combine(%arg0: memref<32x45x16xf32, #tpu.memory_space<vmem>>, %arg1: memref<45x128xf32, #tpu.memory_space<vmem>>, %arg2: memref<1x1xf32, #tpu.memory_space<vmem>>) attributes {dimension_semantics = [], scalar_prefetch = 0 : i64, scratch_operands = 0 : i64, tpu.core_type = #tpu.core_type<tc>} {
    %get3A = arith.constant 0 : index
    %get3A_0 = arith.constant 0 : index
    %get3A_1 = arith.constant 0 : index
    %get3A_2 = vector.load %arg0[%get3A, %get3A_0, %get3A_1] : memref<32x45x16xf32, #tpu.memory_space<vmem>>, vector<32x45x16xf32>
    %reduce_sum3A = arith.constant dense<0.000000e+00> : vector<45x16xf32>
    %reduce_sum3A_3 = vector.multi_reduction <add>, %get3A_2, %reduce_sum3A [0] : vector<32x45x16xf32> to vector<45x16xf32>
    %reduce_sum3A_4 = arith.constant dense<0.000000e+00> : vector<45xf32>
    %reduce_sum3A_5 = vector.multi_reduction <add>, %reduce_sum3A_3, %reduce_sum3A_4 [1] : vector<45x16xf32> to vector<45xf32>
    %get3A_6 = arith.constant 0 : index
    %get3A_7 = arith.constant 0 : index
    %get3A_8 = vector.load %arg1[%get3A_6, %get3A_7] : memref<45x128xf32, #tpu.memory_space<vmem>>, vector<45x128xf32>
    %reduce_sum3A_9 = arith.constant dense<0.000000e+00> : vector<45xf32>
    %reduce_sum3A_10 = vector.multi_reduction <add>, %get3A_8, %reduce_sum3A_9 [1] : vector<45x128xf32> to vector<45xf32>
    %add3A = arith.addf %reduce_sum3A_5, %reduce_sum3A_10 : vector<45xf32>
    %slice3A = vector.extract_strided_slice %add3A {offsets = [0], sizes = [15], strides = [1]} : vector<45xf32> to vector<15xf32>
    %slice3A_11 = vector.extract_strided_slice %add3A {offsets = [15], sizes = [15], strides = [1]} : vector<45xf32> to vector<15xf32>
    %slice3A_12 = vector.extract_strided_slice %add3A {offsets = [30], sizes = [15], strides = [1]} : vector<45xf32> to vector<15xf32>
    %max3A = arith.constant 1.000000e+00 : f32
    %max3A_13 = vector.broadcast %max3A : f32 to vector<15xf32>
    %max3A_14 = arith.maximumf %slice3A, %max3A_13 : vector<15xf32>
    %div3A = arith.constant 2.000000e+06 : f32
    %div3A_15 = vector.broadcast %div3A : f32 to vector<15xf32>
    %div3A_16 = arith.divf %slice3A, %div3A_15 : vector<15xf32>
    %gt3A = arith.constant 0.000000e+00 : f32
    %gt3A_17 = vector.broadcast %gt3A : f32 to vector<15xf32>
    %gt3A_18 = arith.cmpf ogt, %slice3A, %gt3A_17 : vector<15xf32>
    %div3A_19 = arith.divf %slice3A_11, %max3A_14 : vector<15xf32>
    %div3A_20 = arith.divf %slice3A_12, %max3A_14 : vector<15xf32>
    %sub3A = arith.subf %div3A_19, %div3A_20 : vector<15xf32>
    %abs3A = math.absf %sub3A : vector<15xf32>
    %mul3A = arith.mulf %abs3A, %div3A_16 : vector<15xf32>
    %jit3A = arith.constant 0.000000e+00 : f32
    %broadcast_in_dim3A = vector.broadcast %jit3A : f32 to vector<15xf32>
    %select_n3A = arith.select %gt3A_18, %mul3A, %broadcast_in_dim3A : vector<15xi1>, vector<15xf32>
    %reduce_sum3A_21 = vector.shape_cast %select_n3A : vector<15xf32> to vector<1x15xf32>
    %reduce_sum3A_22 = arith.constant dense<0.000000e+00> : vector<1xf32>
    %reduce_sum3A_23 = vector.multi_reduction <add>, %reduce_sum3A_21, %reduce_sum3A_22 [1] : vector<1x15xf32> to vector<1xf32>
    %reduce_sum3A_24 = vector.shape_cast %reduce_sum3A_23 : vector<1xf32> to vector<1x1xf32>
    %reduce_sum3A_25 = vector.extract %reduce_sum3A_24[0, 0] : f32 from vector<1x1xf32>
    %reshape3A = vector.broadcast %reduce_sum3A_25 : f32 to vector<1x1xf32>
    %swap3A = arith.constant 0 : index
    %swap3A_26 = arith.constant 0 : index
    %swap3A_27 = vector.load %arg2[%swap3A, %swap3A_26] : memref<1x1xf32, #tpu.memory_space<vmem>>, vector<1x1xf32>
    tpu.vector_store %arg2[%swap3A, %swap3A_26], %reshape3A {strides = array<i32>} : memref<1x1xf32, #tpu.memory_space<vmem>>, vector<1x1xf32>,
    return
  }
}

</mosaic_0001>

<sc_bundles>
// kernel: kernel.5.cloned.1.call-start
scs
__scs_entry_jumppad:
0x0: {  	(pc) =	sbr.rel $0x88, $3  }
0x1: {  	(tag) =	ssettag $0x0;
	lr =	simm.s32 $0x1  }
0x2: {  	[smem:$0x3F9E] =	sst lr;
	_ =	strace $0xD0000000  }
0x3: {  	_ = 	snop  }
0x4: {  	_ = 	snop  }
0x5: {  	_ = 	snop  }
0x6: {  	_ = 	snop  }
0x7: {  	_ = 	snop  }
__scs_overlays_trampoline_lowered:
0x8: {  	[smem:$0x3FAD] =	sst s0  }
0x9: {  	[smem:$0x3FAE] =	sst s1  }
0xa: {  	[smem:$0x3FAF] =	sst s2  }
0xb: {  	[smem:$0x3FB0] =	sst s3  }
0xc: {  	[smem:$0x3FB1] =	sst s4  }
0xd: {  	[smem:$0x3FB2] =	sst s5  }
0xe: {  	[smem:$0x3FB3] =	sst s6  }
0xf: {  	[smem:$0x3FB4] =	sst s7  }
0x10: {  	[smem:$0x3FB5] =	sst s8  }
0x11: {  	[smem:$0x3FB6] =	sst s9;
	s0 =	simm.s32 @!p0 $0x0  }
0x12: {  	s1 =	sld [smem:$0x3F9C];
	s0 =	simm.s32 @p0 $0x1  }
0x13: {  	[smem:$0x3FB7] =	sst s0;
	s0 =	simm.s32 @!p1 $0x0  }
0x14: {  	s2 =	sld [smem:$0x3F9B];
	s0 =	simm.s32 @p1 $0x1  }
0x15: {  	[smem:$0x3FB8] =	sst s0;
	s0 =	simm.s32 @!p2 $0x0  }
0x16: {  	s3 =	sld [smem:$0x3FDB];
	s0 =	simm.s32 @p2 $0x1  }
0x17: {  	s4 =	simm.s32 $0x1BF5;
	[smem:$0x3FBA] =	sst s0  }
0x18: {  	s0 =	sld [smem:$0x3F9D];
	_ =	swait.ge [sflag:s4], $0x0  }
0x19: {  	s7 =	sld [smem:$0x3F9E]  }
0x1a: {  	s8 =	sadd.s32 $0xFFFFE003, lr  }
0x1b: {  	s9 =	sadd.s32 $0xFFFFFEF7, lr;
	s5 =	simm.s32 $0xFFFFFFFF;
	p2 =	slt.u32 s8, $0xFFFFF086  }
0x1c: {  	p1 =	slt.u32 s9, $0xF7A;
	s5 =	simm.s32 @!p2 $0x0  }
0x1d: {  	s5 =	simm.s32 @p1 $0x1;
	p0 =	seq.s32 s7, s2  }
0x1e: {  	s7 =	smul.u32 @!p0 $0xF7A, s2;
	p2 =	seq.s32 @!p0 s5, $0x0  }
0x1f: {  	s9 =	smul.u32 $0xF7A, s1;
	s8 =	simm.s32 @!p0 $0x1BF5;
	p2 =	por !p2, p0  }
0x20: {  	[sflag:s8] =	ssyncset.s32 @!p0 $0xFFFFF086;
	s6 =	sadd.s32 @!p0 s3, s7;
	s7 =	simm.s32 @!p0 $0x108  }
0x21: {  	s3 =	sadd.s32 s3, s9;
	s6 =	sadd.s32 @!p0 $0x88, s6;
	s7 =	simm.s32 @p2 $0x1082  }
0x22: {  	[simem:s7], [sflag:s8] =	dma.local @!p0 [hbm:s6], $0xF7A  }
0x23: {  	s9 =	sor.u32 $0xD0000000, s2;
	s6 =	simm.s32 $0x108;
	_ =	swait.ge @!p0 [sflag:s8], $0x0  }
0x24: {  	s3 =	sadd.s32 $0x88, s3;
	s6 =	simm.s32 @!p1 $0x1082;
	[sflag:s4] =	ssyncset.s32 $0xFFFFF086  }
0x25: {  	[simem:s6], [sflag:s4] =	dma.local [hbm:s3], $0xF7A  }
0x26: {  	[smem:$0x3F9E] =	sst s1;
	(tag) =	ssettag s2;
	_ =	strace s9  }
0x27: {  	s1 =	sld [smem:$0x3FAE]  }
0x28: {  	s2 =	sld [smem:$0x3FAF]  }
0x29: {  	s4 =	sld [smem:$0x3FB1]  }
0x2a: {  	p0 =	seq.s32 s5, $0x0;
	s5 =	sld [smem:$0x3FB2]  }
0x2b: {  	s6 =	sld [smem:$0x3FB3]  }
0x2c: {  	s7 =	sld [smem:$0x3FB4]  }
0x2d: {  	s3 =	simm.s32 $0x108;
	s8 =	sld [smem:$0x3FB5]  }
0x2e: {  	s3 =	simm.s32 @!p0 $0x1082;
	s9 =	sld [smem:$0x3FB6]  }
0x2f: {  	lr =	sadd.s32 s0, s3;
	s0 =	sld [smem:$0x3FAD]  }
0x30: {  	s3 =	sld [smem:$0x3FB0]  }
0x31: {  	[smem:$0x3FB9] =	sst s10  }
0x32: {  	s10 =	sld [smem:$0x3FB7];
	_ =	sdelay $0x3  }
0x33: {  	p0 =	seq.s32 s10, $0x1;
	s10 =	sld [smem:$0x3FB9];
	_ =	sdelay $0x3  }
0x34: {  	[smem:$0x3FB9] =	sst s10  }
0x35: {  	s10 =	sld [smem:$0x3FB8];
	_ =	sdelay $0x3  }
0x36: {  	p1 =	seq.s32 s10, $0x1;
	s10 =	sld [smem:$0x3FB9];
	_ =	sdelay $0x3  }
0x37: {  	[smem:$0x3FB9] =	sst s10  }
0x38: {  	s10 =	sld [smem:$0x3FBA]  }
0x39: {  	_ = 	snop;
	(pc) =	sbr.ind lr, $3  }
0x3a: {  	_ = 	snop  }
0x3b: {  	_ = 	snop  }
0x3c: {  	p2 =	seq.s32 s10, $0x1;
	s10 =	sld [smem:$0x3FB9]  }
0x3d: {  	_ =	shalt  }
0x3e: {  	_ =	shalt  }
0x3f: {  	_ =	shalt  }
0x40: {  	_ =	shalt  }
0x41: {  	_ =	shalt  }
0x42: {  	_ =	shalt  }
0x43: {  	_ =	shalt  }
0x44: {  	_ =	shalt  }
0x45: {  	_ =	shalt  }
0x46: {  	_ =	shalt  }
0x47: {  	_ =	shalt  }
0x48: {  	_ =	shalt  }
0x49: {  	_ =	shalt  }
0x4a: {  	_ =	shalt  }
0x4b: {  	_ =	shalt  }
0x4c: {  	_ =	shalt  }
0x4d: {  	_ =	shalt  }
0x4e: {  	_ =	shalt  }
0x4f: {  	_ =	shalt  }
0x50: {  	_ =	shalt  }
0x51: {  	_ =	shalt  }
0x52: {  	_ =	shalt  }
0x53: {  	_ =	shalt  }
0x54: {  	_ =	shalt  }
0x55: {  	_ =	shalt  }
0x56: {  	_ =	shalt  }
0x57: {  	_ =	shalt  }
0x58: {  	_ =	shalt  }
0x59: {  	_ =	shalt  }
0x5a: {  	_ =	shalt  }
0x5b: {  	_ =	shalt  }
0x5c: {  	_ =	shalt  }
0x5d: {  	_ =	shalt  }
0x5e: {  	_ =	shalt  }
0x5f: {  	_ =	shalt  }
0x60: {  	_ =	shalt  }
0x61: {  	_ =	shalt  }
0x62: {  	_ =	shalt  }
0x63: {  	_ =	shalt  }
0x64: {  	_ =	shalt  }
0x65: {  	_ =	shalt  }
0x66: {  	_ =	shalt  }
0x67: {  	_ =	shalt  }
0x68: {  	_ =	shalt  }
0x69: {  	_ =	shalt  }
0x6a: {  	_ =	shalt  }
0x6b: {  	_ =	shalt  }
0x6c: {  	_ =	shalt  }
0x6d: {  	_ =	shalt  }
0x6e: {  	_ =	shalt  }
0x6f: {  	_ =	shalt  }
0x70: {  	_ =	shalt  }
0x71: {  	_ =	shalt  }
0x72: {  	_ =	shalt  }
0x73: {  	_ =	shalt  }
0x74: {  	_ =	shalt  }
0x75: {  	_ =	shalt  }
0x76: {  	_ =	shalt  }
0x77: {  	_ =	shalt  }
0x78: {  	_ =	shalt  }
0x79: {  	_ =	shalt  }
0x7a: {  	_ =	shalt  }
0x7b: {  	_ =	shalt  }
0x7c: {  	_ =	shalt  }
0x7d: {  	_ =	shalt  }
0x7e: {  	_ =	shalt  }
0x7f: {  	_ =	shalt  }
0x80: {  	_ =	shalt  }
0x81: {  	_ =	shalt  }
0x82: {  	_ =	shalt  }
0x83: {  	_ =	shalt  }
0x84: {  	_ =	shalt  }
0x85: {  	_ =	shalt  }
0x86: {  	_ =	shalt  }
0x87: {  	_ =	shalt  }
.Lfunc_end0:
.L_simem_size_0:
called_computation_lowered:
.L_overlay_start_0:
0x88: {  	s2 =	sld [smem:$0x3FD9]  }
0x89: {  	s3 =	sld [smem:$0x3FFE];
	_ =	sdelay $0x1  }
0x8a: {  	s1 =	srdreg.scid  }
0x8b: {  	s0 =	sand.u32 $0x1, s1  }
0x8c: {  	s17 =	sshll.u32 s0, $0xA;
	s2 =	sadd.s32 s3, s2  }
0x8d: {  	s2 =	sadd.s32 s2, s17  }
0x8e: {  	[smem:$0x3FC5] =	sst s2  }
0x8f: {  	_ = 	snop  }
0x90: {  	s2 =	sld [smem:$0x3FC9]  }
0x91: {  	s18 =	sld [smem:$0x3FC8]  }
0x92: {  	s4 =	sld [smem:$0x3FC7];
	(tm) =	ssettm $0x1  }
0x93: {  	s5 =	sld [smem:$0x3FFB];
	_ =	sdelay $0x3  }
0x94: {  	_ =	strace s5  }
0x95: {  	s5 =	sld [smem:$0x3FFC];
	_ =	sdelay $0x3  }
0x96: {  	_ =	strace s5  }
0x97: {  	s5 =	sld [smem:$0x3FFD];
	_ =	sdelay $0x3  }
0x98: {  	_ =	strace s5  }
0x99: {  	_ =	strace $0x8FFFFFFF  }
0x9a: {  	s19 =	sld [smem:$0x3FDB];
	_ =	sdelay $0x1  }
0x9b: {  	s6 =	simm.s32 $_scs_section_size  }
0x9c: {  	s7 =	simm.s32 $_size__tile_overlayer_lowered;
	s8 =	simm.s32 $_tile_overlayer_lowered  }
0x9d: {  	s22 =	simm.s32 $0x1BFF;
	s21 =	sshll.u32 s8, $0x1;
	s5 =	sadd.s32 s6, s19  }
0x9e: {  	s9 =	simm.s32 $0x0;
	s20 =	sshll.u32 s7, $0x1;
	s7 =	sadd.s32 s21, s5  }
0x9f: {  	[timem:s9], [sflag:s22] =	dma.local [hbm:s7], s20  }
0xa0: {  	_ =	swait.ge [sflag:s22], s20  }
0xa1: {  	s6 =	ssub.s32 $0x0, s20;
	[sflag:s22] =	ssyncset.done $0x0  }
0xa2: {  	[sflag:s22] =	ssyncadd.s32 s6;
	_ =	sdelay $0x1  }
0xa3: {  	s23 =	simm.s32 $0x1B8B  }
0xa4: {  	_ =	swait.ge [sflag:s23], $0x1  }
0xa5: {  	[sflag:s23] =	ssyncset.done $0x0  }
0xa6: {  	s25 =	simm.s32 $0x1B8E;
	s24 =	sld [smem:$0x3FFE];
	[sflag:s23] =	ssyncadd.s32 $0xFFFFFFFF  }
0xa7: {  	s26 =	simm.s32 $execute0_lowered;
	[smem:$0x3FD2] =	sst s25  }
0xa8: {  	s7 =	sshll.u32 s26, $0x1;
	_ =	strace $0x80000046;
	[dreg:$0x1] =	wrdreg $0xFFFFFFFF  }
0xa9: {  	s28 =	simm.s32 $_size_execute0_lowered;
	s5 =	sadd.s32 s5, s7;
	[dreg:$0x0] =	wrdreg $0x0  }
0xaa: {  	s7 =	sshll.u32 s28, $0x1;
	[dreg:$0x2] =	wrdreg s5  }
0xab: {  	[dreg:$0x3] =	wrdreg s7  }
0xac: {  	[dreg:$0x4] =	wrdreg $0xC0  }
0xad: {  	_ =	task [dreg:s9], $0x5FFFF  }
0xae: {  	[dreg:$0x1] =	wrdreg $0xFFFFFFFF  }
0xaf: {  	[dreg:$0x0] =	wrdreg $0x60  }
0xb0: {  	[dreg:$0x2] =	wrdreg s2  }
0xb1: {  	[dreg:$0x3] =	wrdreg s18  }
0xb2: {  	[dreg:$0x4] =	wrdreg s4  }
0xb3: {  	[dreg:$0x5] =	wrdreg s24  }
0xb4: {  	[dreg:$0x6] =	wrdreg $0x9  }
0xb5: {  	_ =	task.clear_ibuf [dreg:s9], $0x7FFFF;
	_ =	strace $0x90000046  }
0xb6: {  	s29 =	simm.s32 $0x9;
	_ =	strace $0x80000048  }
0xb7: {  	_ =	swait.ge [sflag:s29], $0x1  }
0xb8: {  	[sflag:s29] =	ssyncadd.s32 $0xFFFFFFFF  }
0xb9: {  	_ =	strace $0x90000048  }
0xba: {  	_ =	sfence  }
0xbb: {  	s30 =	sld [smem:$0x0];
	_ =	sdelay $0x2  }
0xbc: {  	s31 =	sshll.u32 s1, $0xD;
	s1 =	sshrl.u32 s1, $0x2  }
0xbd: {  	s3 =	sand.u32 $0x4000, s31;
	s1 =	sadd.s32 s1, s30  }
0xbe: {  	s0 =	sor.u32 s3, s0;
	s1 =	sshll.u32 s1, $0x11  }
0xbf: {  	s0 =	sor.u32 s1, s0  }
0xc0: {  	s0 =	sadd.s32 $0x8F2B, s0  }
0xc1: {  	[sflag:s0] =	ssyncadd.remote.s32 $0x1  }
0xc2: {  	_ =	sfence.sel $0xFFFF  }
0xc3: {  	[dreg:$0x0] =	wrdreg $0xFFFFFFFF;
	(pc) =	sbr.abs _section_cstart, $3  }
0xc4: {  	[dreg:$0x1] =	wrdreg $0xFFFFFFFF  }
0xc5: {  	_ =	task.clear_ibuf [dreg:s9], $0x2FFFF;
	_ =	strace $0x9FFFFFFF  }
0xc6: {  	(tm) =	ssettm $0x7FFFFFFF  }
0xc7: {  	_ =	shalt  }
tec
execute0_lowered:
.L_overlay_start_1:
0x0: {  	(tag) =	ssettag $0x1  }
0x1: {  	s0 =	rddreg [dreg:$0x0]  }
0x2: {  	s1 =	rddreg [dreg:$0x1]  }
0x3: {  	s2 =	srdreg.scid;
	s14 =	rddreg [dreg:$0x2]  }
0x4: {  	s4 =	stileid.u32;
	s30 =	rddreg [dreg:$0x3]  }
0x5: {  	s18 =	simm.s32 $0xA000;
	s19 =	simm.s32 $0x1;
	s20 =	simm.s32 $0x2800  }
0x6: {  	s21 =	simm.s32 $0x7800;
	s22 =	simm.s32 $0xC800;
	s23 =	simm.s32 $0xF000  }
0x7: {  	s24 =	simm.s32 $0xF180;
	s3 =	sand.u32 $0x1, s2;
	s26 =	sshll.u32 s4, $0x1  }
0x8: {  	s25 =	simm.s32 $0x2;
	s28 =	simm.s32 $0x3;
	s5 =	sor.u32 s3, s26  }
0x9: {  	s29 =	simm.s32 $0x0;
	s2 =	simm.s32 $0x0;
	s6 =	smul.u32 $0x300, s5  }
0xa: {  	[smem:$0x7FF] =	sst s2;
	s3 =	ssub.s32 $0x2, s3;
	s5 =	smul.u32 $0xA000, s5  }
0xb: {  	s26 =	simm.s32 $0xF300;
	_ =	strace $0x80000047;
	s31 =	sshrl.u32 s3, $0x1  }
0xc: {  	s16 =	ssub.s32 s3, s31;
	s15 =	sadd.s32 s6, s30;
	s11 =	sshrl.u32 s5, $0x3  }
0xd: {  	s16 =	smax.u32 s16, $0x1;
	s3 =	sadd.s32 s0, s11;
	s8 =	sadd.s32 $0x500, s11  }
0xe: {  	s4 =	sadd.s32 s1, s11;
	s5 =	sadd.s32 s14, s11;
	s12 =	sadd.s32 $0xA00, s11  }
0xf: {  	s17 =	sadd.s32 $0xF00, s11;
	s15 =	sadd.s32 $0xA00, s15;
	s6 =	sadd.s32 s0, s8  }
0x10: {  	s7 =	sadd.s32 s1, s8;
	s8 =	sadd.s32 s14, s8;
	s9 =	sadd.s32 s0, s12  }
0x11: {  	v0 =	vimm.s32 $0x0;
	v1 =	vlaneseq.u32;
	s10 =	sadd.s32 s1, s12;
	s11 =	sadd.s32 s14, s12;
	s12 =	sadd.s32 s0, s17  }
0x12: {  	v2 =	vimm.f32 $0.0e+00;
	v3 =	vimm.s32 $0x1;
	v4 =	vor.u32 $0x10, v1;
	s13 =	sadd.s32 s1, s17;
	s14 =	sadd.s32 s14, s17;
	s17 =	simm.s32 $0x5000  }
.LBB2_1:
0x13: {  	[tilespmem:$0xF000] =	vst v0  }
0x14: {  	[tilespmem:$0xF180] =	vst v2  }
0x15: {  	[tilespmem:$0xF010] =	vst v0  }
0x16: {  	[tilespmem:$0xF190] =	vst v2  }
0x17: {  	[tilespmem:$0xF020] =	vst v0  }
0x18: {  	[tilespmem:$0xF1A0] =	vst v2  }
0x19: {  	[tilespmem:$0xF030] =	vst v0  }
0x1a: {  	[tilespmem:$0xF1B0] =	vst v2  }
0x1b: {  	[tilespmem:$0xF040] =	vst v0  }
0x1c: {  	[tilespmem:$0xF1C0] =	vst v2  }
0x1d: {  	[tilespmem:$0xF050] =	vst v0  }
0x1e: {  	[tilespmem:$0xF1D0] =	vst v2  }
0x1f: {  	[tilespmem:$0xF060] =	vst v0  }
0x20: {  	[tilespmem:$0xF1E0] =	vst v2  }
0x21: {  	[tilespmem:$0xF070] =	vst v0  }
0x22: {  	[tilespmem:$0xF1F0] =	vst v2  }
0x23: {  	[tilespmem:$0xF080] =	vst v0  }
0x24: {  	[tilespmem:$0xF200] =	vst v2  }
0x25: {  	[tilespmem:$0xF090] =	vst v0  }
0x26: {  	[tilespmem:$0xF210] =	vst v2  }
0x27: {  	[tilespmem:$0xF0A0] =	vst v0  }
0x28: {  	[tilespmem:$0xF220] =	vst v2  }
0x29: {  	[tilespmem:$0xF0B0] =	vst v0  }
0x2a: {  	[tilespmem:$0xF230] =	vst v2  }
0x2b: {  	[tilespmem:$0xF0C0] =	vst v0  }
0x2c: {  	[tilespmem:$0xF240] =	vst v2  }
0x2d: {  	[tilespmem:$0xF0D0] =	vst v0  }
0x2e: {  	[tilespmem:$0xF250] =	vst v2  }
0x2f: {  	[tilespmem:$0xF0E0] =	vst v0  }
0x30: {  	[tilespmem:$0xF260] =	vst v2  }
0x31: {  	[tilespmem:$0xF0F0] =	vst v0  }
0x32: {  	[tilespmem:$0xF270] =	vst v2  }
0x33: {  	[tilespmem:$0xF100] =	vst v0  }
0x34: {  	[tilespmem:$0xF280] =	vst v2  }
0x35: {  	[tilespmem:s2], [sflag:$0x1] =	stream.linear.gather [hbm4b:s3+s2], $0x2800, $0x38;
	[tilespmem:$0x10B00] =	vst v63  }
0x36: {  	_ = 	snop  }
0x37: {  	[tilespmem:s17], [sflag:$0x1] =	stream.linear.gather [hbm4b:s4+s2], $0x2800, $0x38;
	[tilespmem:$0x10B00] =	vst v63  }
0x38: {  	_ = 	snop  }
0x39: {  	[tilespmem:s18], [sflag:$0x1] =	stream.linear.gather [hbm4b:s5+s2], $0x2800, $0x38;
	[tilespmem:$0x10B00] =	vst v63  }
0x3a: {  	_ =	swait.ge [sflag:s19], $0x2800  }
0x3b: {  	[sflag:s19] =	ssyncset.done $0x0  }
0x3c: {  	[sflag:s19] =	ssyncadd.s32 $0xFFFFD800  }
0x3d: {  	_ =	swait.ge [sflag:s19], $0x2800  }
0x3e: {  	[sflag:s19] =	ssyncset.done $0x0  }
0x3f: {  	[sflag:s19] =	ssyncadd.s32 $0xFFFFD800  }
0x40: {  	_ =	swait.ge [sflag:s19], $0x2800  }
0x41: {  	[sflag:s19] =	ssyncset.done $0x0  }
0x42: {  	[sflag:s19] =	ssyncadd.s32 $0xFFFFD800  }
0x43: {  	[tilespmem:s20], [sflag:$0x2] =	stream.linear.gather [hbm4b:s6+s2], $0x2800, $0x38;
	[tilespmem:$0x10B00] =	vst v63  }
0x44: {  	_ = 	snop  }
0x45: {  	[tilespmem:s21], [sflag:$0x2] =	stream.linear.gather [hbm4b:s7+s2], $0x2800, $0x38;
	[tilespmem:$0x10B00] =	vst v63  }
0x46: {  	s0 =	simm.s32 $0x40  }
0x47: {  	[tilespmem:s22], [sflag:$0x2] =	stream.linear.gather [hbm4b:s8+s2], $0x2800, $0x38;
	[tilespmem:$0x10B00] =	vst v63  }
0x48: {  	v12 =	vld [tilespmem:s0+$0xFFFFFFC0];
	_ =	sdelay $0x4  }
0x49: {  	v13 =	vld [tilespmem:s0+$0x30];
	v5 =	vmul.f32 $1.500000000e+01, v12  }
0x4a: {  	v10 =	vld [tilespmem:s0+$0x20]  }
0x4b: {  	v7 =	vld [tilespmem:s0+$0x10];
	v5 =	vadd.f32 $5.000000000e-01, v5  }
0x4c: {  	s31 =	simm.s32 $0xA040;
	v9 =	vld [tilespmem:s0+$0xFFFFFFE0]  }
0x4d: {  	s30 =	simm.s32 $0x5040;
	v23 =	vld [tilespmem:s31+$0xFFFFFFD0];
	v5 =	vtrunc.f32 v5  }
0x4e: {  	v24 =	vld [tilespmem:s30+$0xFFFFFFD0];
	v11 =	vcvt.f32.s32 v5  }
0x4f: {  	v8 =	vld [tilespmem:s0+$0x0];
	v15 =	vmul.f32 $1.500000000e+01, v13;
	v16 =	vmul.f32 $1.500000000e+01, v10  }
0x50: {  	v6 =	vld [tilespmem:s0+$0xFFFFFFD0];
	v17 =	vmul.f32 $1.500000000e+01, v7;
	v14 =	vcvt.s32.f32 v11  }
0x51: {  	v15 =	vadd.f32 $5.000000000e-01, v15;
	v5 =	vld [tilespmem:s0+$0xFFFFFFF0]  }
0x52: {  	v18 =	vld [tilespmem:s30+$0xFFFFFFC0];
	v16 =	vadd.f32 $5.000000000e-01, v16;
	v17 =	vadd.f32 $5.000000000e-01, v17;
	v14 =	vmul.f32 $6.666667010e-02, v14  }
0x53: {  	v19 =	vld [tilespmem:s31+$0xFFFFFFC0];
	v22 =	vmul.f32 $1.500000000e+01, v9;
	vm1 =	veq.s32 v24, v23;
	v15 =	vtrunc.f32 v15  }
0x54: {  	v17 =	vtrunc.f32 v17;
	v16 =	vtrunc.f32 v16;
	vm0 =	vle.f32 v12, v14  }
0x55: {  	v27 =	vld [tilespmem:s31+$0x30];
	v15 =	vcvt.f32.s32 v15;
	v11 =	vshll.u32 v11, $0x4;
	v20 =	vsel vm0, v1, v4  }
0x56: {  	v30 =	vld [tilespmem:s30+$0x30];
	v16 =	vcvt.f32.s32 v16;
	v21 =	vmul.f32 $1.500000000e+01, v5;
	v20 =	vadd.s32 v11, v20  }
0x57: {  	v22 =	vadd.f32 $5.000000000e-01, v22;
	v14 =	vmul.f32 $1.500000000e+01, v8;
	v11 =	vmul.f32 $1.500000000e+01, v6  }
0x58: {  	v25 =	vcvt.s32.f32 v15;
	v21 =	vadd.f32 $5.000000000e-01, v21;
	vm0 =	veq.s32 v18, v19  }
0x59: {  	v18 =	vtrunc.f32 v22;
	v19 =	vld [tilespmem:s31+$0xFFFFFFF0];
	v14 =	vadd.f32 $5.000000000e-01, v14;
	v11 =	vadd.f32 $5.000000000e-01, v11  }
0x5a: {  	v22 =	vsel vm0, $0x2001, v3;
	v26 =	vcvt.f32.s32 v18;
	v18 =	vld [tilespmem:s30+$0xFFFFFFF0];
	v21 =	vtrunc.f32 v21  }
0x5b: {  	vm4 =	veq.s32 v30, v27;
	[tilespmem:v20+s23+$0x0] =	vst.idx.add.s32.msk $0xffff, v22;
	v22 =	vtrunc.f32 v11;
	v11 =	vcvt.f32.s32 v17  }
0x5c: {  	v17 =	vmul.f32 $6.666667010e-02, v25;
	v25 =	vshll.u32 v15, $0x4;
	[tilespmem:v20+s24+$0x0] =	vst.idx.add.f32.msk $0xffff, v12;
	v12 =	vtrunc.f32 v14  }
0x5d: {  	v14 =	vshll.u32 v16, $0x4;
	v20 =	vcvt.s32.f32 v26;
	v16 =	vcvt.s32.f32 v16  }
0x5e: {  	v15 =	vld [tilespmem:s31+$0xFFFFFFE0];
	v28 =	vcvt.f32.s32 v22;
	v29 =	vcvt.f32.s32 v12;
	vm0 =	vle.f32 v13, v17  }
0x5f: {  	v12 =	vcvt.f32.s32 v21;
	v21 =	vcvt.s32.f32 v11;
	v17 =	vld [tilespmem:s30+$0xFFFFFFE0];
	v22 =	vsel vm0, v1, v4  }
0x60: {  	vm0 =	veq.s32 v18, v19;
	v19 =	vld [tilespmem:s31+$0x0];
	v31 =	vcvt.s32.f32 v29;
	v32 =	vadd.s32 v25, v22  }
0x61: {  	v27 =	vsel vm4, $0x2001, v3;
	v16 =	vmul.f32 $6.666667010e-02, v16;
	v33 =	vcvt.s32.f32 v28;
	v18 =	vld [tilespmem:s31+$0x10]  }
0x62: {  	v20 =	vmul.f32 $6.666667010e-02, v20;
	v23 =	vshll.u32 v28, $0x4;
	v22 =	vld [tilespmem:s30+$0x0];
	v24 =	vmul.f32 $6.666667010e-02, v31  }
0x63: {  	v25 =	vmul.f32 $6.666667010e-02, v21;
	v21 =	vld [tilespmem:s30+$0x10];
	vm2 =	vle.f32 v10, v16;
	v16 =	vmul.f32 $6.666667010e-02, v33  }
0x64: {  	v28 =	vshll.u32 v26, $0x4;
	vm3 =	vle.f32 v9, v20;
	vm5 =	vle.f32 v8, v24;
	v24 =	vld [tilespmem:s31+$0x20]  }
0x65: {  	v20 =	vcvt.s32.f32 v12;
	vm15 =	vle.f32 v6, v16;
	v16 =	vsel vm3, v1, v4;
	[tilespmem:v32+s23+$0x0] =	vst.idx.add.s32.msk $0xffff, v27  }
0x66: {  	v29 =	vshll.u32 v29, $0x4;
	v26 =	vsel vm15, v1, v4;
	v63 =	vsel vm5, v1, v4;
	[tilespmem:v32+s24+$0x0] =	vst.idx.add.f32.msk $0xffff, v13  }
0x67: {  	s1 =	simm.s32 $0x0;
	s0 =	simm.s32 $0xC0;
	v16 =	vadd.s32 v28, v16;
	v27 =	vmul.f32 $6.666667010e-02, v20;
	v20 =	vadd.s32 v29, v63;
	v13 =	vld [tilespmem:s30+$0x20]  }
.LBB2_2:
0x68: {  	v28 =	vld [tilespmem:s0+$0x10];
	s1 =	sadd.s32 $0x8, s1;
	vm3 =	veq.s32 v17, v15;
	vm4 =	vle.f32 v7, v25;
	v15 =	vsel vm2, v1, v4;
	s30 =	sadd.s32 $0x80, s30;
	s31 =	sadd.s32 $0x80, s31  }
0x69: {  	v17 =	vld [tilespmem:s30+$0xFFFFFFC0];
	p0 =	slt.u32 s1, $0x278;
	vm2 =	vle.f32 v5, v27;
	v25 =	vsel vm4, v1, v4;
	v14 =	vadd.s32 v14, v15  }
0x6a: {  	v23 =	vadd.s32 v23, v26;
	v15 =	vld [tilespmem:s0+$0xFFFFFFC0];
	v26 =	vsel vm2, v1, v4;
	vm2 =	veq.s32 v22, v19  }
0x6b: {  	v19 =	vld [tilespmem:s0+$0xFFFFFFD0]  }
0x6c: {  	v22 =	vld [tilespmem:s0+$0xFFFFFFE0];
	vm4 =	veq.s32 v13, v24  }
0x6d: {  	v11 =	vshll.u32 v11, $0x4;
	v24 =	vld [tilespmem:s0+$0xFFFFFFF0];
	v13 =	vsel vm4, $0x2001, v3  }
0x6e: {  	v11 =	vadd.s32 v11, v25;
	[tilespmem:v14+s23+$0x0] =	vst.idx.add.s32.msk $0xffff, v13  }
0x6f: {  	v13 =	vmul.f32 $1.500000000e+01, v15;
	v25 =	vld [tilespmem:s0+$0x0]  }
0x70: {  	[tilespmem:v14+s24+$0x0] =	vst.idx.add.f32.msk $0xffff, v10  }
0x71: {  	vm4 =	veq.s32 v21, v18;
	v14 =	vadd.f32 $5.000000000e-01, v13;
	v10 =	vld [tilespmem:s0+$0x20]  }
0x72: {  	v12 =	vshll.u32 v12, $0x4;
	v18 =	vsel vm4, $0x2001, v3;
	v13 =	vld [tilespmem:s0+$0x30]  }
0x73: {  	v12 =	vadd.s32 v12, v26;
	v21 =	vsel vm2, $0x2001, v3;
	v14 =	vtrunc.f32 v14;
	[tilespmem:v11+s23+$0x0] =	vst.idx.add.s32.msk $0xffff, v18  }
0x74: {  	v14 =	vcvt.f32.s32 v14;
	[tilespmem:v20+s23+$0x0] =	vst.idx.add.s32.msk $0xffff, v21  }
0x75: {  	v18 =	vld [tilespmem:s31+$0xFFFFFFC0]  }
0x76: {  	v26 =	vsel vm3, $0x2001, v3;
	v21 =	vcvt.s32.f32 v14;
	[tilespmem:v11+s24+$0x0] =	vst.idx.add.f32.msk $0xffff, v7;
	v7 =	vmov v28  }
0x77: {  	v27 =	vsel vm1, $0x2001, v3;
	v11 =	vmul.f32 $1.500000000e+01, v13;
	[tilespmem:v16+s23+$0x0] =	vst.idx.add.s32.msk $0xffff, v26  }
0x78: {  	v28 =	vsel vm0, $0x2001, v3;
	v26 =	vmul.f32 $1.500000000e+01, v10;
	v21 =	vmul.f32 $6.666667010e-02, v21;
	[tilespmem:v20+s24+$0x0] =	vst.idx.add.f32.msk $0xffff, v8;
	v8 =	vmovc v25  }
0x79: {  	v14 =	vshll.u32 v14, $0x4;
	v20 =	vmul.f32 $1.500000000e+01, v7;
	v11 =	vadd.f32 $5.000000000e-01, v11;
	[tilespmem:v16+s24+$0x0] =	vst.idx.add.f32.msk $0xffff, v9;
	v9 =	vmovc v22  }
0x7a: {  	v16 =	vmul.f32 $1.500000000e+01, v8;
	vm0 =	vle.f32 v15, v21;
	v21 =	vadd.f32 $5.000000000e-01, v26;
	[tilespmem:v12+s23+$0x0] =	vst.idx.add.s32.msk $0xffff, v28  }
0x7b: {  	v25 =	vmul.f32 $1.500000000e+01, v24;
	v20 =	vadd.f32 $5.000000000e-01, v20;
	v22 =	vsel vm0, v1, v4;
	[tilespmem:v23+s23+$0x0] =	vst.idx.add.s32.msk $0xffff, v27  }
0x7c: {  	v26 =	vmul.f32 $1.500000000e+01, v9;
	v16 =	vadd.f32 $5.000000000e-01, v16;
	v11 =	vtrunc.f32 v11;
	[tilespmem:v23+s24+$0x0] =	vst.idx.add.f32.msk $0xffff, v6;
	v6 =	vmovc v19  }
0x7d: {  	v19 =	vadd.s32 v14, v22;
	v22 =	vadd.f32 $5.000000000e-01, v25;
	v14 =	vmul.f32 $1.500000000e+01, v6;
	[tilespmem:v12+s24+$0x0] =	vst.idx.add.f32.msk $0xffff, v5;
	v5 =	vmovc v24  }
0x7e: {  	v20 =	vtrunc.f32 v20;
	v21 =	vtrunc.f32 v21;
	v12 =	vadd.f32 $5.000000000e-01, v26;
	v23 =	vld [tilespmem:s31+$0xFFFFFFD0]  }
0x7f: {  	v25 =	vcvt.f32.s32 v11;
	v22 =	vtrunc.f32 v22;
	v24 =	vld [tilespmem:s30+$0xFFFFFFD0];
	v14 =	vadd.f32 $5.000000000e-01, v14  }
0x80: {  	vm0 =	veq.s32 v17, v18;
	v11 =	vtrunc.f32 v12;
	v12 =	vcvt.f32.s32 v21;
	v18 =	vld [tilespmem:s31+$0xFFFFFFF0]  }
0x81: {  	v17 =	vsel vm0, $0x2001, v3;
	v27 =	vcvt.s32.f32 v25;
	v26 =	vcvt.f32.s32 v11;
	v21 =	vld [tilespmem:s30+$0xFFFFFFF0]  }
0x82: {  	v11 =	vcvt.f32.s32 v20;
	[tilespmem:v19+s23+$0x0] =	vst.idx.add.s32.msk $0xffff, v17;
	v17 =	vtrunc.f32 v14;
	v14 =	vshll.u32 v12, $0x4  }
0x83: {  	[tilespmem:v19+s24+$0x0] =	vst.idx.add.f32.msk $0xffff, v15;
	v15 =	vtrunc.f32 v16;
	v16 =	vmul.f32 $6.666667010e-02, v27  }
0x84: {  	v25 =	vshll.u32 v25, $0x4;
	v20 =	vcvt.s32.f32 v12;
	v19 =	vcvt.s32.f32 v26;
	v27 =	vld [tilespmem:s31+$0x30]  }
0x85: {  	v28 =	vcvt.f32.s32 v17;
	v29 =	vcvt.f32.s32 v15;
	v30 =	vld [tilespmem:s30+$0x30];
	vm0 =	vle.f32 v13, v16  }
0x86: {  	v12 =	vcvt.f32.s32 v22;
	v16 =	vcvt.s32.f32 v11;
	v15 =	vld [tilespmem:s31+$0xFFFFFFE0];
	v22 =	vsel vm0, v1, v4  }
0x87: {  	v31 =	vmul.f32 $6.666667010e-02, v19;
	v32 =	vcvt.s32.f32 v29;
	v17 =	vld [tilespmem:s30+$0xFFFFFFE0];
	v33 =	vadd.s32 v25, v22  }
0x88: {  	v20 =	vmul.f32 $6.666667010e-02, v20;
	v34 =	vcvt.s32.f32 v28;
	vm0 =	veq.s32 v21, v18;
	v19 =	vld [tilespmem:s31+$0x0]  }
0x89: {  	vm1 =	veq.s32 v24, v23;
	v25 =	vmul.f32 $6.666667010e-02, v16;
	v24 =	vmul.f32 $6.666667010e-02, v32;
	v22 =	vld [tilespmem:s30+$0x0]  }
0x8a: {  	vm2 =	vle.f32 v10, v20;
	vm3 =	vle.f32 v9, v31;
	v18 =	vld [tilespmem:s31+$0x10]  }
.Ltmp0:
0x8b: {  	v23 =	vshll.u32 v28, $0x4;
	v16 =	vmul.f32 $6.666667010e-02, v34;
	vm4 =	veq.s32 v30, v27;
	v21 =	vld [tilespmem:s30+$0x10];
	(pc) =	sbr.rel @p0 .LBB2_2-.Ltmp0, $4  }
0x8c: {  	v20 =	vcvt.s32.f32 v12;
	vm5 =	vle.f32 v8, v24;
	v27 =	vsel vm4, $0x2001, v3;
	v24 =	vld [tilespmem:s31+$0x20]  }
0x8d: {  	v28 =	vshll.u32 v26, $0x4;
	vm4 =	vle.f32 v6, v16;
	v16 =	vsel vm3, v1, v4;
	[tilespmem:v33+s23+$0x0] =	vst.idx.add.s32.msk $0xffff, v27  }
0x8e: {  	v29 =	vshll.u32 v29, $0x4;
	v30 =	vsel vm5, v1, v4;
	v26 =	vsel vm4, v1, v4;
	[tilespmem:v33+s24+$0x0] =	vst.idx.add.f32.msk $0xffff, v13  }
0x8f: {  	s0 =	sadd.s32 $0x80, s0;
	v16 =	vadd.s32 v28, v16;
	v27 =	vmul.f32 $6.666667010e-02, v20;
	v20 =	vadd.s32 v29, v30;
	v13 =	vld [tilespmem:s30+$0x20]  }
0x90: {  	v28 =	vsel vm2, v1, v4  }
0x91: {  	vm2 =	vle.f32 v7, v25;
	v14 =	vadd.s32 v14, v28  }
0x92: {  	v11 =	vshll.u32 v11, $0x4;
	v25 =	vsel vm2, v1, v4  }
0x93: {  	v11 =	vadd.s32 v11, v25  }
0x94: {  	vm2 =	veq.s32 v13, v24  }
0x95: {  	v13 =	vsel vm2, $0x2001, v3  }
0x96: {  	vm2 =	veq.s32 v21, v18;
	[tilespmem:v14+s23+$0x0] =	vst.idx.add.s32.msk $0xffff, v13  }
0x97: {  	vm4 =	veq.s32 v22, v19;
	vm3 =	vle.f32 v5, v27;
	[tilespmem:v14+s24+$0x0] =	vst.idx.add.f32.msk $0xffff, v10;
	v10 =	vsel vm2, $0x2001, v3  }
0x98: {  	v12 =	vshll.u32 v12, $0x4;
	v13 =	vsel vm3, v1, v4;
	v14 =	vsel vm4, $0x2001, v3;
	[tilespmem:v11+s23+$0x0] =	vst.idx.add.s32.msk $0xffff, v10  }
0x99: {  	vm2 =	veq.s32 v17, v15;
	v10 =	vadd.s32 v12, v13;
	[tilespmem:v20+s23+$0x0] =	vst.idx.add.s32.msk $0xffff, v14  }
0x9a: {  	v12 =	vadd.s32 v23, v26;
	v13 =	vsel vm2, $0x2001, v3;
	[tilespmem:v11+s24+$0x0] =	vst.idx.add.f32.msk $0xffff, v7  }
0x9b: {  	[tilespmem:v16+s23+$0x0] =	vst.idx.add.s32.msk $0xffff, v13  }
0x9c: {  	[tilespmem:v20+s24+$0x0] =	vst.idx.add.f32.msk $0xffff, v8  }
0x9d: {  	v7 =	vsel vm0, $0x2001, v3;
	[tilespmem:v16+s24+$0x0] =	vst.idx.add.f32.msk $0xffff, v9  }
0x9e: {  	v8 =	vsel vm1, $0x2001, v3;
	[tilespmem:v10+s23+$0x0] =	vst.idx.add.s32.msk $0xffff, v7  }
0x9f: {  	[tilespmem:v12+s23+$0x0] =	vst.idx.add.s32.msk $0xffff, v8  }
0xa0: {  	[tilespmem:v12+s24+$0x0] =	vst.idx.add.f32.msk $0xffff, v6  }
0xa1: {  	[tilespmem:v10+s24+$0x0] =	vst.idx.add.f32.msk $0xffff, v5  }
0xa2: {  	_ =	swait.ge [sflag:s25], $0x2800  }
0xa3: {  	[sflag:s25] =	ssyncset.done $0x0  }
0xa4: {  	[sflag:s25] =	ssyncadd.s32 $0xFFFFD800  }
0xa5: {  	_ =	swait.ge [sflag:s25], $0x2800  }
0xa6: {  	[sflag:s25] =	ssyncset.done $0x0  }
0xa7: {  	[sflag:s25] =	ssyncadd.s32 $0xFFFFD800  }
0xa8: {  	_ =	swait.ge [sflag:s25], $0x2800  }
0xa9: {  	[sflag:s25] =	ssyncset.done $0x0  }
0xaa: {  	[sflag:s25] =	ssyncadd.s32 $0xFFFFD800  }
0xab: {  	[tilespmem:s2], [sflag:$0x1] =	stream.linear.gather [hbm4b:s9+s2], $0x2800, $0x38;
	[tilespmem:$0x10B00] =	vst v63  }
0xac: {  	_ = 	snop  }
0xad: {  	[tilespmem:s17], [sflag:$0x1] =	stream.linear.gather [hbm4b:s10+s2], $0x2800, $0x38;
	[tilespmem:$0x10B00] =	vst v63  }
0xae: {  	s0 =	simm.s32 $0x2840  }
0xaf: {  	[tilespmem:s18], [sflag:$0x1] =	stream.linear.gather [hbm4b:s11+s2], $0x2800, $0x38;
	[tilespmem:$0x10B00] =	vst v63  }
0xb0: {  	v12 =	vld [tilespmem:s0+$0xFFFFFFC0];
	_ =	sdelay $0x4  }
0xb1: {  	v13 =	vld [tilespmem:s0+$0x30];
	v5 =	vmul.f32 $1.500000000e+01, v12  }
0xb2: {  	v10 =	vld [tilespmem:s0+$0x20]  }
0xb3: {  	v7 =	vld [tilespmem:s0+$0x10];
	v5 =	vadd.f32 $5.000000000e-01, v5  }
0xb4: {  	s31 =	simm.s32 $0xC840;
	v9 =	vld [tilespmem:s0+$0xFFFFFFE0]  }
0xb5: {  	s30 =	simm.s32 $0x7840;
	v23 =	vld [tilespmem:s31+$0xFFFFFFD0];
	v5 =	vtrunc.f32 v5  }
0xb6: {  	v24 =	vld [tilespmem:s30+$0xFFFFFFD0];
	v11 =	vcvt.f32.s32 v5  }
0xb7: {  	v8 =	vld [tilespmem:s0+$0x0];
	v15 =	vmul.f32 $1.500000000e+01, v13;
	v16 =	vmul.f32 $1.500000000e+01, v10  }
0xb8: {  	v6 =	vld [tilespmem:s0+$0xFFFFFFD0];
	v17 =	vmul.f32 $1.500000000e+01, v7;
	v14 =	vcvt.s32.f32 v11  }
0xb9: {  	v15 =	vadd.f32 $5.000000000e-01, v15;
	v5 =	vld [tilespmem:s0+$0xFFFFFFF0]  }
0xba: {  	v18 =	vld [tilespmem:s30+$0xFFFFFFC0];
	v16 =	vadd.f32 $5.000000000e-01, v16;
	v17 =	vadd.f32 $5.000000000e-01, v17;
	v14 =	vmul.f32 $6.666667010e-02, v14  }
0xbb: {  	v19 =	vld [tilespmem:s31+$0xFFFFFFC0];
	v22 =	vmul.f32 $1.500000000e+01, v9;
	vm1 =	veq.s32 v24, v23;
	v15 =	vtrunc.f32 v15  }
0xbc: {  	v17 =	vtrunc.f32 v17;
	v16 =	vtrunc.f32 v16;
	vm0 =	vle.f32 v12, v14  }
0xbd: {  	v27 =	vld [tilespmem:s31+$0x30];
	v15 =	vcvt.f32.s32 v15;
	v11 =	vshll.u32 v11, $0x4;
	v20 =	vsel vm0, v1, v4  }
0xbe: {  	v30 =	vld [tilespmem:s30+$0x30];
	v16 =	vcvt.f32.s32 v16;
	v21 =	vmul.f32 $1.500000000e+01, v5;
	v20 =	vadd.s32 v11, v20  }
0xbf: {  	v22 =	vadd.f32 $5.000000000e-01, v22;
	v14 =	vmul.f32 $1.500000000e+01, v8;
	v11 =	vmul.f32 $1.500000000e+01, v6  }
0xc0: {  	v25 =	vcvt.s32.f32 v15;
	v21 =	vadd.f32 $5.000000000e-01, v21;
	vm0 =	veq.s32 v18, v19  }
0xc1: {  	v18 =	vtrunc.f32 v22;
	v19 =	vld [tilespmem:s31+$0xFFFFFFF0];
	v14 =	vadd.f32 $5.000000000e-01, v14;
	v11 =	vadd.f32 $5.000000000e-01, v11  }
0xc2: {  	v22 =	vsel vm0, $0x2001, v3;
	v26 =	vcvt.f32.s32 v18;
	v18 =	vld [tilespmem:s30+$0xFFFFFFF0];
	v21 =	vtrunc.f32 v21  }
0xc3: {  	vm14 =	veq.s32 v30, v27;
	[tilespmem:v20+s23+$0x0] =	vst.idx.add.s32.msk $0xffff, v22;
	v22 =	vtrunc.f32 v11;
	v11 =	vcvt.f32.s32 v17  }
0xc4: {  	v17 =	vmul.f32 $6.666667010e-02, v25;
	v25 =	vshll.u32 v15, $0x4;
	[tilespmem:v20+s24+$0x0] =	vst.idx.add.f32.msk $0xffff, v12;
	v12 =	vtrunc.f32 v14  }
0xc5: {  	v14 =	vshll.u32 v16, $0x4;
	v20 =	vcvt.s32.f32 v26;
	v16 =	vcvt.s32.f32 v16  }
0xc6: {  	v15 =	vld [tilespmem:s31+$0xFFFFFFE0];
	v28 =	vcvt.f32.s32 v22;
	v29 =	vcvt.f32.s32 v12;
	vm0 =	vle.f32 v13, v17  }
0xc7: {  	v12 =	vcvt.f32.s32 v21;
	v21 =	vcvt.s32.f32 v11;
	v17 =	vld [tilespmem:s30+$0xFFFFFFE0];
	v22 =	vsel vm0, v1, v4  }
0xc8: {  	vm0 =	veq.s32 v18, v19;
	v19 =	vld [tilespmem:s31+$0x0];
	v31 =	vcvt.s32.f32 v29;
	v32 =	vadd.s32 v25, v22  }
0xc9: {  	v27 =	vsel vm14, $0x2001, v3;
	v16 =	vmul.f32 $6.666667010e-02, v16;
	v33 =	vcvt.s32.f32 v28;
	v18 =	vld [tilespmem:s31+$0x10]  }
0xca: {  	v20 =	vmul.f32 $6.666667010e-02, v20;
	v23 =	vshll.u32 v28, $0x4;
	v22 =	vld [tilespmem:s30+$0x0];
	v24 =	vmul.f32 $6.666667010e-02, v31  }
0xcb: {  	v25 =	vmul.f32 $6.666667010e-02, v21;
	v21 =	vld [tilespmem:s30+$0x10];
	vm2 =	vle.f32 v10, v16;
	v16 =	vmul.f32 $6.666667010e-02, v33  }
0xcc: {  	v28 =	vshll.u32 v26, $0x4;
	vm3 =	vle.f32 v9, v20;
	vm5 =	vle.f32 v8, v24;
	v24 =	vld [tilespmem:s31+$0x20]  }
0xcd: {  	v20 =	vcvt.s32.f32 v12;
	vm15 =	vle.f32 v6, v16;
	v16 =	vsel vm3, v1, v4;
	[tilespmem:v32+s23+$0x0] =	vst.idx.add.s32.msk $0xffff, v27  }
0xce: {  	v29 =	vshll.u32 v29, $0x4;
	v26 =	vsel vm15, v1, v4;
	v63 =	vsel vm5, v1, v4;
	[tilespmem:v32+s24+$0x0] =	vst.idx.add.f32.msk $0xffff, v13  }
0xcf: {  	s1 =	simm.s32 $0x0;
	s0 =	simm.s32 $0x28C0;
	v16 =	vadd.s32 v28, v16;
	v27 =	vmul.f32 $6.666667010e-02, v20;
	v20 =	vadd.s32 v29, v63;
	v13 =	vld [tilespmem:s30+$0x20]  }
.LBB2_4:
0xd0: {  	v28 =	vld [tilespmem:s0+$0x10];
	s1 =	sadd.s32 $0x8, s1;
	vm3 =	veq.s32 v17, v15;
	vm4 =	vle.f32 v7, v25;
	v15 =	vsel vm2, v1, v4;
	s30 =	sadd.s32 $0x80, s30;
	s31 =	sadd.s32 $0x80, s31  }
0xd1: {  	v17 =	vld [tilespmem:s30+$0xFFFFFFC0];
	p0 =	slt.u32 s1, $0x278;
	vm2 =	vle.f32 v5, v27;
	v25 =	vsel vm4, v1, v4;
	v14 =	vadd.s32 v14, v15  }
0xd2: {  	v23 =	vadd.s32 v23, v26;
	v15 =	vld [tilespmem:s0+$0xFFFFFFC0];
	v26 =	vsel vm2, v1, v4;
	vm2 =	veq.s32 v22, v19  }
0xd3: {  	v19 =	vld [tilespmem:s0+$0xFFFFFFD0]  }
0xd4: {  	v22 =	vld [tilespmem:s0+$0xFFFFFFE0];
	vm4 =	veq.s32 v13, v24  }
0xd5: {  	v11 =	vshll.u32 v11, $0x4;
	v24 =	vld [tilespmem:s0+$0xFFFFFFF0];
	v13 =	vsel vm4, $0x2001, v3  }
0xd6: {  	v11 =	vadd.s32 v11, v25;
	[tilespmem:v14+s23+$0x0] =	vst.idx.add.s32.msk $0xffff, v13  }
0xd7: {  	v13 =	vmul.f32 $1.500000000e+01, v15;
	v25 =	vld [tilespmem:s0+$0x0]  }
0xd8: {  	[tilespmem:v14+s24+$0x0] =	vst.idx.add.f32.msk $0xffff, v10  }
0xd9: {  	vm4 =	veq.s32 v21, v18;
	v14 =	vadd.f32 $5.000000000e-01, v13;
	v10 =	vld [tilespmem:s0+$0x20]  }
0xda: {  	v12 =	vshll.u32 v12, $0x4;
	v18 =	vsel vm4, $0x2001, v3;
	v13 =	vld [tilespmem:s0+$0x30]  }
0xdb: {  	v12 =	vadd.s32 v12, v26;
	v21 =	vsel vm2, $0x2001, v3;
	v14 =	vtrunc.f32 v14;
	[tilespmem:v11+s23+$0x0] =	vst.idx.add.s32.msk $0xffff, v18  }
0xdc: {  	v14 =	vcvt.f32.s32 v14;
	[tilespmem:v20+s23+$0x0] =	vst.idx.add.s32.msk $0xffff, v21  }
0xdd: {  	v18 =	vld [tilespmem:s31+$0xFFFFFFC0]  }
0xde: {  	v26 =	vsel vm3, $0x2001, v3;
	v21 =	vcvt.s32.f32 v14;
	[tilespmem:v11+s24+$0x0] =	vst.idx.add.f32.msk $0xffff, v7;
	v7 =	vmov v28  }
0xdf: {  	v27 =	vsel vm1, $0x2001, v3;
	v11 =	vmul.f32 $1.500000000e+01, v13;
	[tilespmem:v16+s23+$0x0] =	vst.idx.add.s32.msk $0xffff, v26  }
0xe0: {  	v28 =	vsel vm0, $0x2001, v3;
	v26 =	vmul.f32 $1.500000000e+01, v10;
	v21 =	vmul.f32 $6.666667010e-02, v21;
	[tilespmem:v20+s24+$0x0] =	vst.idx.add.f32.msk $0xffff, v8;
	v8 =	vmovc v25  }
0xe1: {  	v14 =	vshll.u32 v14, $0x4;
	v20 =	vmul.f32 $1.500000000e+01, v7;
	v11 =	vadd.f32 $5.000000000e-01, v11;
	[tilespmem:v16+s24+$0x0] =	vst.idx.add.f32.msk $0xffff, v9;
	v9 =	vmovc v22  }
0xe2: {  	v16 =	vmul.f32 $1.500000000e+01, v8;
	vm0 =	vle.f32 v15, v21;
	v21 =	vadd.f32 $5.000000000e-01, v26;
	[tilespmem:v12+s23+$0x0] =	vst.idx.add.s32.msk $0xffff, v28  }
0xe3: {  	v25 =	vmul.f32 $1.500000000e+01, v24;
	v20 =	vadd.f32 $5.000000000e-01, v20;
	v22 =	vsel vm0, v1, v4;
	[tilespmem:v23+s23+$0x0] =	vst.idx.add.s32.msk $0xffff, v27  }
0xe4: {  	v26 =	vmul.f32 $1.500000000e+01, v9;
	v16 =	vadd.f32 $5.000000000e-01, v16;
	v11 =	vtrunc.f32 v11;
	[tilespmem:v23+s24+$0x0] =	vst.idx.add.f32.msk $0xffff, v6;
	v6 =	vmovc v19  }
0xe5: {  	v19 =	vadd.s32 v14, v22;
	v22 =	vadd.f32 $5.000000000e-01, v25;
	v14 =	vmul.f32 $1.500000000e+01, v6;
	[tilespmem:v12+s24+$0x0] =	vst.idx.add.f32.msk $0xffff, v5;
	v5 =	vmovc v24  }
0xe6: {  	v20 =	vtrunc.f32 v20;
	v21 =	vtrunc.f32 v21;
	v12 =	vadd.f32 $5.000000000e-01, v26;
	v23 =	vld [tilespmem:s31+$0xFFFFFFD0]  }
0xe7: {  	v25 =	vcvt.f32.s32 v11;
	v22 =	vtrunc.f32 v22;
	v24 =	vld [tilespmem:s30+$0xFFFFFFD0];
	v14 =	vadd.f32 $5.000000000e-01, v14  }
0xe8: {  	vm0 =	veq.s32 v17, v18;
	v11 =	vtrunc.f32 v12;
	v12 =	vcvt.f32.s32 v21;
	v18 =	vld [tilespmem:s31+$0xFFFFFFF0]  }
0xe9: {  	v17 =	vsel vm0, $0x2001, v3;
	v27 =	vcvt.s32.f32 v25;
	v26 =	vcvt.f32.s32 v11;
	v21 =	vld [tilespmem:s30+$0xFFFFFFF0]  }
0xea: {  	v11 =	vcvt.f32.s32 v20;
	[tilespmem:v19+s23+$0x0] =	vst.idx.add.s32.msk $0xffff, v17;
	v17 =	vtrunc.f32 v14;
	v14 =	vshll.u32 v12, $0x4  }
0xeb: {  	[tilespmem:v19+s24+$0x0] =	vst.idx.add.f32.msk $0xffff, v15;
	v15 =	vtrunc.f32 v16;
	v16 =	vmul.f32 $6.666667010e-02, v27  }
0xec: {  	v25 =	vshll.u32 v25, $0x4;
	v20 =	vcvt.s32.f32 v12;
	v19 =	vcvt.s32.f32 v26;
	v27 =	vld [tilespmem:s31+$0x30]  }
0xed: {  	v28 =	vcvt.f32.s32 v17;
	v29 =	vcvt.f32.s32 v15;
	v30 =	vld [tilespmem:s30+$0x30];
	vm0 =	vle.f32 v13, v16  }
0xee: {  	v12 =	vcvt.f32.s32 v22;
	v16 =	vcvt.s32.f32 v11;
	v15 =	vld [tilespmem:s31+$0xFFFFFFE0];
	v22 =	vsel vm0, v1, v4  }
0xef: {  	v31 =	vmul.f32 $6.666667010e-02, v19;
	v32 =	vcvt.s32.f32 v29;
	v17 =	vld [tilespmem:s30+$0xFFFFFFE0];
	v33 =	vadd.s32 v25, v22  }
0xf0: {  	v20 =	vmul.f32 $6.666667010e-02, v20;
	v34 =	vcvt.s32.f32 v28;
	vm0 =	veq.s32 v21, v18;
	v19 =	vld [tilespmem:s31+$0x0]  }
0xf1: {  	vm1 =	veq.s32 v24, v23;
	v25 =	vmul.f32 $6.666667010e-02, v16;
	v24 =	vmul.f32 $6.666667010e-02, v32;
	v22 =	vld [tilespmem:s30+$0x0]  }
0xf2: {  	vm2 =	vle.f32 v10, v20;
	vm3 =	vle.f32 v9, v31;
	v18 =	vld [tilespmem:s31+$0x10]  }
.Ltmp1:
0xf3: {  	v23 =	vshll.u32 v28, $0x4;
	v16 =	vmul.f32 $6.666667010e-02, v34;
	vm4 =	veq.s32 v30, v27;
	v21 =	vld [tilespmem:s30+$0x10];
	(pc) =	sbr.rel @p0 .LBB2_4-.Ltmp1, $4  }
0xf4: {  	v20 =	vcvt.s32.f32 v12;
	vm5 =	vle.f32 v8, v24;
	v27 =	vsel vm4, $0x2001, v3;
	v24 =	vld [tilespmem:s31+$0x20]  }
0xf5: {  	v28 =	vshll.u32 v26, $0x4;
	vm4 =	vle.f32 v6, v16;
	v16 =	vsel vm3, v1, v4;
	[tilespmem:v33+s23+$0x0] =	vst.idx.add.s32.msk $0xffff, v27  }
0xf6: {  	v29 =	vshll.u32 v29, $0x4;
	v30 =	vsel vm5, v1, v4;
	v26 =	vsel vm4, v1, v4;
	[tilespmem:v33+s24+$0x0] =	vst.idx.add.f32.msk $0xffff, v13  }
0xf7: {  	s0 =	sadd.s32 $0x80, s0;
	v16 =	vadd.s32 v28, v16;
	v27 =	vmul.f32 $6.666667010e-02, v20;
	v20 =	vadd.s32 v29, v30;
	v13 =	vld [tilespmem:s30+$0x20]  }
0xf8: {  	v28 =	vsel vm2, v1, v4  }
0xf9: {  	vm2 =	vle.f32 v7, v25;
	v14 =	vadd.s32 v14, v28  }
0xfa: {  	v11 =	vshll.u32 v11, $0x4;
	v25 =	vsel vm2, v1, v4  }
0xfb: {  	v11 =	vadd.s32 v11, v25  }
0xfc: {  	vm2 =	veq.s32 v13, v24  }
0xfd: {  	v13 =	vsel vm2, $0x2001, v3  }
0xfe: {  	vm2 =	veq.s32 v21, v18;
	[tilespmem:v14+s23+$0x0] =	vst.idx.add.s32.msk $0xffff, v13  }
0xff: {  	vm4 =	veq.s32 v22, v19;
	vm3 =	vle.f32 v5, v27;
	[tilespmem:v14+s24+$0x0] =	vst.idx.add.f32.msk $0xffff, v10;
	v10 =	vsel vm2, $0x2001, v3  }
0x100: {  	v12 =	vshll.u32 v12, $0x4;
	v13 =	vsel vm3, v1, v4;
	v14 =	vsel vm4, $0x2001, v3;
	[tilespmem:v11+s23+$0x0] =	vst.idx.add.s32.msk $0xffff, v10  }
0x101: {  	vm2 =	veq.s32 v17, v15;
	v10 =	vadd.s32 v12, v13;
	[tilespmem:v20+s23+$0x0] =	vst.idx.add.s32.msk $0xffff, v14  }
0x102: {  	v12 =	vadd.s32 v23, v26;
	v13 =	vsel vm2, $0x2001, v3;
	[tilespmem:v11+s24+$0x0] =	vst.idx.add.f32.msk $0xffff, v7  }
0x103: {  	[tilespmem:v16+s23+$0x0] =	vst.idx.add.s32.msk $0xffff, v13  }
0x104: {  	[tilespmem:v20+s24+$0x0] =	vst.idx.add.f32.msk $0xffff, v8  }
0x105: {  	v7 =	vsel vm0, $0x2001, v3;
	[tilespmem:v16+s24+$0x0] =	vst.idx.add.f32.msk $0xffff, v9  }
0x106: {  	v8 =	vsel vm1, $0x2001, v3;
	[tilespmem:v10+s23+$0x0] =	vst.idx.add.s32.msk $0xffff, v7  }
0x107: {  	[tilespmem:v12+s23+$0x0] =	vst.idx.add.s32.msk $0xffff, v8  }
0x108: {  	[tilespmem:v12+s24+$0x0] =	vst.idx.add.f32.msk $0xffff, v6  }
0x109: {  	[tilespmem:v10+s24+$0x0] =	vst.idx.add.f32.msk $0xffff, v5  }
0x10a: {  	_ =	swait.ge [sflag:s19], $0x2800  }
0x10b: {  	[sflag:s19] =	ssyncset.done $0x0  }
0x10c: {  	[sflag:s19] =	ssyncadd.s32 $0xFFFFD800  }
0x10d: {  	_ =	swait.ge [sflag:s19], $0x2800  }
0x10e: {  	[sflag:s19] =	ssyncset.done $0x0  }
0x10f: {  	[sflag:s19] =	ssyncadd.s32 $0xFFFFD800  }
0x110: {  	_ =	swait.ge [sflag:s19], $0x2800  }
0x111: {  	[sflag:s19] =	ssyncset.done $0x0  }
0x112: {  	[sflag:s19] =	ssyncadd.s32 $0xFFFFD800  }
0x113: {  	[tilespmem:s20], [sflag:$0x2] =	stream.linear.gather [hbm4b:s12+s2], $0x2800, $0x38;
	[tilespmem:$0x10B00] =	vst v63  }
0x114: {  	_ = 	snop  }
0x115: {  	[tilespmem:s21], [sflag:$0x2] =	stream.linear.gather [hbm4b:s13+s2], $0x2800, $0x38;
	[tilespmem:$0x10B00] =	vst v63  }
0x116: {  	s0 =	simm.s32 $0x40  }
0x117: {  	[tilespmem:s22], [sflag:$0x2] =	stream.linear.gather [hbm4b:s14+s2], $0x2800, $0x38;
	[tilespmem:$0x10B00] =	vst v63  }
0x118: {  	v12 =	vld [tilespmem:s0+$0xFFFFFFC0];
	_ =	sdelay $0x4  }
0x119: {  	v13 =	vld [tilespmem:s0+$0x30];
	v5 =	vmul.f32 $1.500000000e+01, v12  }
0x11a: {  	v10 =	vld [tilespmem:s0+$0x20]  }
0x11b: {  	v7 =	vld [tilespmem:s0+$0x10];
	v5 =	vadd.f32 $5.000000000e-01, v5  }
0x11c: {  	s31 =	simm.s32 $0xA040;
	v9 =	vld [tilespmem:s0+$0xFFFFFFE0]  }
0x11d: {  	s30 =	simm.s32 $0x5040;
	v23 =	vld [tilespmem:s31+$0xFFFFFFD0];
	v5 =	vtrunc.f32 v5  }
0x11e: {  	v24 =	vld [tilespmem:s30+$0xFFFFFFD0];
	v11 =	vcvt.f32.s32 v5  }
0x11f: {  	v8 =	vld [tilespmem:s0+$0x0];
	v15 =	vmul.f32 $1.500000000e+01, v13;
	v16 =	vmul.f32 $1.500000000e+01, v10  }
0x120: {  	v6 =	vld [tilespmem:s0+$0xFFFFFFD0];
	v17 =	vmul.f32 $1.500000000e+01, v7;
	v14 =	vcvt.s32.f32 v11  }
0x121: {  	v15 =	vadd.f32 $5.000000000e-01, v15;
	v5 =	vld [tilespmem:s0+$0xFFFFFFF0]  }
0x122: {  	v18 =	vld [tilespmem:s30+$0xFFFFFFC0];
	v16 =	vadd.f32 $5.000000000e-01, v16;
	v17 =	vadd.f32 $5.000000000e-01, v17;
	v14 =	vmul.f32 $6.666667010e-02, v14  }
0x123: {  	v19 =	vld [tilespmem:s31+$0xFFFFFFC0];
	v22 =	vmul.f32 $1.500000000e+01, v9;
	vm1 =	veq.s32 v24, v23;
	v15 =	vtrunc.f32 v15  }
0x124: {  	v17 =	vtrunc.f32 v17;
	v16 =	vtrunc.f32 v16;
	vm0 =	vle.f32 v12, v14  }
0x125: {  	v27 =	vld [tilespmem:s31+$0x30];
	v15 =	vcvt.f32.s32 v15;
	v11 =	vshll.u32 v11, $0x4;
	v20 =	vsel vm0, v1, v4  }
0x126: {  	v30 =	vld [tilespmem:s30+$0x30];
	v16 =	vcvt.f32.s32 v16;
	v21 =	vmul.f32 $1.500000000e+01, v5;
	v20 =	vadd.s32 v11, v20  }
0x127: {  	v22 =	vadd.f32 $5.000000000e-01, v22;
	v14 =	vmul.f32 $1.500000000e+01, v8;
	v11 =	vmul.f32 $1.500000000e+01, v6  }
0x128: {  	v25 =	vcvt.s32.f32 v15;
	v21 =	vadd.f32 $5.000000000e-01, v21;
	vm0 =	veq.s32 v18, v19  }
0x129: {  	v18 =	vtrunc.f32 v22;
	v19 =	vld [tilespmem:s31+$0xFFFFFFF0];
	v14 =	vadd.f32 $5.000000000e-01, v14;
	v11 =	vadd.f32 $5.000000000e-01, v11  }
0x12a: {  	v22 =	vsel vm0, $0x2001, v3;
	v26 =	vcvt.f32.s32 v18;
	v18 =	vld [tilespmem:s30+$0xFFFFFFF0];
	v21 =	vtrunc.f32 v21  }
0x12b: {  	vm14 =	veq.s32 v30, v27;
	[tilespmem:v20+s23+$0x0] =	vst.idx.add.s32.msk $0xffff, v22;
	v22 =	vtrunc.f32 v11;
	v11 =	vcvt.f32.s32 v17  }
0x12c: {  	v17 =	vmul.f32 $6.666667010e-02, v25;
	v25 =	vshll.u32 v15, $0x4;
	[tilespmem:v20+s24+$0x0] =	vst.idx.add.f32.msk $0xffff, v12;
	v12 =	vtrunc.f32 v14  }
0x12d: {  	v14 =	vshll.u32 v16, $0x4;
	v20 =	vcvt.s32.f32 v26;
	v16 =	vcvt.s32.f32 v16  }
0x12e: {  	v15 =	vld [tilespmem:s31+$0xFFFFFFE0];
	v28 =	vcvt.f32.s32 v22;
	v29 =	vcvt.f32.s32 v12;
	vm0 =	vle.f32 v13, v17  }
0x12f: {  	v12 =	vcvt.f32.s32 v21;
	v21 =	vcvt.s32.f32 v11;
	v17 =	vld [tilespmem:s30+$0xFFFFFFE0];
	v22 =	vsel vm0, v1, v4  }
0x130: {  	vm0 =	veq.s32 v18, v19;
	v19 =	vld [tilespmem:s31+$0x0];
	v31 =	vcvt.s32.f32 v29;
	v32 =	vadd.s32 v25, v22  }
0x131: {  	v27 =	vsel vm14, $0x2001, v3;
	v16 =	vmul.f32 $6.666667010e-02, v16;
	v33 =	vcvt.s32.f32 v28;
	v18 =	vld [tilespmem:s31+$0x10]  }
0x132: {  	v20 =	vmul.f32 $6.666667010e-02, v20;
	v23 =	vshll.u32 v28, $0x4;
	v22 =	vld [tilespmem:s30+$0x0];
	v24 =	vmul.f32 $6.666667010e-02, v31  }
0x133: {  	v25 =	vmul.f32 $6.666667010e-02, v21;
	v21 =	vld [tilespmem:s30+$0x10];
	vm2 =	vle.f32 v10, v16;
	v16 =	vmul.f32 $6.666667010e-02, v33  }
0x134: {  	v28 =	vshll.u32 v26, $0x4;
	vm3 =	vle.f32 v9, v20;
	vm5 =	vle.f32 v8, v24;
	v24 =	vld [tilespmem:s31+$0x20]  }
0x135: {  	v20 =	vcvt.s32.f32 v12;
	vm15 =	vle.f32 v6, v16;
	v16 =	vsel vm3, v1, v4;
	[tilespmem:v32+s23+$0x0] =	vst.idx.add.s32.msk $0xffff, v27  }
0x136: {  	v29 =	vshll.u32 v29, $0x4;
	v26 =	vsel vm15, v1, v4;
	v63 =	vsel vm5, v1, v4;
	[tilespmem:v32+s24+$0x0] =	vst.idx.add.f32.msk $0xffff, v13  }
0x137: {  	s1 =	simm.s32 $0x0;
	s0 =	simm.s32 $0xC0;
	v16 =	vadd.s32 v28, v16;
	v27 =	vmul.f32 $6.666667010e-02, v20;
	v20 =	vadd.s32 v29, v63;
	v13 =	vld [tilespmem:s30+$0x20]  }
.LBB2_6:
0x138: {  	v28 =	vld [tilespmem:s0+$0x10];
	s1 =	sadd.s32 $0x8, s1;
	vm3 =	veq.s32 v17, v15;
	vm4 =	vle.f32 v7, v25;
	v15 =	vsel vm2, v1, v4;
	s30 =	sadd.s32 $0x80, s30;
	s31 =	sadd.s32 $0x80, s31  }
0x139: {  	v17 =	vld [tilespmem:s30+$0xFFFFFFC0];
	p0 =	slt.u32 s1, $0x278;
	vm2 =	vle.f32 v5, v27;
	v25 =	vsel vm4, v1, v4;
	v14 =	vadd.s32 v14, v15  }
0x13a: {  	v23 =	vadd.s32 v23, v26;
	v15 =	vld [tilespmem:s0+$0xFFFFFFC0];
	v26 =	vsel vm2, v1, v4;
	vm2 =	veq.s32 v22, v19  }
0x13b: {  	v19 =	vld [tilespmem:s0+$0xFFFFFFD0]  }
0x13c: {  	v22 =	vld [tilespmem:s0+$0xFFFFFFE0];
	vm4 =	veq.s32 v13, v24  }
0x13d: {  	v11 =	vshll.u32 v11, $0x4;
	v24 =	vld [tilespmem:s0+$0xFFFFFFF0];
	v13 =	vsel vm4, $0x2001, v3  }
0x13e: {  	v11 =	vadd.s32 v11, v25;
	[tilespmem:v14+s23+$0x0] =	vst.idx.add.s32.msk $0xffff, v13  }
0x13f: {  	v13 =	vmul.f32 $1.500000000e+01, v15;
	v25 =	vld [tilespmem:s0+$0x0]  }
0x140: {  	[tilespmem:v14+s24+$0x0] =	vst.idx.add.f32.msk $0xffff, v10  }
0x141: {  	vm4 =	veq.s32 v21, v18;
	v14 =	vadd.f32 $5.000000000e-01, v13;
	v10 =	vld [tilespmem:s0+$0x20]  }
0x142: {  	v12 =	vshll.u32 v12, $0x4;
	v18 =	vsel vm4, $0x2001, v3;
	v13 =	vld [tilespmem:s0+$0x30]  }
0x143: {  	v12 =	vadd.s32 v12, v26;
	v21 =	vsel vm2, $0x2001, v3;
	v14 =	vtrunc.f32 v14;
	[tilespmem:v11+s23+$0x0] =	vst.idx.add.s32.msk $0xffff, v18  }
0x144: {  	v14 =	vcvt.f32.s32 v14;
	[tilespmem:v20+s23+$0x0] =	vst.idx.add.s32.msk $0xffff, v21  }
0x145: {  	v18 =	vld [tilespmem:s31+$0xFFFFFFC0]  }
0x146: {  	v26 =	vsel vm3, $0x2001, v3;
	v21 =	vcvt.s32.f32 v14;
	[tilespmem:v11+s24+$0x0] =	vst.idx.add.f32.msk $0xffff, v7;
	v7 =	vmov v28  }
0x147: {  	v27 =	vsel vm1, $0x2001, v3;
	v11 =	vmul.f32 $1.500000000e+01, v13;
	[tilespmem:v16+s23+$0x0] =	vst.idx.add.s32.msk $0xffff, v26  }
0x148: {  	v28 =	vsel vm0, $0x2001, v3;
	v26 =	vmul.f32 $1.500000000e+01, v10;
	v21 =	vmul.f32 $6.666667010e-02, v21;
	[tilespmem:v20+s24+$0x0] =	vst.idx.add.f32.msk $0xffff, v8;
	v8 =	vmovc v25  }
0x149: {  	v14 =	vshll.u32 v14, $0x4;
	v20 =	vmul.f32 $1.500000000e+01, v7;
	v11 =	vadd.f32 $5.000000000e-01, v11;
	[tilespmem:v16+s24+$0x0] =	vst.idx.add.f32.msk $0xffff, v9;
	v9 =	vmovc v22  }
0x14a: {  	v16 =	vmul.f32 $1.500000000e+01, v8;
	vm0 =	vle.f32 v15, v21;
	v21 =	vadd.f32 $5.000000000e-01, v26;
	[tilespmem:v12+s23+$0x0] =	vst.idx.add.s32.msk $0xffff, v28  }
0x14b: {  	v25 =	vmul.f32 $1.500000000e+01, v24;
	v20 =	vadd.f32 $5.000000000e-01, v20;
	v22 =	vsel vm0, v1, v4;
	[tilespmem:v23+s23+$0x0] =	vst.idx.add.s32.msk $0xffff, v27  }
0x14c: {  	v26 =	vmul.f32 $1.500000000e+01, v9;
	v16 =	vadd.f32 $5.000000000e-01, v16;
	v11 =	vtrunc.f32 v11;
	[tilespmem:v23+s24+$0x0] =	vst.idx.add.f32.msk $0xffff, v6;
	v6 =	vmovc v19  }
0x14d: {  	v19 =	vadd.s32 v14, v22;
	v22 =	vadd.f32 $5.000000000e-01, v25;
	v14 =	vmul.f32 $1.500000000e+01, v6;
	[tilespmem:v12+s24+$0x0] =	vst.idx.add.f32.msk $0xffff, v5;
	v5 =	vmovc v24  }
0x14e: {  	v20 =	vtrunc.f32 v20;
	v21 =	vtrunc.f32 v21;
	v12 =	vadd.f32 $5.000000000e-01, v26;
	v23 =	vld [tilespmem:s31+$0xFFFFFFD0]  }
0x14f: {  	v25 =	vcvt.f32.s32 v11;
	v22 =	vtrunc.f32 v22;
	v24 =	vld [tilespmem:s30+$0xFFFFFFD0];
	v14 =	vadd.f32 $5.000000000e-01, v14  }
0x150: {  	vm0 =	veq.s32 v17, v18;
	v11 =	vtrunc.f32 v12;
	v12 =	vcvt.f32.s32 v21;
	v18 =	vld [tilespmem:s31+$0xFFFFFFF0]  }
0x151: {  	v17 =	vsel vm0, $0x2001, v3;
	v27 =	vcvt.s32.f32 v25;
	v26 =	vcvt.f32.s32 v11;
	v21 =	vld [tilespmem:s30+$0xFFFFFFF0]  }
0x152: {  	v11 =	vcvt.f32.s32 v20;
	[tilespmem:v19+s23+$0x0] =	vst.idx.add.s32.msk $0xffff, v17;
	v17 =	vtrunc.f32 v14;
	v14 =	vshll.u32 v12, $0x4  }
0x153: {  	[tilespmem:v19+s24+$0x0] =	vst.idx.add.f32.msk $0xffff, v15;
	v15 =	vtrunc.f32 v16;
	v16 =	vmul.f32 $6.666667010e-02, v27  }
0x154: {  	v25 =	vshll.u32 v25, $0x4;
	v20 =	vcvt.s32.f32 v12;
	v19 =	vcvt.s32.f32 v26;
	v27 =	vld [tilespmem:s31+$0x30]  }
0x155: {  	v28 =	vcvt.f32.s32 v17;
	v29 =	vcvt.f32.s32 v15;
	v30 =	vld [tilespmem:s30+$0x30];
	vm0 =	vle.f32 v13, v16  }
0x156: {  	v12 =	vcvt.f32.s32 v22;
	v16 =	vcvt.s32.f32 v11;
	v15 =	vld [tilespmem:s31+$0xFFFFFFE0];
	v22 =	vsel vm0, v1, v4  }
0x157: {  	v31 =	vmul.f32 $6.666667010e-02, v19;
	v32 =	vcvt.s32.f32 v29;
	v17 =	vld [tilespmem:s30+$0xFFFFFFE0];
	v33 =	vadd.s32 v25, v22  }
0x158: {  	v20 =	vmul.f32 $6.666667010e-02, v20;
	v34 =	vcvt.s32.f32 v28;
	vm0 =	veq.s32 v21, v18;
	v19 =	vld [tilespmem:s31+$0x0]  }
0x159: {  	vm1 =	veq.s32 v24, v23;
	v25 =	vmul.f32 $6.666667010e-02, v16;
	v24 =	vmul.f32 $6.666667010e-02, v32;
	v22 =	vld [tilespmem:s30+$0x0]  }
0x15a: {  	vm2 =	vle.f32 v10, v20;
	vm3 =	vle.f32 v9, v31;
	v18 =	vld [tilespmem:s31+$0x10]  }
.Ltmp2:
0x15b: {  	v23 =	vshll.u32 v28, $0x4;
	v16 =	vmul.f32 $6.666667010e-02, v34;
	vm4 =	veq.s32 v30, v27;
	v21 =	vld [tilespmem:s30+$0x10];
	(pc) =	sbr.rel @p0 .LBB2_6-.Ltmp2, $4  }
0x15c: {  	v20 =	vcvt.s32.f32 v12;
	vm5 =	vle.f32 v8, v24;
	v27 =	vsel vm4, $0x2001, v3;
	v24 =	vld [tilespmem:s31+$0x20]  }
0x15d: {  	v28 =	vshll.u32 v26, $0x4;
	vm4 =	vle.f32 v6, v16;
	v16 =	vsel vm3, v1, v4;
	[tilespmem:v33+s23+$0x0] =	vst.idx.add.s32.msk $0xffff, v27  }
0x15e: {  	v29 =	vshll.u32 v29, $0x4;
	v30 =	vsel vm5, v1, v4;
	v26 =	vsel vm4, v1, v4;
	[tilespmem:v33+s24+$0x0] =	vst.idx.add.f32.msk $0xffff, v13  }
0x15f: {  	s0 =	sadd.s32 $0x80, s0;
	v16 =	vadd.s32 v28, v16;
	v27 =	vmul.f32 $6.666667010e-02, v20;
	v20 =	vadd.s32 v29, v30;
	v13 =	vld [tilespmem:s30+$0x20]  }
0x160: {  	v28 =	vsel vm2, v1, v4  }
0x161: {  	vm2 =	vle.f32 v7, v25;
	v14 =	vadd.s32 v14, v28  }
0x162: {  	v11 =	vshll.u32 v11, $0x4;
	v25 =	vsel vm2, v1, v4  }
0x163: {  	v11 =	vadd.s32 v11, v25  }
0x164: {  	vm2 =	veq.s32 v13, v24  }
0x165: {  	v13 =	vsel vm2, $0x2001, v3  }
0x166: {  	vm2 =	veq.s32 v21, v18;
	[tilespmem:v14+s23+$0x0] =	vst.idx.add.s32.msk $0xffff, v13  }
0x167: {  	vm4 =	veq.s32 v22, v19;
	vm3 =	vle.f32 v5, v27;
	[tilespmem:v14+s24+$0x0] =	vst.idx.add.f32.msk $0xffff, v10;
	v10 =	vsel vm2, $0x2001, v3  }
0x168: {  	v12 =	vshll.u32 v12, $0x4;
	v13 =	vsel vm3, v1, v4;
	v14 =	vsel vm4, $0x2001, v3;
	[tilespmem:v11+s23+$0x0] =	vst.idx.add.s32.msk $0xffff, v10  }
0x169: {  	vm2 =	veq.s32 v17, v15;
	v10 =	vadd.s32 v12, v13;
	[tilespmem:v20+s23+$0x0] =	vst.idx.add.s32.msk $0xffff, v14  }
0x16a: {  	v12 =	vadd.s32 v23, v26;
	v13 =	vsel vm2, $0x2001, v3;
	[tilespmem:v11+s24+$0x0] =	vst.idx.add.f32.msk $0xffff, v7  }
0x16b: {  	[tilespmem:v16+s23+$0x0] =	vst.idx.add.s32.msk $0xffff, v13  }
0x16c: {  	[tilespmem:v20+s24+$0x0] =	vst.idx.add.f32.msk $0xffff, v8  }
0x16d: {  	v7 =	vsel vm0, $0x2001, v3;
	[tilespmem:v16+s24+$0x0] =	vst.idx.add.f32.msk $0xffff, v9  }
0x16e: {  	v8 =	vsel vm1, $0x2001, v3;
	[tilespmem:v10+s23+$0x0] =	vst.idx.add.s32.msk $0xffff, v7  }
0x16f: {  	[tilespmem:v12+s23+$0x0] =	vst.idx.add.s32.msk $0xffff, v8  }
0x170: {  	[tilespmem:v12+s24+$0x0] =	vst.idx.add.f32.msk $0xffff, v6  }
0x171: {  	[tilespmem:v10+s24+$0x0] =	vst.idx.add.f32.msk $0xffff, v5  }
0x172: {  	_ =	swait.ge [sflag:s25], $0x2800  }
0x173: {  	[sflag:s25] =	ssyncset.done $0x0  }
0x174: {  	[sflag:s25] =	ssyncadd.s32 $0xFFFFD800  }
0x175: {  	_ =	swait.ge [sflag:s25], $0x2800  }
0x176: {  	[sflag:s25] =	ssyncset.done $0x0  }
0x177: {  	[sflag:s25] =	ssyncadd.s32 $0xFFFFD800  }
0x178: {  	_ =	swait.ge [sflag:s25], $0x2800  }
0x179: {  	[sflag:s25] =	ssyncset.done $0x0  }
0x17a: {  	s0 =	simm.s32 $0x2840;
	[sflag:s25] =	ssyncadd.s32 $0xFFFFD800  }
0x17b: {  	v12 =	vld [tilespmem:s0+$0xFFFFFFC0];
	_ =	sdelay $0x4  }
0x17c: {  	v13 =	vld [tilespmem:s0+$0x30];
	v5 =	vmul.f32 $1.500000000e+01, v12  }
0x17d: {  	v10 =	vld [tilespmem:s0+$0x20]  }
0x17e: {  	v7 =	vld [tilespmem:s0+$0x10];
	v5 =	vadd.f32 $5.000000000e-01, v5  }
0x17f: {  	s31 =	simm.s32 $0xC840;
	v9 =	vld [tilespmem:s0+$0xFFFFFFE0]  }
0x180: {  	s30 =	simm.s32 $0x7840;
	v23 =	vld [tilespmem:s31+$0xFFFFFFD0];
	v5 =	vtrunc.f32 v5  }
0x181: {  	v24 =	vld [tilespmem:s30+$0xFFFFFFD0];
	v11 =	vcvt.f32.s32 v5  }
0x182: {  	v8 =	vld [tilespmem:s0+$0x0];
	v15 =	vmul.f32 $1.500000000e+01, v13;
	v16 =	vmul.f32 $1.500000000e+01, v10  }
0x183: {  	v6 =	vld [tilespmem:s0+$0xFFFFFFD0];
	v17 =	vmul.f32 $1.500000000e+01, v7;
	v14 =	vcvt.s32.f32 v11  }
0x184: {  	v15 =	vadd.f32 $5.000000000e-01, v15;
	v5 =	vld [tilespmem:s0+$0xFFFFFFF0]  }
0x185: {  	v18 =	vld [tilespmem:s30+$0xFFFFFFC0];
	v16 =	vadd.f32 $5.000000000e-01, v16;
	v17 =	vadd.f32 $5.000000000e-01, v17;
	v14 =	vmul.f32 $6.666667010e-02, v14  }
0x186: {  	v19 =	vld [tilespmem:s31+$0xFFFFFFC0];
	v22 =	vmul.f32 $1.500000000e+01, v9;
	vm1 =	veq.s32 v24, v23;
	v15 =	vtrunc.f32 v15  }
0x187: {  	v17 =	vtrunc.f32 v17;
	v16 =	vtrunc.f32 v16;
	vm0 =	vle.f32 v12, v14  }
0x188: {  	v27 =	vld [tilespmem:s31+$0x30];
	v15 =	vcvt.f32.s32 v15;
	v11 =	vshll.u32 v11, $0x4;
	v20 =	vsel vm0, v1, v4  }
0x189: {  	v30 =	vld [tilespmem:s30+$0x30];
	v16 =	vcvt.f32.s32 v16;
	v21 =	vmul.f32 $1.500000000e+01, v5;
	v20 =	vadd.s32 v11, v20  }
0x18a: {  	v22 =	vadd.f32 $5.000000000e-01, v22;
	v14 =	vmul.f32 $1.500000000e+01, v8;
	v11 =	vmul.f32 $1.500000000e+01, v6  }
0x18b: {  	v25 =	vcvt.s32.f32 v15;
	v21 =	vadd.f32 $5.000000000e-01, v21;
	vm0 =	veq.s32 v18, v19  }
0x18c: {  	v18 =	vtrunc.f32 v22;
	v19 =	vld [tilespmem:s31+$0xFFFFFFF0];
	v14 =	vadd.f32 $5.000000000e-01, v14;
	v11 =	vadd.f32 $5.000000000e-01, v11  }
0x18d: {  	v22 =	vsel vm0, $0x2001, v3;
	v26 =	vcvt.f32.s32 v18;
	v18 =	vld [tilespmem:s30+$0xFFFFFFF0];
	v21 =	vtrunc.f32 v21  }
0x18e: {  	vm14 =	veq.s32 v30, v27;
	[tilespmem:v20+s23+$0x0] =	vst.idx.add.s32.msk $0xffff, v22;
	v22 =	vtrunc.f32 v11;
	v11 =	vcvt.f32.s32 v17  }
0x18f: {  	v17 =	vmul.f32 $6.666667010e-02, v25;
	v25 =	vshll.u32 v15, $0x4;
	[tilespmem:v20+s24+$0x0] =	vst.idx.add.f32.msk $0xffff, v12;
	v12 =	vtrunc.f32 v14  }
0x190: {  	v14 =	vshll.u32 v16, $0x4;
	v20 =	vcvt.s32.f32 v26;
	v16 =	vcvt.s32.f32 v16  }
0x191: {  	v15 =	vld [tilespmem:s31+$0xFFFFFFE0];
	v28 =	vcvt.f32.s32 v22;
	v29 =	vcvt.f32.s32 v12;
	vm0 =	vle.f32 v13, v17  }
0x192: {  	v12 =	vcvt.f32.s32 v21;
	v21 =	vcvt.s32.f32 v11;
	v17 =	vld [tilespmem:s30+$0xFFFFFFE0];
	v22 =	vsel vm0, v1, v4  }
0x193: {  	vm0 =	veq.s32 v18, v19;
	v19 =	vld [tilespmem:s31+$0x0];
	v31 =	vcvt.s32.f32 v29;
	v32 =	vadd.s32 v25, v22  }
0x194: {  	v27 =	vsel vm14, $0x2001, v3;
	v16 =	vmul.f32 $6.666667010e-02, v16;
	v33 =	vcvt.s32.f32 v28;
	v18 =	vld [tilespmem:s31+$0x10]  }
0x195: {  	v20 =	vmul.f32 $6.666667010e-02, v20;
	v23 =	vshll.u32 v28, $0x4;
	v22 =	vld [tilespmem:s30+$0x0];
	v24 =	vmul.f32 $6.666667010e-02, v31  }
0x196: {  	v25 =	vmul.f32 $6.666667010e-02, v21;
	v21 =	vld [tilespmem:s30+$0x10];
	vm2 =	vle.f32 v10, v16;
	v16 =	vmul.f32 $6.666667010e-02, v33  }
0x197: {  	v28 =	vshll.u32 v26, $0x4;
	vm3 =	vle.f32 v9, v20;
	vm5 =	vle.f32 v8, v24;
	v24 =	vld [tilespmem:s31+$0x20]  }
0x198: {  	v20 =	vcvt.s32.f32 v12;
	vm15 =	vle.f32 v6, v16;
	v16 =	vsel vm3, v1, v4;
	[tilespmem:v32+s23+$0x0] =	vst.idx.add.s32.msk $0xffff, v27  }
0x199: {  	v29 =	vshll.u32 v29, $0x4;
	v26 =	vsel vm15, v1, v4;
	v63 =	vsel vm5, v1, v4;
	[tilespmem:v32+s24+$0x0] =	vst.idx.add.f32.msk $0xffff, v13  }
0x19a: {  	s1 =	simm.s32 $0x0;
	s0 =	simm.s32 $0x28C0;
	v16 =	vadd.s32 v28, v16;
	v27 =	vmul.f32 $6.666667010e-02, v20;
	v20 =	vadd.s32 v29, v63;
	v13 =	vld [tilespmem:s30+$0x20]  }
.LBB2_8:
0x19b: {  	v28 =	vld [tilespmem:s0+$0x10];
	s1 =	sadd.s32 $0x8, s1;
	vm3 =	veq.s32 v17, v15;
	vm4 =	vle.f32 v7, v25;
	v15 =	vsel vm2, v1, v4;
	s30 =	sadd.s32 $0x80, s30;
	s31 =	sadd.s32 $0x80, s31  }
0x19c: {  	v17 =	vld [tilespmem:s30+$0xFFFFFFC0];
	p0 =	slt.u32 s1, $0x278;
	vm2 =	vle.f32 v5, v27;
	v25 =	vsel vm4, v1, v4;
	v14 =	vadd.s32 v14, v15  }
0x19d: {  	v23 =	vadd.s32 v23, v26;
	v15 =	vld [tilespmem:s0+$0xFFFFFFC0];
	v26 =	vsel vm2, v1, v4;
	vm2 =	veq.s32 v22, v19  }
0x19e: {  	v19 =	vld [tilespmem:s0+$0xFFFFFFD0]  }
0x19f: {  	v22 =	vld [tilespmem:s0+$0xFFFFFFE0];
	vm4 =	veq.s32 v13, v24  }
0x1a0: {  	v11 =	vshll.u32 v11, $0x4;
	v24 =	vld [tilespmem:s0+$0xFFFFFFF0];
	v13 =	vsel vm4, $0x2001, v3  }
0x1a1: {  	v11 =	vadd.s32 v11, v25;
	[tilespmem:v14+s23+$0x0] =	vst.idx.add.s32.msk $0xffff, v13  }
0x1a2: {  	v13 =	vmul.f32 $1.500000000e+01, v15;
	v25 =	vld [tilespmem:s0+$0x0]  }
0x1a3: {  	[tilespmem:v14+s24+$0x0] =	vst.idx.add.f32.msk $0xffff, v10  }
0x1a4: {  	vm4 =	veq.s32 v21, v18;
	v14 =	vadd.f32 $5.000000000e-01, v13;
	v10 =	vld [tilespmem:s0+$0x20]  }
0x1a5: {  	v12 =	vshll.u32 v12, $0x4;
	v18 =	vsel vm4, $0x2001, v3;
	v13 =	vld [tilespmem:s0+$0x30]  }
0x1a6: {  	v12 =	vadd.s32 v12, v26;
	v21 =	vsel vm2, $0x2001, v3;
	v14 =	vtrunc.f32 v14;
	[tilespmem:v11+s23+$0x0] =	vst.idx.add.s32.msk $0xffff, v18  }
0x1a7: {  	v14 =	vcvt.f32.s32 v14;
	[tilespmem:v20+s23+$0x0] =	vst.idx.add.s32.msk $0xffff, v21  }
0x1a8: {  	v18 =	vld [tilespmem:s31+$0xFFFFFFC0]  }
0x1a9: {  	v26 =	vsel vm3, $0x2001, v3;
	v21 =	vcvt.s32.f32 v14;
	[tilespmem:v11+s24+$0x0] =	vst.idx.add.f32.msk $0xffff, v7;
	v7 =	vmov v28  }
0x1aa: {  	v27 =	vsel vm1, $0x2001, v3;
	v11 =	vmul.f32 $1.500000000e+01, v13;
	[tilespmem:v16+s23+$0x0] =	vst.idx.add.s32.msk $0xffff, v26  }
0x1ab: {  	v28 =	vsel vm0, $0x2001, v3;
	v26 =	vmul.f32 $1.500000000e+01, v10;
	v21 =	vmul.f32 $6.666667010e-02, v21;
	[tilespmem:v20+s24+$0x0] =	vst.idx.add.f32.msk $0xffff, v8;
	v8 =	vmovc v25  }
0x1ac: {  	v14 =	vshll.u32 v14, $0x4;
	v20 =	vmul.f32 $1.500000000e+01, v7;
	v11 =	vadd.f32 $5.000000000e-01, v11;
	[tilespmem:v16+s24+$0x0] =	vst.idx.add.f32.msk $0xffff, v9;
	v9 =	vmovc v22  }
0x1ad: {  	v16 =	vmul.f32 $1.500000000e+01, v8;
	vm0 =	vle.f32 v15, v21;
	v21 =	vadd.f32 $5.000000000e-01, v26;
	[tilespmem:v12+s23+$0x0] =	vst.idx.add.s32.msk $0xffff, v28  }
0x1ae: {  	v25 =	vmul.f32 $1.500000000e+01, v24;
	v20 =	vadd.f32 $5.000000000e-01, v20;
	v22 =	vsel vm0, v1, v4;
	[tilespmem:v23+s23+$0x0] =	vst.idx.add.s32.msk $0xffff, v27  }
0x1af: {  	v26 =	vmul.f32 $1.500000000e+01, v9;
	v16 =	vadd.f32 $5.000000000e-01, v16;
	v11 =	vtrunc.f32 v11;
	[tilespmem:v23+s24+$0x0] =	vst.idx.add.f32.msk $0xffff, v6;
	v6 =	vmovc v19  }
0x1b0: {  	v19 =	vadd.s32 v14, v22;
	v22 =	vadd.f32 $5.000000000e-01, v25;
	v14 =	vmul.f32 $1.500000000e+01, v6;
	[tilespmem:v12+s24+$0x0] =	vst.idx.add.f32.msk $0xffff, v5;
	v5 =	vmovc v24  }
0x1b1: {  	v20 =	vtrunc.f32 v20;
	v21 =	vtrunc.f32 v21;
	v12 =	vadd.f32 $5.000000000e-01, v26;
	v23 =	vld [tilespmem:s31+$0xFFFFFFD0]  }
0x1b2: {  	v25 =	vcvt.f32.s32 v11;
	v22 =	vtrunc.f32 v22;
	v24 =	vld [tilespmem:s30+$0xFFFFFFD0];
	v14 =	vadd.f32 $5.000000000e-01, v14  }
0x1b3: {  	vm0 =	veq.s32 v17, v18;
	v11 =	vtrunc.f32 v12;
	v12 =	vcvt.f32.s32 v21;
	v18 =	vld [tilespmem:s31+$0xFFFFFFF0]  }
0x1b4: {  	v17 =	vsel vm0, $0x2001, v3;
	v27 =	vcvt.s32.f32 v25;
	v26 =	vcvt.f32.s32 v11;
	v21 =	vld [tilespmem:s30+$0xFFFFFFF0]  }
0x1b5: {  	v11 =	vcvt.f32.s32 v20;
	[tilespmem:v19+s23+$0x0] =	vst.idx.add.s32.msk $0xffff, v17;
	v17 =	vtrunc.f32 v14;
	v14 =	vshll.u32 v12, $0x4  }
0x1b6: {  	[tilespmem:v19+s24+$0x0] =	vst.idx.add.f32.msk $0xffff, v15;
	v15 =	vtrunc.f32 v16;
	v16 =	vmul.f32 $6.666667010e-02, v27  }
0x1b7: {  	v25 =	vshll.u32 v25, $0x4;
	v20 =	vcvt.s32.f32 v12;
	v19 =	vcvt.s32.f32 v26;
	v27 =	vld [tilespmem:s31+$0x30]  }
0x1b8: {  	v28 =	vcvt.f32.s32 v17;
	v29 =	vcvt.f32.s32 v15;
	v30 =	vld [tilespmem:s30+$0x30];
	vm0 =	vle.f32 v13, v16  }
0x1b9: {  	v12 =	vcvt.f32.s32 v22;
	v16 =	vcvt.s32.f32 v11;
	v15 =	vld [tilespmem:s31+$0xFFFFFFE0];
	v22 =	vsel vm0, v1, v4  }
0x1ba: {  	v31 =	vmul.f32 $6.666667010e-02, v19;
	v32 =	vcvt.s32.f32 v29;
	v17 =	vld [tilespmem:s30+$0xFFFFFFE0];
	v33 =	vadd.s32 v25, v22  }
0x1bb: {  	v20 =	vmul.f32 $6.666667010e-02, v20;
	v34 =	vcvt.s32.f32 v28;
	vm0 =	veq.s32 v21, v18;
	v19 =	vld [tilespmem:s31+$0x0]  }
0x1bc: {  	vm1 =	veq.s32 v24, v23;
	v25 =	vmul.f32 $6.666667010e-02, v16;
	v24 =	vmul.f32 $6.666667010e-02, v32;
	v22 =	vld [tilespmem:s30+$0x0]  }
0x1bd: {  	vm2 =	vle.f32 v10, v20;
	vm3 =	vle.f32 v9, v31;
	v18 =	vld [tilespmem:s31+$0x10]  }
.Ltmp3:
0x1be: {  	v23 =	vshll.u32 v28, $0x4;
	v16 =	vmul.f32 $6.666667010e-02, v34;
	vm4 =	veq.s32 v30, v27;
	v21 =	vld [tilespmem:s30+$0x10];
	(pc) =	sbr.rel @p0 .LBB2_8-.Ltmp3, $4  }
0x1bf: {  	v20 =	vcvt.s32.f32 v12;
	vm5 =	vle.f32 v8, v24;
	v27 =	vsel vm4, $0x2001, v3;
	v24 =	vld [tilespmem:s31+$0x20]  }
0x1c0: {  	v28 =	vshll.u32 v26, $0x4;
	vm4 =	vle.f32 v6, v16;
	v16 =	vsel vm3, v1, v4;
	[tilespmem:v33+s23+$0x0] =	vst.idx.add.s32.msk $0xffff, v27  }
0x1c1: {  	v29 =	vshll.u32 v29, $0x4;
	v30 =	vsel vm5, v1, v4;
	v26 =	vsel vm4, v1, v4;
	[tilespmem:v33+s24+$0x0] =	vst.idx.add.f32.msk $0xffff, v13  }
0x1c2: {  	s0 =	sadd.s32 $0x80, s0;
	v16 =	vadd.s32 v28, v16;
	v27 =	vmul.f32 $6.666667010e-02, v20;
	v20 =	vadd.s32 v29, v30;
	v13 =	vld [tilespmem:s30+$0x20]  }
0x1c3: {  	_ =	sdelay $0x1  }
0x1c4: {  	v28 =	vsel vm2, v1, v4;
	vm4 =	veq.s32 v22, v19  }
0x1c5: {  	vm15 =	veq.s32 v17, v15;
	v41 =	vadd.s32 v23, v26;
	v39 =	vsel vm4, $0x2001, v3  }
0x1c6: {  	v14 =	vadd.s32 v14, v28;
	v42 =	vsel vm15, $0x2001, v3;
	[tilespmem:v20+s23+$0x0] =	vst.idx.add.s32.msk $0xffff, v39  }
0x1c7: {  	vm12 =	vle.f32 v7, v25;
	[tilespmem:v16+s23+$0x0] =	vst.idx.add.s32.msk $0xffff, v42  }
0x1c8: {  	v11 =	vshll.u32 v11, $0x4;
	v25 =	vsel vm12, v1, v4;
	vm3 =	vle.f32 v5, v27;
	[tilespmem:v20+s24+$0x0] =	vst.idx.add.f32.msk $0xffff, v8  }
0x1c9: {  	v43 =	vsel vm1, $0x2001, v3;
	v11 =	vadd.s32 v11, v25;
	[tilespmem:v16+s24+$0x0] =	vst.idx.add.f32.msk $0xffff, v9;
	vm13 =	veq.s32 v13, v24  }
0x1ca: {  	v12 =	vshll.u32 v12, $0x4;
	v38 =	vsel vm3, v1, v4;
	v13 =	vsel vm13, $0x2001, v3;
	[tilespmem:v41+s23+$0x0] =	vst.idx.add.s32.msk $0xffff, v43  }
0x1cb: {  	v40 =	vadd.s32 v12, v38;
	[tilespmem:v14+s23+$0x0] =	vst.idx.add.s32.msk $0xffff, v13  }
0x1cc: {  	vm14 =	veq.s32 v21, v18;
	[tilespmem:v41+s24+$0x0] =	vst.idx.add.f32.msk $0xffff, v6  }
0x1cd: {  	v37 =	vsel vm14, $0x2001, v3;
	[tilespmem:v14+s24+$0x0] =	vst.idx.add.f32.msk $0xffff, v10  }
0x1ce: {  	[tilespmem:v11+s23+$0x0] =	vst.idx.add.s32.msk $0xffff, v37  }
0x1cf: {  	[tilespmem:v11+s24+$0x0] =	vst.idx.add.f32.msk $0xffff, v7;
	v7 =	vsel vm0, $0x2001, v3  }
0x1d0: {  	[tilespmem:v40+s23+$0x0] =	vst.idx.add.s32.msk $0xffff, v7  }
0x1d1: {  	[tilespmem:v40+s24+$0x0] =	vst.idx.add.f32.msk $0xffff, v5  }
0x1d2: {  	v5 =	vld [tilespmem:$0xF010]  }
0x1d3: {  	v6 =	vld [tilespmem:$0xF020]  }
0x1d4: {  	v7 =	vld [tilespmem:$0xF190]  }
0x1d5: {  	v10 =	vld [tilespmem:$0xF1A0];
	_ =	sdelay $0x1  }
0x1d6: {  	v9 =	vld [tilespmem:$0xF030]  }
0x1d7: {  	v48 =	vld [tilespmem:$0xF1C0];
	v44 =	vand.u32 $0x1FFF, v5;
	v5 =	vshra.s32 v5, $0xD  }
0x1d8: {  	v45 =	vand.u32 $0x1FFF, v6;
	[tilespmem:$0xFA80] =	vst v7;
	v5 =	vcvt.s32.f32 v5  }
0x1d9: {  	v46 =	vld [tilespmem:$0xF040];
	[tilespmem:$0xFB00] =	vst v10;
	v7 =	vcvt.s32.f32 v45  }
0x1da: {  	[tilespmem:$0x10200] =	vst v5;
	v5 =	vshra.s32 v6, $0xD;
	v6 =	vld [tilespmem:$0xF1B0]  }
0x1db: {  	[tilespmem:$0xF380] =	vst v7;
	v7 =	vand.u32 $0x1FFF, v9;
	v5 =	vcvt.s32.f32 v5  }
0x1dc: {  	v47 =	vld [tilespmem:$0xF050];
	[tilespmem:$0xFC00] =	vst v48;
	v7 =	vcvt.s32.f32 v7  }
0x1dd: {  	v49 =	vld [tilespmem:$0xF1D0];
	[tilespmem:$0x10280] =	vst v5;
	v5 =	vshra.s32 v9, $0xD  }
0x1de: {  	[tilespmem:$0xF400] =	vst v7;
	v7 =	vand.u32 $0x1FFF, v46;
	v5 =	vcvt.s32.f32 v5  }
0x1df: {  	[tilespmem:$0xFB80] =	vst v6;
	v6 =	vcvt.s32.f32 v7;
	v7 =	vld [tilespmem:$0xF060]  }
0x1e0: {  	v51 =	vld [tilespmem:$0xF1E0];
	[tilespmem:$0x10300] =	vst v5;
	v5 =	vshra.s32 v46, $0xD  }
0x1e1: {  	[tilespmem:$0xF480] =	vst v6;
	v5 =	vcvt.s32.f32 v5;
	v6 =	vand.u32 $0x1FFF, v47  }
0x1e2: {  	v50 =	vld [tilespmem:$0xF070];
	[tilespmem:$0xFC80] =	vst v49;
	v6 =	vcvt.s32.f32 v6  }
0x1e3: {  	v54 =	vld [tilespmem:$0xF200];
	[tilespmem:$0x10380] =	vst v5;
	v5 =	vshra.s32 v47, $0xD  }
0x1e4: {  	[tilespmem:$0xF500] =	vst v6;
	v5 =	vcvt.s32.f32 v5;
	v6 =	vand.u32 $0x1FFF, v7  }
0x1e5: {  	v52 =	vld [tilespmem:$0xF080];
	[tilespmem:$0xFD00] =	vst v51;
	v6 =	vcvt.s32.f32 v6  }
0x1e6: {  	[tilespmem:$0x10400] =	vst v5;
	v5 =	vshra.s32 v7, $0xD;
	v7 =	vld [tilespmem:$0xF1F0]  }
0x1e7: {  	[tilespmem:$0xF580] =	vst v6;
	v5 =	vcvt.s32.f32 v5;
	v6 =	vand.u32 $0x1FFF, v50  }
0x1e8: {  	v53 =	vld [tilespmem:$0xF090];
	[tilespmem:$0xFE00] =	vst v54;
	v6 =	vcvt.s32.f32 v6  }
0x1e9: {  	v55 =	vld [tilespmem:$0xF210];
	[tilespmem:$0x10480] =	vst v5;
	v5 =	vshra.s32 v50, $0xD  }
0x1ea: {  	[tilespmem:$0xF600] =	vst v6;
	v5 =	vcvt.s32.f32 v5;
	v6 =	vand.u32 $0x1FFF, v52  }
0x1eb: {  	[tilespmem:$0xFD80] =	vst v7;
	v6 =	vcvt.s32.f32 v6;
	v7 =	vld [tilespmem:$0xF0A0]  }
0x1ec: {  	v57 =	vld [tilespmem:$0xF220];
	[tilespmem:$0x10500] =	vst v5;
	v5 =	vshra.s32 v52, $0xD  }
0x1ed: {  	[tilespmem:$0xF680] =	vst v6;
	v5 =	vcvt.s32.f32 v5;
	v6 =	vand.u32 $0x1FFF, v53  }
0x1ee: {  	v56 =	vld [tilespmem:$0xF0B0];
	[tilespmem:$0xFE80] =	vst v55;
	v6 =	vcvt.s32.f32 v6  }
0x1ef: {  	v60 =	vld [tilespmem:$0xF240];
	[tilespmem:$0x10580] =	vst v5;
	v5 =	vshra.s32 v53, $0xD  }
0x1f0: {  	[tilespmem:$0xF700] =	vst v6;
	v5 =	vcvt.s32.f32 v5;
	v6 =	vand.u32 $0x1FFF, v7  }
0x1f1: {  	v58 =	vld [tilespmem:$0xF0C0];
	[tilespmem:$0xFF00] =	vst v57;
	v6 =	vcvt.s32.f32 v6  }
0x1f2: {  	[tilespmem:$0x10600] =	vst v5;
	v5 =	vshra.s32 v7, $0xD;
	v7 =	vld [tilespmem:$0xF230]  }
0x1f3: {  	[tilespmem:$0xF780] =	vst v6;
	v5 =	vcvt.s32.f32 v5;
	v6 =	vand.u32 $0x1FFF, v56  }
0x1f4: {  	v59 =	vld [tilespmem:$0xF0D0];
	[tilespmem:$0x10000] =	vst v60;
	v6 =	vcvt.s32.f32 v6  }
0x1f5: {  	v61 =	vld [tilespmem:$0xF250];
	[tilespmem:$0x10680] =	vst v5;
	v5 =	vshra.s32 v56, $0xD  }
0x1f6: {  	[tilespmem:$0xF800] =	vst v6;
	v5 =	vcvt.s32.f32 v5;
	v6 =	vand.u32 $0x1FFF, v58  }
0x1f7: {  	[tilespmem:$0xFF80] =	vst v7;
	v6 =	vcvt.s32.f32 v6;
	v7 =	vld [tilespmem:$0xF0E0]  }
0x1f8: {  	v63 =	vld [tilespmem:$0xF260];
	[tilespmem:$0x10700] =	vst v5;
	v5 =	vshra.s32 v58, $0xD  }
0x1f9: {  	[tilespmem:$0xF880] =	vst v6;
	v5 =	vcvt.s32.f32 v5;
	v6 =	vand.u32 $0x1FFF, v59  }
0x1fa: {  	v62 =	vld [tilespmem:$0xF0F0];
	[tilespmem:$0x10080] =	vst v61;
	v6 =	vcvt.s32.f32 v6  }
0x1fb: {  	[tilespmem:$0x10780] =	vst v5;
	v5 =	vshra.s32 v59, $0xD  }
0x1fc: {  	[tilespmem:$0xF900] =	vst v6;
	v5 =	vcvt.s32.f32 v5;
	v6 =	vand.u32 $0x1FFF, v7  }
0x1fd: {  	[tilespmem:$0x10100] =	vst v63;
	v6 =	vcvt.s32.f32 v6  }
0x1fe: {  	v8 =	vcvt.s32.f32 v44;
	[tilespmem:$0x10800] =	vst v5;
	v5 =	vshra.s32 v7, $0xD;
	v7 =	vld [tilespmem:$0xF270]  }
0x1ff: {  	[tilespmem:$0xF980] =	vst v6;
	v5 =	vcvt.s32.f32 v5;
	v6 =	vand.u32 $0x1FFF, v62  }
0x200: {  	[tilespmem:$0xF300] =	vst v8;
	v6 =	vcvt.s32.f32 v6  }
0x201: {  	[tilespmem:$0x10880] =	vst v5;
	v5 =	vshra.s32 v62, $0xD  }
0x202: {  	s29 =	sadd.s32 $0x1, s29;
	[tilespmem:$0xFA00] =	vst v6;
	v5 =	vcvt.s32.f32 v5  }
0x203: {  	p0 =	sne.s32 s29, s16;
	[tilespmem:$0x10180] =	vst v7  }
.Ltmp4:
0x204: {  	[tilespmem:$0x10900] =	vst v5;
	(pc) =	sbr.rel @p0 .LBB2_1-.Ltmp4, $4  }
0x205: {  	[hbm4b:s15+s2] =	stream.linear.scatter [tilespmem:s26], [sflag:$0x3], $0x1680, $0x38;
	[tilespmem:$0x10B00] =	vst v63  }
0x206: {  	_ =	swait.ge [sflag:s28], $0x1680  }
0x207: {  	[sflag:s28] =	ssyncset.done $0x0  }
0x208: {  	[sflag:s28] =	ssyncadd.s32 $0xFFFFE980  }
0x209: {  	_ =	sfence.sel $0x180000  }
0x20a: {  	[bflag:$0x0] =	sbarrier.arrive $0xFFFF  }
0x20b: {  	_ =	strace $0x90000047  }
0x20c: {  	s0 =	stileid.u32;
	[bflag:$0x2] =	sbarrier.arrive $0xFFFF  }
0x20d: {  	p0 =	sne.s32 s0, $0x0;
	s0 =	rddreg [dreg:$0x4]  }
0x20e: {  	s0 =	sadd.s32 @!p0 $0x100000, s0  }
0x20f: {  	[sflag:s0] =	ssyncadd.tile.s32 @!p0 $0x1;
	_ =	shalt  }
.Lfunc_end2:
_tile_overlayer_lowered:
.L_overlay_start_2:
0x210: {  	(tag) =	ssettag $0x2  }
0x211: {  	s0 =	rddreg [dreg:$0x0];
	s2 =	stileid.u32  }
0x212: {  	s1 =	rddreg [dreg:$0x1];
	p0 =	sne.s32 s2, $0x0  }
0x213: {  	s3 =	rddreg [dreg:$0x2];
	[bflag:$0x3] =	sbarrier.arrive $0xFFFF;
	s2 =	simm.s32 @!p0 $0x1C03  }
0x214: {  	[timem:s3], [sflag:s2] =	dma.local @!p0 [hbm:s0], s1  }
0x215: {  	s0 =	simm.s32 @!p0 $0x3  }
0x216: {  	_ =	swait.ge @!p0 [sflag:s0], s1  }
0x217: {  	s1 =	ssub.s32 @!p0 $0x0, s1;
	[sflag:s0] =	ssyncset.done @!p0 $0x0  }
0x218: {  	[sflag:s0] =	ssyncadd.s32 @!p0 s1  }
0x219: {  	[bflag:$0x3] =	sbarrier.arrive $0xFFFF  }
0x21a: {  	_ =	shalt  }

</sc_bundles>
